<compile_context>
chip_gen: v7x
topology: tpu7x:2x2x1
jax: 0.10.2.dev20260603
libtpu: 0.0.44.dev20260713+nightly
codegen_flags: <defaults>
</compile_context>

<pallas_src>
import functools

import jax
import jax.numpy as jnp
from jax import lax
from jax.experimental import pallas as pl
from jax.experimental.pallas import tpu as pltpu
from jax.experimental.pallas import tpu_sc as plsc

VOCAB = 65
NEMB = 32
T = 8
BATCH = 16384
ROWS = BATCH * T
NW = 32
RPW = ROWS // NW
CH = 128
NCH = RPW // CH


def _table_body(tok_ref, pos_ref, w_ref, b_ref, tab_ref):
    x = tok_ref[...] + pos_ref[...]
    tab = jnp.dot(x, w_ref[...], preferred_element_type=jnp.float32) + b_ref[...]
    lane = lax.broadcasted_iota(jnp.int32, tab.shape, 1)
    valid = lane < VOCAB
    neg = jnp.full_like(tab, -jnp.inf)
    m = jnp.max(jnp.where(valid, tab, neg), axis=1, keepdims=True)
    s = jnp.sum(jnp.where(valid, jnp.exp(tab - m), 0.0), axis=1, keepdims=True)
    lse = m + jnp.log(s)
    tab_ref[...] = jnp.where(lane == VOCAB, lse, tab)


_sc_mesh = plsc.VectorSubcoreMesh(core_axis_name="c", subcore_axis_name="s")


@functools.partial(
    pl.kernel,
    out_type=(
        jax.ShapeDtypeStruct((ROWS, VOCAB), jnp.float32),
        jax.ShapeDtypeStruct((NW, 16), jnp.float32),
    ),
    mesh=_sc_mesh,
    compiler_params=pltpu.CompilerParams(
        needs_layout_passes=False, use_tc_tiling_on_sc=True),
    scratch_types=[
        pltpu.VMEM((VOCAB * T, 128), jnp.float32),
        pltpu.VMEM((RPW,), jnp.int32),
        pltpu.VMEM((RPW,), jnp.int32),
        pltpu.VMEM((RPW,), jnp.int32),
        pltpu.VMEM((CH, VOCAB), jnp.float32),
        pltpu.VMEM((CH, VOCAB), jnp.float32),
        pltpu.VMEM((16,), jnp.float32),
        pltpu.SemaphoreType.DMA,
        pltpu.SemaphoreType.DMA,
    ],
)
def _sc_gather(tab_hbm, idx_hbm, tgt_hbm, out_hbm, part_hbm,
               tab_v, idx_v, tgt_v, cidx_v, comp_a, comp_b,
               acc_v, wsem_a, wsem_b):
    wid = lax.axis_index("s") * 2 + lax.axis_index("c")
    base = wid * RPW
    pltpu.sync_copy(tab_hbm, tab_v)
    pltpu.sync_copy(idx_hbm.at[pl.ds(base, RPW)], idx_v)
    pltpu.sync_copy(tgt_hbm.at[pl.ds(base, RPW)], tgt_v)
    tpat = lax.iota(jnp.int32, 16) & (T - 1)

    def idx_body(c, carry):
        for j in range(CH // 16):
            off = c * CH + j * 16
            iv = idx_v[pl.ds(off, 16)]
            cidx_v[pl.ds(off, 16)] = iv * T + tpat
        return carry

    lax.fori_loop(0, NCH, idx_body, 0)

    col64 = jnp.full((16,), VOCAB - 1, jnp.int32)
    col_lse = jnp.full((16,), VOCAB, jnp.int32)
    lane16 = lax.iota(jnp.int32, 16)

    def _pack(c, comp_v, acc):
        def pack_rows(j, carry2):
            rowvec = cidx_v[pl.ds(c * CH + j * 16, 16)]
            prev = None
            for u in range(0, 16, 2):
                row0 = rowvec[u]
                row1 = rowvec[u + 1]
                cur = ([tab_v[row0, pl.ds(k * 16, 16)] for k in range(4)]
                       + [tab_v[row1, pl.ds(k * 16, 16)] for k in range(4)])
                if prev is not None:
                    r = j * 16 + u - 2
                    for k in range(4):
                        comp_v[r, pl.ds(k * 16, 16)] = prev[k]
                        comp_v[r + 1, pl.ds(k * 16, 16)] = prev[4 + k]
                prev = cur
            r = j * 16 + 14
            for k in range(4):
                comp_v[r, pl.ds(k * 16, 16)] = prev[k]
                comp_v[r + 1, pl.ds(k * 16, 16)] = prev[4 + k]
            return carry2

        lax.fori_loop(0, CH // 16, pack_rows, 0)
        for j in range(CH // 16):
            rows = lane16 + j * 16
            cv = cidx_v[pl.ds(c * CH + j * 16, 16)]
            vals = plsc.load_gather(tab_v, [cv, col64])
            plsc.store_scatter(comp_v, [rows, col64], vals)
            tv = tgt_v[pl.ds(c * CH + j * 16, 16)]
            lse = plsc.load_gather(tab_v, [cv, col_lse])
            hit = plsc.load_gather(tab_v, [cv, tv])
            acc = acc + (lse - hit)
        return acc

    def _wr(c, comp_v, wsem):
        return pltpu.make_async_copy(
            comp_v, out_hbm.at[pl.ds(base + c * CH, CH)], wsem)

    def dma_body(i, acc):
        c0 = 2 * i
        c1 = 2 * i + 1

        @pl.when(i > 0)
        def _():
            _wr(c0 - 2, comp_a, wsem_a).wait()

        acc = _pack(c0, comp_a, acc)
        _wr(c0, comp_a, wsem_a).start()

        @pl.when(i > 0)
        def _():
            _wr(c1 - 2, comp_b, wsem_b).wait()

        acc = _pack(c1, comp_b, acc)
        _wr(c1, comp_b, wsem_b).start()
        return acc

    acc = lax.fori_loop(0, NCH // 2, dma_body, jnp.zeros((16,), jnp.float32))
    acc_v[...] = acc
    pltpu.sync_copy(acc_v, part_hbm.at[wid])
    _wr(NCH - 2, comp_a, wsem_a).wait()
    _wr(NCH - 1, comp_b, wsem_b).wait()


def kernel(idx, targets, tok_emb, pos_emb, W, b):
    assert idx.shape == (BATCH, T) and tok_emb.shape == (VOCAB, NEMB)
    tok_rep = jnp.repeat(tok_emb, T, axis=0)
    pos_tile = jnp.tile(pos_emb, (VOCAB, 1))
    w_pad = jnp.pad(W, ((0, 0), (0, 128 - VOCAB)))
    b_pad = jnp.pad(b, (0, 128 - VOCAB)).reshape(1, 128)
    tab = pl.pallas_call(
        _table_body,
        out_shape=jax.ShapeDtypeStruct((VOCAB * T, 128), jnp.float32),
    )(tok_rep, pos_tile, w_pad, b_pad)
    logits2, parts = _sc_gather(tab, idx.reshape(-1), targets.reshape(-1))
    loss = jnp.sum(parts) * (1.0 / ROWS)
    return (logits2, loss)

# --- scband reference (transcript-rebuilt; emitter-appended) ---
"""Pipeline reference for scband-bigram-language-model-57999238365757 (READ-ONLY COPY).

The authoritative reference and input builder live on the scoring server;
editing this copy changes nothing except your own understanding.
"""

import jax, jax.numpy as jnp
import numpy as np

VOCAB = 65
N_EMB = 32
BLOCK = 8
B = 16384
T = 8


def setup_inputs(seed: int = 0) -> dict:
    key = jax.random.key(seed)
    k1, k2, k3, k4, k5 = jax.random.split(key, 5)
    idx = jax.random.randint(k1, (B, T), 0, VOCAB)
    targets = jax.random.randint(k2, (B, T), 0, VOCAB)
    tok_emb = jax.random.normal(k3, (VOCAB, N_EMB), dtype=jnp.float32)
    pos_emb = jax.random.normal(k4, (BLOCK, N_EMB), dtype=jnp.float32)
    W = jax.random.normal(k5, (N_EMB, VOCAB), dtype=jnp.float32) / np.sqrt(N_EMB)
    b = jnp.zeros((VOCAB,), dtype=jnp.float32)
    return {"idx": idx, "targets": targets, "tok_emb": tok_emb, "pos_emb": pos_emb, "W": W, "b": b}


def reference(idx, targets, tok_emb, pos_emb, W, b):
    batch, time = idx.shape
    # token embedding lookup: (B, T, C)
    token_embeddings = jnp.take(tok_emb, idx, axis=0)
    # position embedding lookup: (T, C)
    position_embeddings = jnp.take(pos_emb, jnp.arange(time), axis=0)
    x = token_embeddings + position_embeddings
    # linear head -> logits (B, T, vocab)
    logits = x @ W + b
    bb, tt, cc = logits.shape
    logits2 = logits.reshape(bb * tt, cc)
    tflat = targets.reshape(bb * tt)
    logp = jax.nn.log_softmax(logits2, axis=-1)
    nll = -jnp.take_along_axis(logp, tflat[:, None], axis=1)[:, 0]
    loss = jnp.mean(nll)
    return (logits2, loss)

if __name__ == "__main__":
    import jax
    _d = setup_inputs()
    print(jax.jit(kernel)(*tuple(_d.values())))

</pallas_src>

<mosaic_0001>
#map = affine_map<(d0, d1) -> (0, 0)>
#map1 = affine_map<(d0, d1) -> (0)>
module attributes {stable_mosaic.version = 14 : i64} {
  func.func @_sc_gather(%arg0: i32, %arg1: i32, %arg2: memref<520x128xf32, #tpu.memory_space<hbm>>, %arg3: memref<131072xi32, #tpu.memory_space<hbm>>, %arg4: memref<131072xi32, #tpu.memory_space<hbm>>, %arg5: memref<131072x65xf32, #tpu.memory_space<hbm>>, %arg6: memref<32x16xf32, #tpu.memory_space<hbm>>, %arg7: memref<520x128xf32, #tpu.memory_space<vmem>>, %arg8: memref<4096xi32, #tpu.memory_space<vmem>>, %arg9: memref<4096xi32, #tpu.memory_space<vmem>>, %arg10: memref<4096xi32, #tpu.memory_space<vmem>>, %arg11: memref<128x65xf32, #tpu.memory_space<vmem>>, %arg12: memref<128x65xf32, #tpu.memory_space<vmem>>, %arg13: memref<16xf32, #tpu.memory_space<vmem>>, %arg14: memref<!tpu.dma_semaphore, #tpu.memory_space<semaphore_mem>>, %arg15: memref<!tpu.dma_semaphore, #tpu.memory_space<semaphore_mem>>) attributes {dimension_semantics = [#tpu.dimension_semantics<core_parallel>, #tpu.dimension_semantics<subcore_parallel>], iteration_bounds = array<i64: 2, 16>, scalar_prefetch = 0 : i64, scratch_operands = 9 : i64, tpu.core_type = #tpu.core_type<sc_vector_subcore>, window_params = [{transform_indices = #map}, {transform_indices = #map1}, {transform_indices = #map1}, {transform_indices = #map}, {transform_indices = #map}]} {
    %mul3A = arith.constant 2 : i32
    %mul3A_0 = arith.muli %arg1, %mul3A : i32
    %add3A = arith.addi %mul3A_0, %arg0 : i32
    %mul3A_1 = arith.constant 4096 : i32
    %mul3A_2 = arith.muli %add3A, %mul3A_1 : i32
    "tpu.region"() ({
      %run_scoped3A = tpu.sem_alloc : memref<!tpu.dma_semaphore, #tpu.memory_space<semaphore_mem>>
      tpu.enqueue_dma source(%arg2 : memref<520x128xf32, #tpu.memory_space<hbm>>) target(%arg7 : memref<520x128xf32, #tpu.memory_space<vmem>>) target_semaphore(%run_scoped3A : memref<!tpu.dma_semaphore, #tpu.memory_space<semaphore_mem>>)
      tpu.wait_dma2 semaphore(%run_scoped3A : memref<!tpu.dma_semaphore, #tpu.memory_space<semaphore_mem>>) src(%arg2 : memref<520x128xf32, #tpu.memory_space<hbm>>) dst(%arg7 : memref<520x128xf32, #tpu.memory_space<vmem>>)
      tpu.yield
    }) : () -> ()
    "tpu.region"() ({
      %run_scoped3A = tpu.sem_alloc : memref<!tpu.dma_semaphore, #tpu.memory_space<semaphore_mem>>
      %dma_start3A = tpu.memref_slice %arg3[%mul3A_2] : memref<131072xi32, #tpu.memory_space<hbm>> -> memref<4096xi32, #tpu.memory_space<hbm>>
      %dma_start3A_34 = tpu.memref_slice %arg3[%mul3A_2] : memref<131072xi32, #tpu.memory_space<hbm>> -> memref<4096xi32, #tpu.memory_space<hbm>>
      tpu.enqueue_dma source(%dma_start3A_34 : memref<4096xi32, #tpu.memory_space<hbm>>) target(%arg8 : memref<4096xi32, #tpu.memory_space<vmem>>) target_semaphore(%run_scoped3A : memref<!tpu.dma_semaphore, #tpu.memory_space<semaphore_mem>>)
      %dma_wait3A_35 = tpu.memref_slice %arg3[%mul3A_2] : memref<131072xi32, #tpu.memory_space<hbm>> -> memref<4096xi32, #tpu.memory_space<hbm>>
      %dma_wait3A_36 = tpu.memref_slice %arg3[%mul3A_2] : memref<131072xi32, #tpu.memory_space<hbm>> -> memref<4096xi32, #tpu.memory_space<hbm>>
      tpu.wait_dma2 semaphore(%run_scoped3A : memref<!tpu.dma_semaphore, #tpu.memory_space<semaphore_mem>>) src(%dma_wait3A_36 : memref<4096xi32, #tpu.memory_space<hbm>>) dst(%arg8 : memref<4096xi32, #tpu.memory_space<vmem>>)
      tpu.yield
    }) : () -> ()
    "tpu.region"() ({
      %run_scoped3A = tpu.sem_alloc : memref<!tpu.dma_semaphore, #tpu.memory_space<semaphore_mem>>
      %dma_start3A = tpu.memref_slice %arg4[%mul3A_2] : memref<131072xi32, #tpu.memory_space<hbm>> -> memref<4096xi32, #tpu.memory_space<hbm>>
      %dma_start3A_34 = tpu.memref_slice %arg4[%mul3A_2] : memref<131072xi32, #tpu.memory_space<hbm>> -> memref<4096xi32, #tpu.memory_space<hbm>>
      tpu.enqueue_dma source(%dma_start3A_34 : memref<4096xi32, #tpu.memory_space<hbm>>) target(%arg9 : memref<4096xi32, #tpu.memory_space<vmem>>) target_semaphore(%run_scoped3A : memref<!tpu.dma_semaphore, #tpu.memory_space<semaphore_mem>>)
      %dma_wait3A_35 = tpu.memref_slice %arg4[%mul3A_2] : memref<131072xi32, #tpu.memory_space<hbm>> -> memref<4096xi32, #tpu.memory_space<hbm>>
      %dma_wait3A_36 = tpu.memref_slice %arg4[%mul3A_2] : memref<131072xi32, #tpu.memory_space<hbm>> -> memref<4096xi32, #tpu.memory_space<hbm>>
      tpu.wait_dma2 semaphore(%run_scoped3A : memref<!tpu.dma_semaphore, #tpu.memory_space<semaphore_mem>>) src(%dma_wait3A_36 : memref<4096xi32, #tpu.memory_space<hbm>>) dst(%arg9 : memref<4096xi32, #tpu.memory_space<vmem>>)
      tpu.yield
    }) : () -> ()
    %iota3A = tpu.iota {dimensions = array<i32: 0>} : vector<16xi32>
    %and3A = arith.constant 7 : i32
    %and3A_3 = vector.broadcast %and3A : i32 to vector<16xi32>
    %and3A_4 = arith.andi %iota3A, %and3A_3 : vector<16xi32>
    %scan3A = arith.constant 0 : i32
    %scan3A_5 = arith.constant 0 : i32
    %scan3A_6 = arith.constant 32 : i32
    %scan3A_7 = arith.addi %scan3A_5, %scan3A_6 : i32
    %scan3A_8 = arith.constant 1 : i32
    scf.for %scan3A_34 = %scan3A_5 to %scan3A_7 step %scan3A_8  : i32 {
      %mul3A_35 = arith.constant 128 : i32
      %mul3A_36 = arith.muli %scan3A_34, %mul3A_35 : i32
      %add3A_37 = arith.constant 0 : i32
      %add3A_38 = arith.addi %mul3A_36, %add3A_37 : i32
      %get3A = arith.index_cast %add3A_38 : i32 to index
      %get3A_39 = tpu.vector_load %arg8[%get3A] {strides = array<i32>} : memref<4096xi32, #tpu.memory_space<vmem>>, vector<16xi32>,
      %mul3A_40 = arith.constant 8 : i32
      %mul3A_41 = vector.broadcast %mul3A_40 : i32 to vector<16xi32>
      %mul3A_42 = arith.muli %get3A_39, %mul3A_41 : vector<16xi32>
      %add3A_43 = arith.addi %mul3A_42, %and3A_4 : vector<16xi32>
      %swap3A_44 = arith.index_cast %add3A_38 : i32 to index
      %swap3A_45 = tpu.vector_load %arg10[%swap3A_44] {strides = array<i32>} : memref<4096xi32, #tpu.memory_space<vmem>>, vector<16xi32>,
      tpu.vector_store %arg10[%swap3A_44], %add3A_43 {strides = array<i32>} : memref<4096xi32, #tpu.memory_space<vmem>>, vector<16xi32>,
      %mul3A_46 = arith.constant 128 : i32
      %mul3A_47 = arith.muli %scan3A_34, %mul3A_46 : i32
      %add3A_48 = arith.constant 16 : i32
      %add3A_49 = arith.addi %mul3A_47, %add3A_48 : i32
      %get3A_50 = arith.index_cast %add3A_49 : i32 to index
      %get3A_51 = tpu.vector_load %arg8[%get3A_50] {strides = array<i32>} : memref<4096xi32, #tpu.memory_space<vmem>>, vector<16xi32>,
      %mul3A_52 = arith.constant 8 : i32
      %mul3A_53 = vector.broadcast %mul3A_52 : i32 to vector<16xi32>
      %mul3A_54 = arith.muli %get3A_51, %mul3A_53 : vector<16xi32>
      %add3A_55 = arith.addi %mul3A_54, %and3A_4 : vector<16xi32>
      %swap3A_56 = arith.index_cast %add3A_49 : i32 to index
      %swap3A_57 = tpu.vector_load %arg10[%swap3A_56] {strides = array<i32>} : memref<4096xi32, #tpu.memory_space<vmem>>, vector<16xi32>,
      tpu.vector_store %arg10[%swap3A_56], %add3A_55 {strides = array<i32>} : memref<4096xi32, #tpu.memory_space<vmem>>, vector<16xi32>,
      %mul3A_58 = arith.constant 128 : i32
      %mul3A_59 = arith.muli %scan3A_34, %mul3A_58 : i32
      %add3A_60 = arith.constant 32 : i32
      %add3A_61 = arith.addi %mul3A_59, %add3A_60 : i32
      %get3A_62 = arith.index_cast %add3A_61 : i32 to index
      %get3A_63 = tpu.vector_load %arg8[%get3A_62] {strides = array<i32>} : memref<4096xi32, #tpu.memory_space<vmem>>, vector<16xi32>,
      %mul3A_64 = arith.constant 8 : i32
      %mul3A_65 = vector.broadcast %mul3A_64 : i32 to vector<16xi32>
      %mul3A_66 = arith.muli %get3A_63, %mul3A_65 : vector<16xi32>
      %add3A_67 = arith.addi %mul3A_66, %and3A_4 : vector<16xi32>
      %swap3A_68 = arith.index_cast %add3A_61 : i32 to index
      %swap3A_69 = tpu.vector_load %arg10[%swap3A_68] {strides = array<i32>} : memref<4096xi32, #tpu.memory_space<vmem>>, vector<16xi32>,
      tpu.vector_store %arg10[%swap3A_68], %add3A_67 {strides = array<i32>} : memref<4096xi32, #tpu.memory_space<vmem>>, vector<16xi32>,
      %mul3A_70 = arith.constant 128 : i32
      %mul3A_71 = arith.muli %scan3A_34, %mul3A_70 : i32
      %add3A_72 = arith.constant 48 : i32
      %add3A_73 = arith.addi %mul3A_71, %add3A_72 : i32
      %get3A_74 = arith.index_cast %add3A_73 : i32 to index
      %get3A_75 = tpu.vector_load %arg8[%get3A_74] {strides = array<i32>} : memref<4096xi32, #tpu.memory_space<vmem>>, vector<16xi32>,
      %mul3A_76 = arith.constant 8 : i32
      %mul3A_77 = vector.broadcast %mul3A_76 : i32 to vector<16xi32>
      %mul3A_78 = arith.muli %get3A_75, %mul3A_77 : vector<16xi32>
      %add3A_79 = arith.addi %mul3A_78, %and3A_4 : vector<16xi32>
      %swap3A_80 = arith.index_cast %add3A_73 : i32 to index
      %swap3A_81 = tpu.vector_load %arg10[%swap3A_80] {strides = array<i32>} : memref<4096xi32, #tpu.memory_space<vmem>>, vector<16xi32>,
      tpu.vector_store %arg10[%swap3A_80], %add3A_79 {strides = array<i32>} : memref<4096xi32, #tpu.memory_space<vmem>>, vector<16xi32>,
      %mul3A_82 = arith.constant 128 : i32
      %mul3A_83 = arith.muli %scan3A_34, %mul3A_82 : i32
      %add3A_84 = arith.constant 64 : i32
      %add3A_85 = arith.addi %mul3A_83, %add3A_84 : i32
      %get3A_86 = arith.index_cast %add3A_85 : i32 to index
      %get3A_87 = tpu.vector_load %arg8[%get3A_86] {strides = array<i32>} : memref<4096xi32, #tpu.memory_space<vmem>>, vector<16xi32>,
      %mul3A_88 = arith.constant 8 : i32
      %mul3A_89 = vector.broadcast %mul3A_88 : i32 to vector<16xi32>
      %mul3A_90 = arith.muli %get3A_87, %mul3A_89 : vector<16xi32>
      %add3A_91 = arith.addi %mul3A_90, %and3A_4 : vector<16xi32>
      %swap3A_92 = arith.index_cast %add3A_85 : i32 to index
      %swap3A_93 = tpu.vector_load %arg10[%swap3A_92] {strides = array<i32>} : memref<4096xi32, #tpu.memory_space<vmem>>, vector<16xi32>,
      tpu.vector_store %arg10[%swap3A_92], %add3A_91 {strides = array<i32>} : memref<4096xi32, #tpu.memory_space<vmem>>, vector<16xi32>,
      %mul3A_94 = arith.constant 128 : i32
      %mul3A_95 = arith.muli %scan3A_34, %mul3A_94 : i32
      %add3A_96 = arith.constant 80 : i32
      %add3A_97 = arith.addi %mul3A_95, %add3A_96 : i32
      %get3A_98 = arith.index_cast %add3A_97 : i32 to index
      %get3A_99 = tpu.vector_load %arg8[%get3A_98] {strides = array<i32>} : memref<4096xi32, #tpu.memory_space<vmem>>, vector<16xi32>,
      %mul3A_100 = arith.constant 8 : i32
      %mul3A_101 = vector.broadcast %mul3A_100 : i32 to vector<16xi32>
      %mul3A_102 = arith.muli %get3A_99, %mul3A_101 : vector<16xi32>
      %add3A_103 = arith.addi %mul3A_102, %and3A_4 : vector<16xi32>
      %swap3A_104 = arith.index_cast %add3A_97 : i32 to index
      %swap3A_105 = tpu.vector_load %arg10[%swap3A_104] {strides = array<i32>} : memref<4096xi32, #tpu.memory_space<vmem>>, vector<16xi32>,
      tpu.vector_store %arg10[%swap3A_104], %add3A_103 {strides = array<i32>} : memref<4096xi32, #tpu.memory_space<vmem>>, vector<16xi32>,
      %mul3A_106 = arith.constant 128 : i32
      %mul3A_107 = arith.muli %scan3A_34, %mul3A_106 : i32
      %add3A_108 = arith.constant 96 : i32
      %add3A_109 = arith.addi %mul3A_107, %add3A_108 : i32
      %get3A_110 = arith.index_cast %add3A_109 : i32 to index
      %get3A_111 = tpu.vector_load %arg8[%get3A_110] {strides = array<i32>} : memref<4096xi32, #tpu.memory_space<vmem>>, vector<16xi32>,
      %mul3A_112 = arith.constant 8 : i32
      %mul3A_113 = vector.broadcast %mul3A_112 : i32 to vector<16xi32>
      %mul3A_114 = arith.muli %get3A_111, %mul3A_113 : vector<16xi32>
      %add3A_115 = arith.addi %mul3A_114, %and3A_4 : vector<16xi32>
      %swap3A_116 = arith.index_cast %add3A_109 : i32 to index
      %swap3A_117 = tpu.vector_load %arg10[%swap3A_116] {strides = array<i32>} : memref<4096xi32, #tpu.memory_space<vmem>>, vector<16xi32>,
      tpu.vector_store %arg10[%swap3A_116], %add3A_115 {strides = array<i32>} : memref<4096xi32, #tpu.memory_space<vmem>>, vector<16xi32>,
      %mul3A_118 = arith.constant 128 : i32
      %mul3A_119 = arith.muli %scan3A_34, %mul3A_118 : i32
      %add3A_120 = arith.constant 112 : i32
      %add3A_121 = arith.addi %mul3A_119, %add3A_120 : i32
      %get3A_122 = arith.index_cast %add3A_121 : i32 to index
      %get3A_123 = tpu.vector_load %arg8[%get3A_122] {strides = array<i32>} : memref<4096xi32, #tpu.memory_space<vmem>>, vector<16xi32>,
      %mul3A_124 = arith.constant 8 : i32
      %mul3A_125 = vector.broadcast %mul3A_124 : i32 to vector<16xi32>
      %mul3A_126 = arith.muli %get3A_123, %mul3A_125 : vector<16xi32>
      %add3A_127 = arith.addi %mul3A_126, %and3A_4 : vector<16xi32>
      %swap3A_128 = arith.index_cast %add3A_121 : i32 to index
      %swap3A_129 = tpu.vector_load %arg10[%swap3A_128] {strides = array<i32>} : memref<4096xi32, #tpu.memory_space<vmem>>, vector<16xi32>,
      tpu.vector_store %arg10[%swap3A_128], %add3A_127 {strides = array<i32>} : memref<4096xi32, #tpu.memory_space<vmem>>, vector<16xi32>,
    }
    %scan3A_9 = arith.constant 32 : i32
    %broadcast_in_dim3A = arith.constant 64 : i32
    %broadcast_in_dim3A_10 = vector.broadcast %broadcast_in_dim3A : i32 to vector<16xi32>
    %broadcast_in_dim3A_11 = arith.constant 65 : i32
    %broadcast_in_dim3A_12 = vector.broadcast %broadcast_in_dim3A_11 : i32 to vector<16xi32>
    %iota3A_13 = tpu.iota {dimensions = array<i32: 0>} : vector<16xi32>
    %broadcast_in_dim3A_14 = arith.constant 0.000000e+00 : f32
    %broadcast_in_dim3A_15 = vector.broadcast %broadcast_in_dim3A_14 : f32 to vector<16xf32>
    %scan3A_16 = arith.constant 0 : i32
    %scan3A_17 = arith.constant 16 : i32
    %scan3A_18 = arith.addi %scan3A_16, %scan3A_17 : i32
    %scan3A_19 = arith.constant 1 : i32
    %scan3A_20 = scf.for %scan3A_34 = %scan3A_16 to %scan3A_18 step %scan3A_19 iter_args(%scan3A_35 = %broadcast_in_dim3A_15) -> (vector<16xf32>)  : i32 {
      %mul3A_36 = arith.constant 2 : i32
      %mul3A_37 = arith.muli %mul3A_36, %scan3A_34 : i32
      %mul3A_38 = arith.constant 2 : i32
      %mul3A_39 = arith.muli %mul3A_38, %scan3A_34 : i32
      %add3A_40 = arith.constant 1 : i32
      %add3A_41 = arith.addi %mul3A_39, %add3A_40 : i32
      %gt3A = arith.constant 0 : i32
      %gt3A_42 = arith.cmpi sgt, %scan3A_34, %gt3A : i32
      %convert_element_type3A = arith.extui %gt3A_42 : i1 to i32
      %cond3A = arith.constant 0 : i32
      %cond3A_43 = arith.cmpi ne, %convert_element_type3A, %cond3A : i32
      scf.if %cond3A_43 {
        %sub3A_391 = arith.constant 2 : i32
        %sub3A_392 = arith.subi %mul3A_37, %sub3A_391 : i32
        %mul3A_393 = arith.constant 128 : i32
        %mul3A_394 = arith.muli %sub3A_392, %mul3A_393 : i32
        %add3A_395 = arith.addi %mul3A_2, %mul3A_394 : i32
        %dma_wait3A_396 = arith.constant 0 : i32
        %dma_wait3A_397 = tpu.memref_slice %arg5[%add3A_395, %dma_wait3A_396] : memref<131072x65xf32, #tpu.memory_space<hbm>> -> memref<128x65xf32, #tpu.memory_space<hbm>>
        %dma_wait3A_398 = arith.constant 0 : i32
        %dma_wait3A_399 = tpu.memref_slice %arg5[%add3A_395, %dma_wait3A_398] : memref<131072x65xf32, #tpu.memory_space<hbm>> -> memref<128x65xf32, #tpu.memory_space<hbm>>
        tpu.wait_dma2 semaphore(%arg14 : memref<!tpu.dma_semaphore, #tpu.memory_space<semaphore_mem>>) src(%arg11 : memref<128x65xf32, #tpu.memory_space<vmem>>) dst(%dma_wait3A_399 : memref<128x65xf32, #tpu.memory_space<hbm>>)
      } else {
      }
      %scan3A_44 = arith.constant 0 : i32
      %scan3A_45 = arith.constant 0 : i32
      %scan3A_46 = arith.constant 8 : i32
      %scan3A_47 = arith.addi %scan3A_45, %scan3A_46 : i32
      %scan3A_48 = arith.constant 1 : i32
      scf.for %scan3A_391 = %scan3A_45 to %scan3A_47 step %scan3A_48  : i32 {
        %mul3A_392 = arith.constant 128 : i32
        %mul3A_393 = arith.muli %mul3A_37, %mul3A_392 : i32
        %mul3A_394 = arith.constant 16 : i32
        %mul3A_395 = arith.muli %scan3A_391, %mul3A_394 : i32
        %add3A_396 = arith.addi %mul3A_393, %mul3A_395 : i32
        %get3A_397 = arith.index_cast %add3A_396 : i32 to index
        %get3A_398 = tpu.vector_load %arg10[%get3A_397] {strides = array<i32>} : memref<4096xi32, #tpu.memory_space<vmem>>, vector<16xi32>,
        %slice3A = vector.extract_strided_slice %get3A_398 {offsets = [0], sizes = [1], strides = [1]} : vector<16xi32> to vector<1xi32>
        %squeeze3A = vector.extract %slice3A[0] : i32 from vector<1xi32>
        %slice3A_399 = vector.extract_strided_slice %get3A_398 {offsets = [1], sizes = [1], strides = [1]} : vector<16xi32> to vector<1xi32>
        %squeeze3A_400 = vector.extract %slice3A_399[0] : i32 from vector<1xi32>
        %get3A_401 = arith.index_cast %squeeze3A : i32 to index
        %get3A_402 = arith.constant 0 : index
        %get3A_403 = tpu.vector_load %arg7[%get3A_401, %get3A_402] {strides = array<i32>} : memref<520x128xf32, #tpu.memory_space<vmem>>, vector<16xf32>,
        %get3A_404 = arith.index_cast %squeeze3A : i32 to index
        %get3A_405 = arith.constant 16 : index
        %get3A_406 = tpu.vector_load %arg7[%get3A_404, %get3A_405] {strides = array<i32>} : memref<520x128xf32, #tpu.memory_space<vmem>>, vector<16xf32>,
        %get3A_407 = arith.index_cast %squeeze3A : i32 to index
        %get3A_408 = arith.constant 32 : index
        %get3A_409 = tpu.vector_load %arg7[%get3A_407, %get3A_408] {strides = array<i32>} : memref<520x128xf32, #tpu.memory_space<vmem>>, vector<16xf32>,
        %get3A_410 = arith.index_cast %squeeze3A : i32 to index
        %get3A_411 = arith.constant 48 : index
        %get3A_412 = tpu.vector_load %arg7[%get3A_410, %get3A_411] {strides = array<i32>} : memref<520x128xf32, #tpu.memory_space<vmem>>, vector<16xf32>,
        %get3A_413 = arith.index_cast %squeeze3A_400 : i32 to index
        %get3A_414 = arith.constant 0 : index
        %get3A_415 = tpu.vector_load %arg7[%get3A_413, %get3A_414] {strides = array<i32>} : memref<520x128xf32, #tpu.memory_space<vmem>>, vector<16xf32>,
        %get3A_416 = arith.index_cast %squeeze3A_400 : i32 to index
        %get3A_417 = arith.constant 16 : index
        %get3A_418 = tpu.vector_load %arg7[%get3A_416, %get3A_417] {strides = array<i32>} : memref<520x128xf32, #tpu.memory_space<vmem>>, vector<16xf32>,
        %get3A_419 = arith.index_cast %squeeze3A_400 : i32 to index
        %get3A_420 = arith.constant 32 : index
        %get3A_421 = tpu.vector_load %arg7[%get3A_419, %get3A_420] {strides = array<i32>} : memref<520x128xf32, #tpu.memory_space<vmem>>, vector<16xf32>,
        %get3A_422 = arith.index_cast %squeeze3A_400 : i32 to index
        %get3A_423 = arith.constant 48 : index
        %get3A_424 = tpu.vector_load %arg7[%get3A_422, %get3A_423] {strides = array<i32>} : memref<520x128xf32, #tpu.memory_space<vmem>>, vector<16xf32>,
        %slice3A_425 = vector.extract_strided_slice %get3A_398 {offsets = [2], sizes = [1], strides = [1]} : vector<16xi32> to vector<1xi32>
        %squeeze3A_426 = vector.extract %slice3A_425[0] : i32 from vector<1xi32>
        %slice3A_427 = vector.extract_strided_slice %get3A_398 {offsets = [3], sizes = [1], strides = [1]} : vector<16xi32> to vector<1xi32>
        %squeeze3A_428 = vector.extract %slice3A_427[0] : i32 from vector<1xi32>
        %get3A_429 = arith.index_cast %squeeze3A_426 : i32 to index
        %get3A_430 = arith.constant 0 : index
        %get3A_431 = tpu.vector_load %arg7[%get3A_429, %get3A_430] {strides = array<i32>} : memref<520x128xf32, #tpu.memory_space<vmem>>, vector<16xf32>,
        %get3A_432 = arith.index_cast %squeeze3A_426 : i32 to index
        %get3A_433 = arith.constant 16 : index
        %get3A_434 = tpu.vector_load %arg7[%get3A_432, %get3A_433] {strides = array<i32>} : memref<520x128xf32, #tpu.memory_space<vmem>>, vector<16xf32>,
        %get3A_435 = arith.index_cast %squeeze3A_426 : i32 to index
        %get3A_436 = arith.constant 32 : index
        %get3A_437 = tpu.vector_load %arg7[%get3A_435, %get3A_436] {strides = array<i32>} : memref<520x128xf32, #tpu.memory_space<vmem>>, vector<16xf32>,
        %get3A_438 = arith.index_cast %squeeze3A_426 : i32 to index
        %get3A_439 = arith.constant 48 : index
        %get3A_440 = tpu.vector_load %arg7[%get3A_438, %get3A_439] {strides = array<i32>} : memref<520x128xf32, #tpu.memory_space<vmem>>, vector<16xf32>,
        %get3A_441 = arith.index_cast %squeeze3A_428 : i32 to index
        %get3A_442 = arith.constant 0 : index
        %get3A_443 = tpu.vector_load %arg7[%get3A_441, %get3A_442] {strides = array<i32>} : memref<520x128xf32, #tpu.memory_space<vmem>>, vector<16xf32>,
        %get3A_444 = arith.index_cast %squeeze3A_428 : i32 to index
        %get3A_445 = arith.constant 16 : index
        %get3A_446 = tpu.vector_load %arg7[%get3A_444, %get3A_445] {strides = array<i32>} : memref<520x128xf32, #tpu.memory_space<vmem>>, vector<16xf32>,
        %get3A_447 = arith.index_cast %squeeze3A_428 : i32 to index
        %get3A_448 = arith.constant 32 : index
        %get3A_449 = tpu.vector_load %arg7[%get3A_447, %get3A_448] {strides = array<i32>} : memref<520x128xf32, #tpu.memory_space<vmem>>, vector<16xf32>,
        %get3A_450 = arith.index_cast %squeeze3A_428 : i32 to index
        %get3A_451 = arith.constant 48 : index
        %get3A_452 = tpu.vector_load %arg7[%get3A_450, %get3A_451] {strides = array<i32>} : memref<520x128xf32, #tpu.memory_space<vmem>>, vector<16xf32>,
        %mul3A_453 = arith.constant 16 : i32
        %mul3A_454 = arith.muli %scan3A_391, %mul3A_453 : i32
        %add3A_455 = arith.constant 2 : i32
        %add3A_456 = arith.addi %mul3A_454, %add3A_455 : i32
        %sub3A_457 = arith.constant 2 : i32
        %sub3A_458 = arith.subi %add3A_456, %sub3A_457 : i32
        %swap3A_459 = arith.index_cast %sub3A_458 : i32 to index
        %swap3A_460 = arith.constant 0 : index
        %swap3A_461 = tpu.vector_load %arg11[%swap3A_459, %swap3A_460] {strides = array<i32>} : memref<128x65xf32, #tpu.memory_space<vmem>>, vector<16xf32>,
        tpu.vector_store %arg11[%swap3A_459, %swap3A_460], %get3A_403 {strides = array<i32>} : memref<128x65xf32, #tpu.memory_space<vmem>>, vector<16xf32>,
        %add3A_462 = arith.constant 1 : i32
        %add3A_463 = arith.addi %sub3A_458, %add3A_462 : i32
        %swap3A_464 = arith.index_cast %add3A_463 : i32 to index
        %swap3A_465 = arith.constant 0 : index
        %swap3A_466 = tpu.vector_load %arg11[%swap3A_464, %swap3A_465] {strides = array<i32>} : memref<128x65xf32, #tpu.memory_space<vmem>>, vector<16xf32>,
        tpu.vector_store %arg11[%swap3A_464, %swap3A_465], %get3A_415 {strides = array<i32>} : memref<128x65xf32, #tpu.memory_space<vmem>>, vector<16xf32>,
        %swap3A_467 = arith.index_cast %sub3A_458 : i32 to index
        %swap3A_468 = arith.constant 16 : index
        %swap3A_469 = tpu.vector_load %arg11[%swap3A_467, %swap3A_468] {strides = array<i32>} : memref<128x65xf32, #tpu.memory_space<vmem>>, vector<16xf32>,
        tpu.vector_store %arg11[%swap3A_467, %swap3A_468], %get3A_406 {strides = array<i32>} : memref<128x65xf32, #tpu.memory_space<vmem>>, vector<16xf32>,
        %add3A_470 = arith.constant 1 : i32
        %add3A_471 = arith.addi %sub3A_458, %add3A_470 : i32
        %swap3A_472 = arith.index_cast %add3A_471 : i32 to index
        %swap3A_473 = arith.constant 16 : index
        %swap3A_474 = tpu.vector_load %arg11[%swap3A_472, %swap3A_473] {strides = array<i32>} : memref<128x65xf32, #tpu.memory_space<vmem>>, vector<16xf32>,
        tpu.vector_store %arg11[%swap3A_472, %swap3A_473], %get3A_418 {strides = array<i32>} : memref<128x65xf32, #tpu.memory_space<vmem>>, vector<16xf32>,
        %swap3A_475 = arith.index_cast %sub3A_458 : i32 to index
        %swap3A_476 = arith.constant 32 : index
        %swap3A_477 = tpu.vector_load %arg11[%swap3A_475, %swap3A_476] {strides = array<i32>} : memref<128x65xf32, #tpu.memory_space<vmem>>, vector<16xf32>,
        tpu.vector_store %arg11[%swap3A_475, %swap3A_476], %get3A_409 {strides = array<i32>} : memref<128x65xf32, #tpu.memory_space<vmem>>, vector<16xf32>,
        %add3A_478 = arith.constant 1 : i32
        %add3A_479 = arith.addi %sub3A_458, %add3A_478 : i32
        %swap3A_480 = arith.index_cast %add3A_479 : i32 to index
        %swap3A_481 = arith.constant 32 : index
        %swap3A_482 = tpu.vector_load %arg11[%swap3A_480, %swap3A_481] {strides = array<i32>} : memref<128x65xf32, #tpu.memory_space<vmem>>, vector<16xf32>,
        tpu.vector_store %arg11[%swap3A_480, %swap3A_481], %get3A_421 {strides = array<i32>} : memref<128x65xf32, #tpu.memory_space<vmem>>, vector<16xf32>,
        %swap3A_483 = arith.index_cast %sub3A_458 : i32 to index
        %swap3A_484 = arith.constant 48 : index
        %swap3A_485 = tpu.vector_load %arg11[%swap3A_483, %swap3A_484] {strides = array<i32>} : memref<128x65xf32, #tpu.memory_space<vmem>>, vector<16xf32>,
        tpu.vector_store %arg11[%swap3A_483, %swap3A_484], %get3A_412 {strides = array<i32>} : memref<128x65xf32, #tpu.memory_space<vmem>>, vector<16xf32>,
        %add3A_486 = arith.constant 1 : i32
        %add3A_487 = arith.addi %sub3A_458, %add3A_486 : i32
        %swap3A_488 = arith.index_cast %add3A_487 : i32 to index
        %swap3A_489 = arith.constant 48 : index
        %swap3A_490 = tpu.vector_load %arg11[%swap3A_488, %swap3A_489] {strides = array<i32>} : memref<128x65xf32, #tpu.memory_space<vmem>>, vector<16xf32>,
        tpu.vector_store %arg11[%swap3A_488, %swap3A_489], %get3A_424 {strides = array<i32>} : memref<128x65xf32, #tpu.memory_space<vmem>>, vector<16xf32>,
        %slice3A_491 = vector.extract_strided_slice %get3A_398 {offsets = [4], sizes = [1], strides = [1]} : vector<16xi32> to vector<1xi32>
        %squeeze3A_492 = vector.extract %slice3A_491[0] : i32 from vector<1xi32>
        %slice3A_493 = vector.extract_strided_slice %get3A_398 {offsets = [5], sizes = [1], strides = [1]} : vector<16xi32> to vector<1xi32>
        %squeeze3A_494 = vector.extract %slice3A_493[0] : i32 from vector<1xi32>
        %get3A_495 = arith.index_cast %squeeze3A_492 : i32 to index
        %get3A_496 = arith.constant 0 : index
        %get3A_497 = tpu.vector_load %arg7[%get3A_495, %get3A_496] {strides = array<i32>} : memref<520x128xf32, #tpu.memory_space<vmem>>, vector<16xf32>,
        %get3A_498 = arith.index_cast %squeeze3A_492 : i32 to index
        %get3A_499 = arith.constant 16 : index
        %get3A_500 = tpu.vector_load %arg7[%get3A_498, %get3A_499] {strides = array<i32>} : memref<520x128xf32, #tpu.memory_space<vmem>>, vector<16xf32>,
        %get3A_501 = arith.index_cast %squeeze3A_492 : i32 to index
        %get3A_502 = arith.constant 32 : index
        %get3A_503 = tpu.vector_load %arg7[%get3A_501, %get3A_502] {strides = array<i32>} : memref<520x128xf32, #tpu.memory_space<vmem>>, vector<16xf32>,
        %get3A_504 = arith.index_cast %squeeze3A_492 : i32 to index
        %get3A_505 = arith.constant 48 : index
        %get3A_506 = tpu.vector_load %arg7[%get3A_504, %get3A_505] {strides = array<i32>} : memref<520x128xf32, #tpu.memory_space<vmem>>, vector<16xf32>,
        %get3A_507 = arith.index_cast %squeeze3A_494 : i32 to index
        %get3A_508 = arith.constant 0 : index
        %get3A_509 = tpu.vector_load %arg7[%get3A_507, %get3A_508] {strides = array<i32>} : memref<520x128xf32, #tpu.memory_space<vmem>>, vector<16xf32>,
        %get3A_510 = arith.index_cast %squeeze3A_494 : i32 to index
        %get3A_511 = arith.constant 16 : index
        %get3A_512 = tpu.vector_load %arg7[%get3A_510, %get3A_511] {strides = array<i32>} : memref<520x128xf32, #tpu.memory_space<vmem>>, vector<16xf32>,
        %get3A_513 = arith.index_cast %squeeze3A_494 : i32 to index
        %get3A_514 = arith.constant 32 : index
        %get3A_515 = tpu.vector_load %arg7[%get3A_513, %get3A_514] {strides = array<i32>} : memref<520x128xf32, #tpu.memory_space<vmem>>, vector<16xf32>,
        %get3A_516 = arith.index_cast %squeeze3A_494 : i32 to index
        %get3A_517 = arith.constant 48 : index
        %get3A_518 = tpu.vector_load %arg7[%get3A_516, %get3A_517] {strides = array<i32>} : memref<520x128xf32, #tpu.memory_space<vmem>>, vector<16xf32>,
        %mul3A_519 = arith.constant 16 : i32
        %mul3A_520 = arith.muli %scan3A_391, %mul3A_519 : i32
        %add3A_521 = arith.constant 4 : i32
        %add3A_522 = arith.addi %mul3A_520, %add3A_521 : i32
        %sub3A_523 = arith.constant 2 : i32
        %sub3A_524 = arith.subi %add3A_522, %sub3A_523 : i32
        %swap3A_525 = arith.index_cast %sub3A_524 : i32 to index
        %swap3A_526 = arith.constant 0 : index
        %swap3A_527 = tpu.vector_load %arg11[%swap3A_525, %swap3A_526] {strides = array<i32>} : memref<128x65xf32, #tpu.memory_space<vmem>>, vector<16xf32>,
        tpu.vector_store %arg11[%swap3A_525, %swap3A_526], %get3A_431 {strides = array<i32>} : memref<128x65xf32, #tpu.memory_space<vmem>>, vector<16xf32>,
        %add3A_528 = arith.constant 1 : i32
        %add3A_529 = arith.addi %sub3A_524, %add3A_528 : i32
        %swap3A_530 = arith.index_cast %add3A_529 : i32 to index
        %swap3A_531 = arith.constant 0 : index
        %swap3A_532 = tpu.vector_load %arg11[%swap3A_530, %swap3A_531] {strides = array<i32>} : memref<128x65xf32, #tpu.memory_space<vmem>>, vector<16xf32>,
        tpu.vector_store %arg11[%swap3A_530, %swap3A_531], %get3A_443 {strides = array<i32>} : memref<128x65xf32, #tpu.memory_space<vmem>>, vector<16xf32>,
        %swap3A_533 = arith.index_cast %sub3A_524 : i32 to index
        %swap3A_534 = arith.constant 16 : index
        %swap3A_535 = tpu.vector_load %arg11[%swap3A_533, %swap3A_534] {strides = array<i32>} : memref<128x65xf32, #tpu.memory_space<vmem>>, vector<16xf32>,
        tpu.vector_store %arg11[%swap3A_533, %swap3A_534], %get3A_434 {strides = array<i32>} : memref<128x65xf32, #tpu.memory_space<vmem>>, vector<16xf32>,
        %add3A_536 = arith.constant 1 : i32
        %add3A_537 = arith.addi %sub3A_524, %add3A_536 : i32
        %swap3A_538 = arith.index_cast %add3A_537 : i32 to index
        %swap3A_539 = arith.constant 16 : index
        %swap3A_540 = tpu.vector_load %arg11[%swap3A_538, %swap3A_539] {strides = array<i32>} : memref<128x65xf32, #tpu.memory_space<vmem>>, vector<16xf32>,
        tpu.vector_store %arg11[%swap3A_538, %swap3A_539], %get3A_446 {strides = array<i32>} : memref<128x65xf32, #tpu.memory_space<vmem>>, vector<16xf32>,
        %swap3A_541 = arith.index_cast %sub3A_524 : i32 to index
        %swap3A_542 = arith.constant 32 : index
        %swap3A_543 = tpu.vector_load %arg11[%swap3A_541, %swap3A_542] {strides = array<i32>} : memref<128x65xf32, #tpu.memory_space<vmem>>, vector<16xf32>,
        tpu.vector_store %arg11[%swap3A_541, %swap3A_542], %get3A_437 {strides = array<i32>} : memref<128x65xf32, #tpu.memory_space<vmem>>, vector<16xf32>,
        %add3A_544 = arith.constant 1 : i32
        %add3A_545 = arith.addi %sub3A_524, %add3A_544 : i32
        %swap3A_546 = arith.index_cast %add3A_545 : i32 to index
        %swap3A_547 = arith.constant 32 : index
        %swap3A_548 = tpu.vector_load %arg11[%swap3A_546, %swap3A_547] {strides = array<i32>} : memref<128x65xf32, #tpu.memory_space<vmem>>, vector<16xf32>,
        tpu.vector_store %arg11[%swap3A_546, %swap3A_547], %get3A_449 {strides = array<i32>} : memref<128x65xf32, #tpu.memory_space<vmem>>, vector<16xf32>,
        %swap3A_549 = arith.index_cast %sub3A_524 : i32 to index
        %swap3A_550 = arith.constant 48 : index
        %swap3A_551 = tpu.vector_load %arg11[%swap3A_549, %swap3A_550] {strides = array<i32>} : memref<128x65xf32, #tpu.memory_space<vmem>>, vector<16xf32>,
        tpu.vector_store %arg11[%swap3A_549, %swap3A_550], %get3A_440 {strides = array<i32>} : memref<128x65xf32, #tpu.memory_space<vmem>>, vector<16xf32>,
        %add3A_552 = arith.constant 1 : i32
        %add3A_553 = arith.addi %sub3A_524, %add3A_552 : i32
        %swap3A_554 = arith.index_cast %add3A_553 : i32 to index
        %swap3A_555 = arith.constant 48 : index
        %swap3A_556 = tpu.vector_load %arg11[%swap3A_554, %swap3A_555] {strides = array<i32>} : memref<128x65xf32, #tpu.memory_space<vmem>>, vector<16xf32>,
        tpu.vector_store %arg11[%swap3A_554, %swap3A_555], %get3A_452 {strides = array<i32>} : memref<128x65xf32, #tpu.memory_space<vmem>>, vector<16xf32>,
        %slice3A_557 = vector.extract_strided_slice %get3A_398 {offsets = [6], sizes = [1], strides = [1]} : vector<16xi32> to vector<1xi32>
        %squeeze3A_558 = vector.extract %slice3A_557[0] : i32 from vector<1xi32>
        %slice3A_559 = vector.extract_strided_slice %get3A_398 {offsets = [7], sizes = [1], strides = [1]} : vector<16xi32> to vector<1xi32>
        %squeeze3A_560 = vector.extract %slice3A_559[0] : i32 from vector<1xi32>
        %get3A_561 = arith.index_cast %squeeze3A_558 : i32 to index
        %get3A_562 = arith.constant 0 : index
        %get3A_563 = tpu.vector_load %arg7[%get3A_561, %get3A_562] {strides = array<i32>} : memref<520x128xf32, #tpu.memory_space<vmem>>, vector<16xf32>,
        %get3A_564 = arith.index_cast %squeeze3A_558 : i32 to index
        %get3A_565 = arith.constant 16 : index
        %get3A_566 = tpu.vector_load %arg7[%get3A_564, %get3A_565] {strides = array<i32>} : memref<520x128xf32, #tpu.memory_space<vmem>>, vector<16xf32>,
        %get3A_567 = arith.index_cast %squeeze3A_558 : i32 to index
        %get3A_568 = arith.constant 32 : index
        %get3A_569 = tpu.vector_load %arg7[%get3A_567, %get3A_568] {strides = array<i32>} : memref<520x128xf32, #tpu.memory_space<vmem>>, vector<16xf32>,
        %get3A_570 = arith.index_cast %squeeze3A_558 : i32 to index
        %get3A_571 = arith.constant 48 : index
        %get3A_572 = tpu.vector_load %arg7[%get3A_570, %get3A_571] {strides = array<i32>} : memref<520x128xf32, #tpu.memory_space<vmem>>, vector<16xf32>,
        %get3A_573 = arith.index_cast %squeeze3A_560 : i32 to index
        %get3A_574 = arith.constant 0 : index
        %get3A_575 = tpu.vector_load %arg7[%get3A_573, %get3A_574] {strides = array<i32>} : memref<520x128xf32, #tpu.memory_space<vmem>>, vector<16xf32>,
        %get3A_576 = arith.index_cast %squeeze3A_560 : i32 to index
        %get3A_577 = arith.constant 16 : index
        %get3A_578 = tpu.vector_load %arg7[%get3A_576, %get3A_577] {strides = array<i32>} : memref<520x128xf32, #tpu.memory_space<vmem>>, vector<16xf32>,
        %get3A_579 = arith.index_cast %squeeze3A_560 : i32 to index
        %get3A_580 = arith.constant 32 : index
        %get3A_581 = tpu.vector_load %arg7[%get3A_579, %get3A_580] {strides = array<i32>} : memref<520x128xf32, #tpu.memory_space<vmem>>, vector<16xf32>,
        %get3A_582 = arith.index_cast %squeeze3A_560 : i32 to index
        %get3A_583 = arith.constant 48 : index
        %get3A_584 = tpu.vector_load %arg7[%get3A_582, %get3A_583] {strides = array<i32>} : memref<520x128xf32, #tpu.memory_space<vmem>>, vector<16xf32>,
        %mul3A_585 = arith.constant 16 : i32
        %mul3A_586 = arith.muli %scan3A_391, %mul3A_585 : i32
        %add3A_587 = arith.constant 6 : i32
        %add3A_588 = arith.addi %mul3A_586, %add3A_587 : i32
        %sub3A_589 = arith.constant 2 : i32
        %sub3A_590 = arith.subi %add3A_588, %sub3A_589 : i32
        %swap3A_591 = arith.index_cast %sub3A_590 : i32 to index
        %swap3A_592 = arith.constant 0 : index
        %swap3A_593 = tpu.vector_load %arg11[%swap3A_591, %swap3A_592] {strides = array<i32>} : memref<128x65xf32, #tpu.memory_space<vmem>>, vector<16xf32>,
        tpu.vector_store %arg11[%swap3A_591, %swap3A_592], %get3A_497 {strides = array<i32>} : memref<128x65xf32, #tpu.memory_space<vmem>>, vector<16xf32>,
        %add3A_594 = arith.constant 1 : i32
        %add3A_595 = arith.addi %sub3A_590, %add3A_594 : i32
        %swap3A_596 = arith.index_cast %add3A_595 : i32 to index
        %swap3A_597 = arith.constant 0 : index
        %swap3A_598 = tpu.vector_load %arg11[%swap3A_596, %swap3A_597] {strides = array<i32>} : memref<128x65xf32, #tpu.memory_space<vmem>>, vector<16xf32>,
        tpu.vector_store %arg11[%swap3A_596, %swap3A_597], %get3A_509 {strides = array<i32>} : memref<128x65xf32, #tpu.memory_space<vmem>>, vector<16xf32>,
        %swap3A_599 = arith.index_cast %sub3A_590 : i32 to index
        %swap3A_600 = arith.constant 16 : index
        %swap3A_601 = tpu.vector_load %arg11[%swap3A_599, %swap3A_600] {strides = array<i32>} : memref<128x65xf32, #tpu.memory_space<vmem>>, vector<16xf32>,
        tpu.vector_store %arg11[%swap3A_599, %swap3A_600], %get3A_500 {strides = array<i32>} : memref<128x65xf32, #tpu.memory_space<vmem>>, vector<16xf32>,
        %add3A_602 = arith.constant 1 : i32
        %add3A_603 = arith.addi %sub3A_590, %add3A_602 : i32
        %swap3A_604 = arith.index_cast %add3A_603 : i32 to index
        %swap3A_605 = arith.constant 16 : index
        %swap3A_606 = tpu.vector_load %arg11[%swap3A_604, %swap3A_605] {strides = array<i32>} : memref<128x65xf32, #tpu.memory_space<vmem>>, vector<16xf32>,
        tpu.vector_store %arg11[%swap3A_604, %swap3A_605], %get3A_512 {strides = array<i32>} : memref<128x65xf32, #tpu.memory_space<vmem>>, vector<16xf32>,
        %swap3A_607 = arith.index_cast %sub3A_590 : i32 to index
        %swap3A_608 = arith.constant 32 : index
        %swap3A_609 = tpu.vector_load %arg11[%swap3A_607, %swap3A_608] {strides = array<i32>} : memref<128x65xf32, #tpu.memory_space<vmem>>, vector<16xf32>,
        tpu.vector_store %arg11[%swap3A_607, %swap3A_608], %get3A_503 {strides = array<i32>} : memref<128x65xf32, #tpu.memory_space<vmem>>, vector<16xf32>,
        %add3A_610 = arith.constant 1 : i32
        %add3A_611 = arith.addi %sub3A_590, %add3A_610 : i32
        %swap3A_612 = arith.index_cast %add3A_611 : i32 to index
        %swap3A_613 = arith.constant 32 : index
        %swap3A_614 = tpu.vector_load %arg11[%swap3A_612, %swap3A_613] {strides = array<i32>} : memref<128x65xf32, #tpu.memory_space<vmem>>, vector<16xf32>,
        tpu.vector_store %arg11[%swap3A_612, %swap3A_613], %get3A_515 {strides = array<i32>} : memref<128x65xf32, #tpu.memory_space<vmem>>, vector<16xf32>,
        %swap3A_615 = arith.index_cast %sub3A_590 : i32 to index
        %swap3A_616 = arith.constant 48 : index
        %swap3A_617 = tpu.vector_load %arg11[%swap3A_615, %swap3A_616] {strides = array<i32>} : memref<128x65xf32, #tpu.memory_space<vmem>>, vector<16xf32>,
        tpu.vector_store %arg11[%swap3A_615, %swap3A_616], %get3A_506 {strides = array<i32>} : memref<128x65xf32, #tpu.memory_space<vmem>>, vector<16xf32>,
        %add3A_618 = arith.constant 1 : i32
        %add3A_619 = arith.addi %sub3A_590, %add3A_618 : i32
        %swap3A_620 = arith.index_cast %add3A_619 : i32 to index
        %swap3A_621 = arith.constant 48 : index
        %swap3A_622 = tpu.vector_load %arg11[%swap3A_620, %swap3A_621] {strides = array<i32>} : memref<128x65xf32, #tpu.memory_space<vmem>>, vector<16xf32>,
        tpu.vector_store %arg11[%swap3A_620, %swap3A_621], %get3A_518 {strides = array<i32>} : memref<128x65xf32, #tpu.memory_space<vmem>>, vector<16xf32>,
        %slice3A_623 = vector.extract_strided_slice %get3A_398 {offsets = [8], sizes = [1], strides = [1]} : vector<16xi32> to vector<1xi32>
        %squeeze3A_624 = vector.extract %slice3A_623[0] : i32 from vector<1xi32>
        %slice3A_625 = vector.extract_strided_slice %get3A_398 {offsets = [9], sizes = [1], strides = [1]} : vector<16xi32> to vector<1xi32>
        %squeeze3A_626 = vector.extract %slice3A_625[0] : i32 from vector<1xi32>
        %get3A_627 = arith.index_cast %squeeze3A_624 : i32 to index
        %get3A_628 = arith.constant 0 : index
        %get3A_629 = tpu.vector_load %arg7[%get3A_627, %get3A_628] {strides = array<i32>} : memref<520x128xf32, #tpu.memory_space<vmem>>, vector<16xf32>,
        %get3A_630 = arith.index_cast %squeeze3A_624 : i32 to index
        %get3A_631 = arith.constant 16 : index
        %get3A_632 = tpu.vector_load %arg7[%get3A_630, %get3A_631] {strides = array<i32>} : memref<520x128xf32, #tpu.memory_space<vmem>>, vector<16xf32>,
        %get3A_633 = arith.index_cast %squeeze3A_624 : i32 to index
        %get3A_634 = arith.constant 32 : index
        %get3A_635 = tpu.vector_load %arg7[%get3A_633, %get3A_634] {strides = array<i32>} : memref<520x128xf32, #tpu.memory_space<vmem>>, vector<16xf32>,
        %get3A_636 = arith.index_cast %squeeze3A_624 : i32 to index
        %get3A_637 = arith.constant 48 : index
        %get3A_638 = tpu.vector_load %arg7[%get3A_636, %get3A_637] {strides = array<i32>} : memref<520x128xf32, #tpu.memory_space<vmem>>, vector<16xf32>,
        %get3A_639 = arith.index_cast %squeeze3A_626 : i32 to index
        %get3A_640 = arith.constant 0 : index
        %get3A_641 = tpu.vector_load %arg7[%get3A_639, %get3A_640] {strides = array<i32>} : memref<520x128xf32, #tpu.memory_space<vmem>>, vector<16xf32>,
        %get3A_642 = arith.index_cast %squeeze3A_626 : i32 to index
        %get3A_643 = arith.constant 16 : index
        %get3A_644 = tpu.vector_load %arg7[%get3A_642, %get3A_643] {strides = array<i32>} : memref<520x128xf32, #tpu.memory_space<vmem>>, vector<16xf32>,
        %get3A_645 = arith.index_cast %squeeze3A_626 : i32 to index
        %get3A_646 = arith.constant 32 : index
        %get3A_647 = tpu.vector_load %arg7[%get3A_645, %get3A_646] {strides = array<i32>} : memref<520x128xf32, #tpu.memory_space<vmem>>, vector<16xf32>,
        %get3A_648 = arith.index_cast %squeeze3A_626 : i32 to index
        %get3A_649 = arith.constant 48 : index
        %get3A_650 = tpu.vector_load %arg7[%get3A_648, %get3A_649] {strides = array<i32>} : memref<520x128xf32, #tpu.memory_space<vmem>>, vector<16xf32>,
        %mul3A_651 = arith.constant 16 : i32
        %mul3A_652 = arith.muli %scan3A_391, %mul3A_651 : i32
        %add3A_653 = arith.constant 8 : i32
        %add3A_654 = arith.addi %mul3A_652, %add3A_653 : i32
        %sub3A_655 = arith.constant 2 : i32
        %sub3A_656 = arith.subi %add3A_654, %sub3A_655 : i32
        %swap3A_657 = arith.index_cast %sub3A_656 : i32 to index
        %swap3A_658 = arith.constant 0 : index
        %swap3A_659 = tpu.vector_load %arg11[%swap3A_657, %swap3A_658] {strides = array<i32>} : memref<128x65xf32, #tpu.memory_space<vmem>>, vector<16xf32>,
        tpu.vector_store %arg11[%swap3A_657, %swap3A_658], %get3A_563 {strides = array<i32>} : memref<128x65xf32, #tpu.memory_space<vmem>>, vector<16xf32>,
        %add3A_660 = arith.constant 1 : i32
        %add3A_661 = arith.addi %sub3A_656, %add3A_660 : i32
        %swap3A_662 = arith.index_cast %add3A_661 : i32 to index
        %swap3A_663 = arith.constant 0 : index
        %swap3A_664 = tpu.vector_load %arg11[%swap3A_662, %swap3A_663] {strides = array<i32>} : memref<128x65xf32, #tpu.memory_space<vmem>>, vector<16xf32>,
        tpu.vector_store %arg11[%swap3A_662, %swap3A_663], %get3A_575 {strides = array<i32>} : memref<128x65xf32, #tpu.memory_space<vmem>>, vector<16xf32>,
        %swap3A_665 = arith.index_cast %sub3A_656 : i32 to index
        %swap3A_666 = arith.constant 16 : index
        %swap3A_667 = tpu.vector_load %arg11[%swap3A_665, %swap3A_666] {strides = array<i32>} : memref<128x65xf32, #tpu.memory_space<vmem>>, vector<16xf32>,
        tpu.vector_store %arg11[%swap3A_665, %swap3A_666], %get3A_566 {strides = array<i32>} : memref<128x65xf32, #tpu.memory_space<vmem>>, vector<16xf32>,
        %add3A_668 = arith.constant 1 : i32
        %add3A_669 = arith.addi %sub3A_656, %add3A_668 : i32
        %swap3A_670 = arith.index_cast %add3A_669 : i32 to index
        %swap3A_671 = arith.constant 16 : index
        %swap3A_672 = tpu.vector_load %arg11[%swap3A_670, %swap3A_671] {strides = array<i32>} : memref<128x65xf32, #tpu.memory_space<vmem>>, vector<16xf32>,
        tpu.vector_store %arg11[%swap3A_670, %swap3A_671], %get3A_578 {strides = array<i32>} : memref<128x65xf32, #tpu.memory_space<vmem>>, vector<16xf32>,
        %swap3A_673 = arith.index_cast %sub3A_656 : i32 to index
        %swap3A_674 = arith.constant 32 : index
        %swap3A_675 = tpu.vector_load %arg11[%swap3A_673, %swap3A_674] {strides = array<i32>} : memref<128x65xf32, #tpu.memory_space<vmem>>, vector<16xf32>,
        tpu.vector_store %arg11[%swap3A_673, %swap3A_674], %get3A_569 {strides = array<i32>} : memref<128x65xf32, #tpu.memory_space<vmem>>, vector<16xf32>,
        %add3A_676 = arith.constant 1 : i32
        %add3A_677 = arith.addi %sub3A_656, %add3A_676 : i32
        %swap3A_678 = arith.index_cast %add3A_677 : i32 to index
        %swap3A_679 = arith.constant 32 : index
        %swap3A_680 = tpu.vector_load %arg11[%swap3A_678, %swap3A_679] {strides = array<i32>} : memref<128x65xf32, #tpu.memory_space<vmem>>, vector<16xf32>,
        tpu.vector_store %arg11[%swap3A_678, %swap3A_679], %get3A_581 {strides = array<i32>} : memref<128x65xf32, #tpu.memory_space<vmem>>, vector<16xf32>,
        %swap3A_681 = arith.index_cast %sub3A_656 : i32 to index
        %swap3A_682 = arith.constant 48 : index
        %swap3A_683 = tpu.vector_load %arg11[%swap3A_681, %swap3A_682] {strides = array<i32>} : memref<128x65xf32, #tpu.memory_space<vmem>>, vector<16xf32>,
        tpu.vector_store %arg11[%swap3A_681, %swap3A_682], %get3A_572 {strides = array<i32>} : memref<128x65xf32, #tpu.memory_space<vmem>>, vector<16xf32>,
        %add3A_684 = arith.constant 1 : i32
        %add3A_685 = arith.addi %sub3A_656, %add3A_684 : i32
        %swap3A_686 = arith.index_cast %add3A_685 : i32 to index
        %swap3A_687 = arith.constant 48 : index
        %swap3A_688 = tpu.vector_load %arg11[%swap3A_686, %swap3A_687] {strides = array<i32>} : memref<128x65xf32, #tpu.memory_space<vmem>>, vector<16xf32>,
        tpu.vector_store %arg11[%swap3A_686, %swap3A_687], %get3A_584 {strides = array<i32>} : memref<128x65xf32, #tpu.memory_space<vmem>>, vector<16xf32>,
        %slice3A_689 = vector.extract_strided_slice %get3A_398 {offsets = [10], sizes = [1], strides = [1]} : vector<16xi32> to vector<1xi32>
        %squeeze3A_690 = vector.extract %slice3A_689[0] : i32 from vector<1xi32>
        %slice3A_691 = vector.extract_strided_slice %get3A_398 {offsets = [11], sizes = [1], strides = [1]} : vector<16xi32> to vector<1xi32>
        %squeeze3A_692 = vector.extract %slice3A_691[0] : i32 from vector<1xi32>
        %get3A_693 = arith.index_cast %squeeze3A_690 : i32 to index
        %get3A_694 = arith.constant 0 : index
        %get3A_695 = tpu.vector_load %arg7[%get3A_693, %get3A_694] {strides = array<i32>} : memref<520x128xf32, #tpu.memory_space<vmem>>, vector<16xf32>,
        %get3A_696 = arith.index_cast %squeeze3A_690 : i32 to index
        %get3A_697 = arith.constant 16 : index
        %get3A_698 = tpu.vector_load %arg7[%get3A_696, %get3A_697] {strides = array<i32>} : memref<520x128xf32, #tpu.memory_space<vmem>>, vector<16xf32>,
        %get3A_699 = arith.index_cast %squeeze3A_690 : i32 to index
        %get3A_700 = arith.constant 32 : index
        %get3A_701 = tpu.vector_load %arg7[%get3A_699, %get3A_700] {strides = array<i32>} : memref<520x128xf32, #tpu.memory_space<vmem>>, vector<16xf32>,
        %get3A_702 = arith.index_cast %squeeze3A_690 : i32 to index
        %get3A_703 = arith.constant 48 : index
        %get3A_704 = tpu.vector_load %arg7[%get3A_702, %get3A_703] {strides = array<i32>} : memref<520x128xf32, #tpu.memory_space<vmem>>, vector<16xf32>,
        %get3A_705 = arith.index_cast %squeeze3A_692 : i32 to index
        %get3A_706 = arith.constant 0 : index
        %get3A_707 = tpu.vector_load %arg7[%get3A_705, %get3A_706] {strides = array<i32>} : memref<520x128xf32, #tpu.memory_space<vmem>>, vector<16xf32>,
        %get3A_708 = arith.index_cast %squeeze3A_692 : i32 to index
        %get3A_709 = arith.constant 16 : index
        %get3A_710 = tpu.vector_load %arg7[%get3A_708, %get3A_709] {strides = array<i32>} : memref<520x128xf32, #tpu.memory_space<vmem>>, vector<16xf32>,
        %get3A_711 = arith.index_cast %squeeze3A_692 : i32 to index
        %get3A_712 = arith.constant 32 : index
        %get3A_713 = tpu.vector_load %arg7[%get3A_711, %get3A_712] {strides = array<i32>} : memref<520x128xf32, #tpu.memory_space<vmem>>, vector<16xf32>,
        %get3A_714 = arith.index_cast %squeeze3A_692 : i32 to index
        %get3A_715 = arith.constant 48 : index
        %get3A_716 = tpu.vector_load %arg7[%get3A_714, %get3A_715] {strides = array<i32>} : memref<520x128xf32, #tpu.memory_space<vmem>>, vector<16xf32>,
        %mul3A_717 = arith.constant 16 : i32
        %mul3A_718 = arith.muli %scan3A_391, %mul3A_717 : i32
        %add3A_719 = arith.constant 10 : i32
        %add3A_720 = arith.addi %mul3A_718, %add3A_719 : i32
        %sub3A_721 = arith.constant 2 : i32
        %sub3A_722 = arith.subi %add3A_720, %sub3A_721 : i32
        %swap3A_723 = arith.index_cast %sub3A_722 : i32 to index
        %swap3A_724 = arith.constant 0 : index
        %swap3A_725 = tpu.vector_load %arg11[%swap3A_723, %swap3A_724] {strides = array<i32>} : memref<128x65xf32, #tpu.memory_space<vmem>>, vector<16xf32>,
        tpu.vector_store %arg11[%swap3A_723, %swap3A_724], %get3A_629 {strides = array<i32>} : memref<128x65xf32, #tpu.memory_space<vmem>>, vector<16xf32>,
        %add3A_726 = arith.constant 1 : i32
        %add3A_727 = arith.addi %sub3A_722, %add3A_726 : i32
        %swap3A_728 = arith.index_cast %add3A_727 : i32 to index
        %swap3A_729 = arith.constant 0 : index
        %swap3A_730 = tpu.vector_load %arg11[%swap3A_728, %swap3A_729] {strides = array<i32>} : memref<128x65xf32, #tpu.memory_space<vmem>>, vector<16xf32>,
        tpu.vector_store %arg11[%swap3A_728, %swap3A_729], %get3A_641 {strides = array<i32>} : memref<128x65xf32, #tpu.memory_space<vmem>>, vector<16xf32>,
        %swap3A_731 = arith.index_cast %sub3A_722 : i32 to index
        %swap3A_732 = arith.constant 16 : index
        %swap3A_733 = tpu.vector_load %arg11[%swap3A_731, %swap3A_732] {strides = array<i32>} : memref<128x65xf32, #tpu.memory_space<vmem>>, vector<16xf32>,
        tpu.vector_store %arg11[%swap3A_731, %swap3A_732], %get3A_632 {strides = array<i32>} : memref<128x65xf32, #tpu.memory_space<vmem>>, vector<16xf32>,
        %add3A_734 = arith.constant 1 : i32
        %add3A_735 = arith.addi %sub3A_722, %add3A_734 : i32
        %swap3A_736 = arith.index_cast %add3A_735 : i32 to index
        %swap3A_737 = arith.constant 16 : index
        %swap3A_738 = tpu.vector_load %arg11[%swap3A_736, %swap3A_737] {strides = array<i32>} : memref<128x65xf32, #tpu.memory_space<vmem>>, vector<16xf32>,
        tpu.vector_store %arg11[%swap3A_736, %swap3A_737], %get3A_644 {strides = array<i32>} : memref<128x65xf32, #tpu.memory_space<vmem>>, vector<16xf32>,
        %swap3A_739 = arith.index_cast %sub3A_722 : i32 to index
        %swap3A_740 = arith.constant 32 : index
        %swap3A_741 = tpu.vector_load %arg11[%swap3A_739, %swap3A_740] {strides = array<i32>} : memref<128x65xf32, #tpu.memory_space<vmem>>, vector<16xf32>,
        tpu.vector_store %arg11[%swap3A_739, %swap3A_740], %get3A_635 {strides = array<i32>} : memref<128x65xf32, #tpu.memory_space<vmem>>, vector<16xf32>,
        %add3A_742 = arith.constant 1 : i32
        %add3A_743 = arith.addi %sub3A_722, %add3A_742 : i32
        %swap3A_744 = arith.index_cast %add3A_743 : i32 to index
        %swap3A_745 = arith.constant 32 : index
        %swap3A_746 = tpu.vector_load %arg11[%swap3A_744, %swap3A_745] {strides = array<i32>} : memref<128x65xf32, #tpu.memory_space<vmem>>, vector<16xf32>,
        tpu.vector_store %arg11[%swap3A_744, %swap3A_745], %get3A_647 {strides = array<i32>} : memref<128x65xf32, #tpu.memory_space<vmem>>, vector<16xf32>,
        %swap3A_747 = arith.index_cast %sub3A_722 : i32 to index
        %swap3A_748 = arith.constant 48 : index
        %swap3A_749 = tpu.vector_load %arg11[%swap3A_747, %swap3A_748] {strides = array<i32>} : memref<128x65xf32, #tpu.memory_space<vmem>>, vector<16xf32>,
        tpu.vector_store %arg11[%swap3A_747, %swap3A_748], %get3A_638 {strides = array<i32>} : memref<128x65xf32, #tpu.memory_space<vmem>>, vector<16xf32>,
        %add3A_750 = arith.constant 1 : i32
        %add3A_751 = arith.addi %sub3A_722, %add3A_750 : i32
        %swap3A_752 = arith.index_cast %add3A_751 : i32 to index
        %swap3A_753 = arith.constant 48 : index
        %swap3A_754 = tpu.vector_load %arg11[%swap3A_752, %swap3A_753] {strides = array<i32>} : memref<128x65xf32, #tpu.memory_space<vmem>>, vector<16xf32>,
        tpu.vector_store %arg11[%swap3A_752, %swap3A_753], %get3A_650 {strides = array<i32>} : memref<128x65xf32, #tpu.memory_space<vmem>>, vector<16xf32>,
        %slice3A_755 = vector.extract_strided_slice %get3A_398 {offsets = [12], sizes = [1], strides = [1]} : vector<16xi32> to vector<1xi32>
        %squeeze3A_756 = vector.extract %slice3A_755[0] : i32 from vector<1xi32>
        %slice3A_757 = vector.extract_strided_slice %get3A_398 {offsets = [13], sizes = [1], strides = [1]} : vector<16xi32> to vector<1xi32>
        %squeeze3A_758 = vector.extract %slice3A_757[0] : i32 from vector<1xi32>
        %get3A_759 = arith.index_cast %squeeze3A_756 : i32 to index
        %get3A_760 = arith.constant 0 : index
        %get3A_761 = tpu.vector_load %arg7[%get3A_759, %get3A_760] {strides = array<i32>} : memref<520x128xf32, #tpu.memory_space<vmem>>, vector<16xf32>,
        %get3A_762 = arith.index_cast %squeeze3A_756 : i32 to index
        %get3A_763 = arith.constant 16 : index
        %get3A_764 = tpu.vector_load %arg7[%get3A_762, %get3A_763] {strides = array<i32>} : memref<520x128xf32, #tpu.memory_space<vmem>>, vector<16xf32>,
        %get3A_765 = arith.index_cast %squeeze3A_756 : i32 to index
        %get3A_766 = arith.constant 32 : index
        %get3A_767 = tpu.vector_load %arg7[%get3A_765, %get3A_766] {strides = array<i32>} : memref<520x128xf32, #tpu.memory_space<vmem>>, vector<16xf32>,
        %get3A_768 = arith.index_cast %squeeze3A_756 : i32 to index
        %get3A_769 = arith.constant 48 : index
        %get3A_770 = tpu.vector_load %arg7[%get3A_768, %get3A_769] {strides = array<i32>} : memref<520x128xf32, #tpu.memory_space<vmem>>, vector<16xf32>,
        %get3A_771 = arith.index_cast %squeeze3A_758 : i32 to index
        %get3A_772 = arith.constant 0 : index
        %get3A_773 = tpu.vector_load %arg7[%get3A_771, %get3A_772] {strides = array<i32>} : memref<520x128xf32, #tpu.memory_space<vmem>>, vector<16xf32>,
        %get3A_774 = arith.index_cast %squeeze3A_758 : i32 to index
        %get3A_775 = arith.constant 16 : index
        %get3A_776 = tpu.vector_load %arg7[%get3A_774, %get3A_775] {strides = array<i32>} : memref<520x128xf32, #tpu.memory_space<vmem>>, vector<16xf32>,
        %get3A_777 = arith.index_cast %squeeze3A_758 : i32 to index
        %get3A_778 = arith.constant 32 : index
        %get3A_779 = tpu.vector_load %arg7[%get3A_777, %get3A_778] {strides = array<i32>} : memref<520x128xf32, #tpu.memory_space<vmem>>, vector<16xf32>,
        %get3A_780 = arith.index_cast %squeeze3A_758 : i32 to index
        %get3A_781 = arith.constant 48 : index
        %get3A_782 = tpu.vector_load %arg7[%get3A_780, %get3A_781] {strides = array<i32>} : memref<520x128xf32, #tpu.memory_space<vmem>>, vector<16xf32>,
        %mul3A_783 = arith.constant 16 : i32
        %mul3A_784 = arith.muli %scan3A_391, %mul3A_783 : i32
        %add3A_785 = arith.constant 12 : i32
        %add3A_786 = arith.addi %mul3A_784, %add3A_785 : i32
        %sub3A_787 = arith.constant 2 : i32
        %sub3A_788 = arith.subi %add3A_786, %sub3A_787 : i32
        %swap3A_789 = arith.index_cast %sub3A_788 : i32 to index
        %swap3A_790 = arith.constant 0 : index
        %swap3A_791 = tpu.vector_load %arg11[%swap3A_789, %swap3A_790] {strides = array<i32>} : memref<128x65xf32, #tpu.memory_space<vmem>>, vector<16xf32>,
        tpu.vector_store %arg11[%swap3A_789, %swap3A_790], %get3A_695 {strides = array<i32>} : memref<128x65xf32, #tpu.memory_space<vmem>>, vector<16xf32>,
        %add3A_792 = arith.constant 1 : i32
        %add3A_793 = arith.addi %sub3A_788, %add3A_792 : i32
        %swap3A_794 = arith.index_cast %add3A_793 : i32 to index
        %swap3A_795 = arith.constant 0 : index
        %swap3A_796 = tpu.vector_load %arg11[%swap3A_794, %swap3A_795] {strides = array<i32>} : memref<128x65xf32, #tpu.memory_space<vmem>>, vector<16xf32>,
        tpu.vector_store %arg11[%swap3A_794, %swap3A_795], %get3A_707 {strides = array<i32>} : memref<128x65xf32, #tpu.memory_space<vmem>>, vector<16xf32>,
        %swap3A_797 = arith.index_cast %sub3A_788 : i32 to index
        %swap3A_798 = arith.constant 16 : index
        %swap3A_799 = tpu.vector_load %arg11[%swap3A_797, %swap3A_798] {strides = array<i32>} : memref<128x65xf32, #tpu.memory_space<vmem>>, vector<16xf32>,
        tpu.vector_store %arg11[%swap3A_797, %swap3A_798], %get3A_698 {strides = array<i32>} : memref<128x65xf32, #tpu.memory_space<vmem>>, vector<16xf32>,
        %add3A_800 = arith.constant 1 : i32
        %add3A_801 = arith.addi %sub3A_788, %add3A_800 : i32
        %swap3A_802 = arith.index_cast %add3A_801 : i32 to index
        %swap3A_803 = arith.constant 16 : index
        %swap3A_804 = tpu.vector_load %arg11[%swap3A_802, %swap3A_803] {strides = array<i32>} : memref<128x65xf32, #tpu.memory_space<vmem>>, vector<16xf32>,
        tpu.vector_store %arg11[%swap3A_802, %swap3A_803], %get3A_710 {strides = array<i32>} : memref<128x65xf32, #tpu.memory_space<vmem>>, vector<16xf32>,
        %swap3A_805 = arith.index_cast %sub3A_788 : i32 to index
        %swap3A_806 = arith.constant 32 : index
        %swap3A_807 = tpu.vector_load %arg11[%swap3A_805, %swap3A_806] {strides = array<i32>} : memref<128x65xf32, #tpu.memory_space<vmem>>, vector<16xf32>,
        tpu.vector_store %arg11[%swap3A_805, %swap3A_806], %get3A_701 {strides = array<i32>} : memref<128x65xf32, #tpu.memory_space<vmem>>, vector<16xf32>,
        %add3A_808 = arith.constant 1 : i32
        %add3A_809 = arith.addi %sub3A_788, %add3A_808 : i32
        %swap3A_810 = arith.index_cast %add3A_809 : i32 to index
        %swap3A_811 = arith.constant 32 : index
        %swap3A_812 = tpu.vector_load %arg11[%swap3A_810, %swap3A_811] {strides = array<i32>} : memref<128x65xf32, #tpu.memory_space<vmem>>, vector<16xf32>,
        tpu.vector_store %arg11[%swap3A_810, %swap3A_811], %get3A_713 {strides = array<i32>} : memref<128x65xf32, #tpu.memory_space<vmem>>, vector<16xf32>,
        %swap3A_813 = arith.index_cast %sub3A_788 : i32 to index
        %swap3A_814 = arith.constant 48 : index
        %swap3A_815 = tpu.vector_load %arg11[%swap3A_813, %swap3A_814] {strides = array<i32>} : memref<128x65xf32, #tpu.memory_space<vmem>>, vector<16xf32>,
        tpu.vector_store %arg11[%swap3A_813, %swap3A_814], %get3A_704 {strides = array<i32>} : memref<128x65xf32, #tpu.memory_space<vmem>>, vector<16xf32>,
        %add3A_816 = arith.constant 1 : i32
        %add3A_817 = arith.addi %sub3A_788, %add3A_816 : i32
        %swap3A_818 = arith.index_cast %add3A_817 : i32 to index
        %swap3A_819 = arith.constant 48 : index
        %swap3A_820 = tpu.vector_load %arg11[%swap3A_818, %swap3A_819] {strides = array<i32>} : memref<128x65xf32, #tpu.memory_space<vmem>>, vector<16xf32>,
        tpu.vector_store %arg11[%swap3A_818, %swap3A_819], %get3A_716 {strides = array<i32>} : memref<128x65xf32, #tpu.memory_space<vmem>>, vector<16xf32>,
        %slice3A_821 = vector.extract_strided_slice %get3A_398 {offsets = [14], sizes = [1], strides = [1]} : vector<16xi32> to vector<1xi32>
        %squeeze3A_822 = vector.extract %slice3A_821[0] : i32 from vector<1xi32>
        %slice3A_823 = vector.extract_strided_slice %get3A_398 {offsets = [15], sizes = [1], strides = [1]} : vector<16xi32> to vector<1xi32>
        %squeeze3A_824 = vector.extract %slice3A_823[0] : i32 from vector<1xi32>
        %get3A_825 = arith.index_cast %squeeze3A_822 : i32 to index
        %get3A_826 = arith.constant 0 : index
        %get3A_827 = tpu.vector_load %arg7[%get3A_825, %get3A_826] {strides = array<i32>} : memref<520x128xf32, #tpu.memory_space<vmem>>, vector<16xf32>,
        %get3A_828 = arith.index_cast %squeeze3A_822 : i32 to index
        %get3A_829 = arith.constant 16 : index
        %get3A_830 = tpu.vector_load %arg7[%get3A_828, %get3A_829] {strides = array<i32>} : memref<520x128xf32, #tpu.memory_space<vmem>>, vector<16xf32>,
        %get3A_831 = arith.index_cast %squeeze3A_822 : i32 to index
        %get3A_832 = arith.constant 32 : index
        %get3A_833 = tpu.vector_load %arg7[%get3A_831, %get3A_832] {strides = array<i32>} : memref<520x128xf32, #tpu.memory_space<vmem>>, vector<16xf32>,
        %get3A_834 = arith.index_cast %squeeze3A_822 : i32 to index
        %get3A_835 = arith.constant 48 : index
        %get3A_836 = tpu.vector_load %arg7[%get3A_834, %get3A_835] {strides = array<i32>} : memref<520x128xf32, #tpu.memory_space<vmem>>, vector<16xf32>,
        %get3A_837 = arith.index_cast %squeeze3A_824 : i32 to index
        %get3A_838 = arith.constant 0 : index
        %get3A_839 = tpu.vector_load %arg7[%get3A_837, %get3A_838] {strides = array<i32>} : memref<520x128xf32, #tpu.memory_space<vmem>>, vector<16xf32>,
        %get3A_840 = arith.index_cast %squeeze3A_824 : i32 to index
        %get3A_841 = arith.constant 16 : index
        %get3A_842 = tpu.vector_load %arg7[%get3A_840, %get3A_841] {strides = array<i32>} : memref<520x128xf32, #tpu.memory_space<vmem>>, vector<16xf32>,
        %get3A_843 = arith.index_cast %squeeze3A_824 : i32 to index
        %get3A_844 = arith.constant 32 : index
        %get3A_845 = tpu.vector_load %arg7[%get3A_843, %get3A_844] {strides = array<i32>} : memref<520x128xf32, #tpu.memory_space<vmem>>, vector<16xf32>,
        %get3A_846 = arith.index_cast %squeeze3A_824 : i32 to index
        %get3A_847 = arith.constant 48 : index
        %get3A_848 = tpu.vector_load %arg7[%get3A_846, %get3A_847] {strides = array<i32>} : memref<520x128xf32, #tpu.memory_space<vmem>>, vector<16xf32>,
        %mul3A_849 = arith.constant 16 : i32
        %mul3A_850 = arith.muli %scan3A_391, %mul3A_849 : i32
        %add3A_851 = arith.constant 14 : i32
        %add3A_852 = arith.addi %mul3A_850, %add3A_851 : i32
        %sub3A_853 = arith.constant 2 : i32
        %sub3A_854 = arith.subi %add3A_852, %sub3A_853 : i32
        %swap3A_855 = arith.index_cast %sub3A_854 : i32 to index
        %swap3A_856 = arith.constant 0 : index
        %swap3A_857 = tpu.vector_load %arg11[%swap3A_855, %swap3A_856] {strides = array<i32>} : memref<128x65xf32, #tpu.memory_space<vmem>>, vector<16xf32>,
        tpu.vector_store %arg11[%swap3A_855, %swap3A_856], %get3A_761 {strides = array<i32>} : memref<128x65xf32, #tpu.memory_space<vmem>>, vector<16xf32>,
        %add3A_858 = arith.constant 1 : i32
        %add3A_859 = arith.addi %sub3A_854, %add3A_858 : i32
        %swap3A_860 = arith.index_cast %add3A_859 : i32 to index
        %swap3A_861 = arith.constant 0 : index
        %swap3A_862 = tpu.vector_load %arg11[%swap3A_860, %swap3A_861] {strides = array<i32>} : memref<128x65xf32, #tpu.memory_space<vmem>>, vector<16xf32>,
        tpu.vector_store %arg11[%swap3A_860, %swap3A_861], %get3A_773 {strides = array<i32>} : memref<128x65xf32, #tpu.memory_space<vmem>>, vector<16xf32>,
        %swap3A_863 = arith.index_cast %sub3A_854 : i32 to index
        %swap3A_864 = arith.constant 16 : index
        %swap3A_865 = tpu.vector_load %arg11[%swap3A_863, %swap3A_864] {strides = array<i32>} : memref<128x65xf32, #tpu.memory_space<vmem>>, vector<16xf32>,
        tpu.vector_store %arg11[%swap3A_863, %swap3A_864], %get3A_764 {strides = array<i32>} : memref<128x65xf32, #tpu.memory_space<vmem>>, vector<16xf32>,
        %add3A_866 = arith.constant 1 : i32
        %add3A_867 = arith.addi %sub3A_854, %add3A_866 : i32
        %swap3A_868 = arith.index_cast %add3A_867 : i32 to index
        %swap3A_869 = arith.constant 16 : index
        %swap3A_870 = tpu.vector_load %arg11[%swap3A_868, %swap3A_869] {strides = array<i32>} : memref<128x65xf32, #tpu.memory_space<vmem>>, vector<16xf32>,
        tpu.vector_store %arg11[%swap3A_868, %swap3A_869], %get3A_776 {strides = array<i32>} : memref<128x65xf32, #tpu.memory_space<vmem>>, vector<16xf32>,
        %swap3A_871 = arith.index_cast %sub3A_854 : i32 to index
        %swap3A_872 = arith.constant 32 : index
        %swap3A_873 = tpu.vector_load %arg11[%swap3A_871, %swap3A_872] {strides = array<i32>} : memref<128x65xf32, #tpu.memory_space<vmem>>, vector<16xf32>,
        tpu.vector_store %arg11[%swap3A_871, %swap3A_872], %get3A_767 {strides = array<i32>} : memref<128x65xf32, #tpu.memory_space<vmem>>, vector<16xf32>,
        %add3A_874 = arith.constant 1 : i32
        %add3A_875 = arith.addi %sub3A_854, %add3A_874 : i32
        %swap3A_876 = arith.index_cast %add3A_875 : i32 to index
        %swap3A_877 = arith.constant 32 : index
        %swap3A_878 = tpu.vector_load %arg11[%swap3A_876, %swap3A_877] {strides = array<i32>} : memref<128x65xf32, #tpu.memory_space<vmem>>, vector<16xf32>,
        tpu.vector_store %arg11[%swap3A_876, %swap3A_877], %get3A_779 {strides = array<i32>} : memref<128x65xf32, #tpu.memory_space<vmem>>, vector<16xf32>,
        %swap3A_879 = arith.index_cast %sub3A_854 : i32 to index
        %swap3A_880 = arith.constant 48 : index
        %swap3A_881 = tpu.vector_load %arg11[%swap3A_879, %swap3A_880] {strides = array<i32>} : memref<128x65xf32, #tpu.memory_space<vmem>>, vector<16xf32>,
        tpu.vector_store %arg11[%swap3A_879, %swap3A_880], %get3A_770 {strides = array<i32>} : memref<128x65xf32, #tpu.memory_space<vmem>>, vector<16xf32>,
        %add3A_882 = arith.constant 1 : i32
        %add3A_883 = arith.addi %sub3A_854, %add3A_882 : i32
        %swap3A_884 = arith.index_cast %add3A_883 : i32 to index
        %swap3A_885 = arith.constant 48 : index
        %swap3A_886 = tpu.vector_load %arg11[%swap3A_884, %swap3A_885] {strides = array<i32>} : memref<128x65xf32, #tpu.memory_space<vmem>>, vector<16xf32>,
        tpu.vector_store %arg11[%swap3A_884, %swap3A_885], %get3A_782 {strides = array<i32>} : memref<128x65xf32, #tpu.memory_space<vmem>>, vector<16xf32>,
        %mul3A_887 = arith.constant 16 : i32
        %mul3A_888 = arith.muli %scan3A_391, %mul3A_887 : i32
        %add3A_889 = arith.constant 14 : i32
        %add3A_890 = arith.addi %mul3A_888, %add3A_889 : i32
        %swap3A_891 = arith.index_cast %add3A_890 : i32 to index
        %swap3A_892 = arith.constant 0 : index
        %swap3A_893 = tpu.vector_load %arg11[%swap3A_891, %swap3A_892] {strides = array<i32>} : memref<128x65xf32, #tpu.memory_space<vmem>>, vector<16xf32>,
        tpu.vector_store %arg11[%swap3A_891, %swap3A_892], %get3A_827 {strides = array<i32>} : memref<128x65xf32, #tpu.memory_space<vmem>>, vector<16xf32>,
        %add3A_894 = arith.constant 1 : i32
        %add3A_895 = arith.addi %add3A_890, %add3A_894 : i32
        %swap3A_896 = arith.index_cast %add3A_895 : i32 to index
        %swap3A_897 = arith.constant 0 : index
        %swap3A_898 = tpu.vector_load %arg11[%swap3A_896, %swap3A_897] {strides = array<i32>} : memref<128x65xf32, #tpu.memory_space<vmem>>, vector<16xf32>,
        tpu.vector_store %arg11[%swap3A_896, %swap3A_897], %get3A_839 {strides = array<i32>} : memref<128x65xf32, #tpu.memory_space<vmem>>, vector<16xf32>,
        %swap3A_899 = arith.index_cast %add3A_890 : i32 to index
        %swap3A_900 = arith.constant 16 : index
        %swap3A_901 = tpu.vector_load %arg11[%swap3A_899, %swap3A_900] {strides = array<i32>} : memref<128x65xf32, #tpu.memory_space<vmem>>, vector<16xf32>,
        tpu.vector_store %arg11[%swap3A_899, %swap3A_900], %get3A_830 {strides = array<i32>} : memref<128x65xf32, #tpu.memory_space<vmem>>, vector<16xf32>,
        %add3A_902 = arith.constant 1 : i32
        %add3A_903 = arith.addi %add3A_890, %add3A_902 : i32
        %swap3A_904 = arith.index_cast %add3A_903 : i32 to index
        %swap3A_905 = arith.constant 16 : index
        %swap3A_906 = tpu.vector_load %arg11[%swap3A_904, %swap3A_905] {strides = array<i32>} : memref<128x65xf32, #tpu.memory_space<vmem>>, vector<16xf32>,
        tpu.vector_store %arg11[%swap3A_904, %swap3A_905], %get3A_842 {strides = array<i32>} : memref<128x65xf32, #tpu.memory_space<vmem>>, vector<16xf32>,
        %swap3A_907 = arith.index_cast %add3A_890 : i32 to index
        %swap3A_908 = arith.constant 32 : index
        %swap3A_909 = tpu.vector_load %arg11[%swap3A_907, %swap3A_908] {strides = array<i32>} : memref<128x65xf32, #tpu.memory_space<vmem>>, vector<16xf32>,
        tpu.vector_store %arg11[%swap3A_907, %swap3A_908], %get3A_833 {strides = array<i32>} : memref<128x65xf32, #tpu.memory_space<vmem>>, vector<16xf32>,
        %add3A_910 = arith.constant 1 : i32
        %add3A_911 = arith.addi %add3A_890, %add3A_910 : i32
        %swap3A_912 = arith.index_cast %add3A_911 : i32 to index
        %swap3A_913 = arith.constant 32 : index
        %swap3A_914 = tpu.vector_load %arg11[%swap3A_912, %swap3A_913] {strides = array<i32>} : memref<128x65xf32, #tpu.memory_space<vmem>>, vector<16xf32>,
        tpu.vector_store %arg11[%swap3A_912, %swap3A_913], %get3A_845 {strides = array<i32>} : memref<128x65xf32, #tpu.memory_space<vmem>>, vector<16xf32>,
        %swap3A_915 = arith.index_cast %add3A_890 : i32 to index
        %swap3A_916 = arith.constant 48 : index
        %swap3A_917 = tpu.vector_load %arg11[%swap3A_915, %swap3A_916] {strides = array<i32>} : memref<128x65xf32, #tpu.memory_space<vmem>>, vector<16xf32>,
        tpu.vector_store %arg11[%swap3A_915, %swap3A_916], %get3A_836 {strides = array<i32>} : memref<128x65xf32, #tpu.memory_space<vmem>>, vector<16xf32>,
        %add3A_918 = arith.constant 1 : i32
        %add3A_919 = arith.addi %add3A_890, %add3A_918 : i32
        %swap3A_920 = arith.index_cast %add3A_919 : i32 to index
        %swap3A_921 = arith.constant 48 : index
        %swap3A_922 = tpu.vector_load %arg11[%swap3A_920, %swap3A_921] {strides = array<i32>} : memref<128x65xf32, #tpu.memory_space<vmem>>, vector<16xf32>,
        tpu.vector_store %arg11[%swap3A_920, %swap3A_921], %get3A_848 {strides = array<i32>} : memref<128x65xf32, #tpu.memory_space<vmem>>, vector<16xf32>,
      }
      %scan3A_49 = arith.constant 8 : i32
      %add3A_50 = arith.constant 0 : i32
      %add3A_51 = vector.broadcast %add3A_50 : i32 to vector<16xi32>
      %add3A_52 = arith.addi %iota3A_13, %add3A_51 : vector<16xi32>
      %mul3A_53 = arith.constant 128 : i32
      %mul3A_54 = arith.muli %mul3A_37, %mul3A_53 : i32
      %add3A_55 = arith.constant 0 : i32
      %add3A_56 = arith.addi %mul3A_54, %add3A_55 : i32
      %get3A = arith.index_cast %add3A_56 : i32 to index
      %get3A_57 = tpu.vector_load %arg10[%get3A] {strides = array<i32>} : memref<4096xi32, #tpu.memory_space<vmem>>, vector<16xi32>,
      %gather3A = tpu.vector_load_idx %arg7[%get3A_57, %broadcast_in_dim3A_10] : memref<520x128xf32, #tpu.memory_space<vmem>>[vector<16xi32>, vector<16xi32>], vector<16xf32>,
      tpu.vector_store_idx %arg11[%add3A_52, %broadcast_in_dim3A_10], %gather3A : memref<128x65xf32, #tpu.memory_space<vmem>>[vector<16xi32>, vector<16xi32>], vector<16xf32>,
      %mul3A_58 = arith.constant 128 : i32
      %mul3A_59 = arith.muli %mul3A_37, %mul3A_58 : i32
      %add3A_60 = arith.constant 0 : i32
      %add3A_61 = arith.addi %mul3A_59, %add3A_60 : i32
      %get3A_62 = arith.index_cast %add3A_61 : i32 to index
      %get3A_63 = tpu.vector_load %arg9[%get3A_62] {strides = array<i32>} : memref<4096xi32, #tpu.memory_space<vmem>>, vector<16xi32>,
      %gather3A_64 = tpu.vector_load_idx %arg7[%get3A_57, %broadcast_in_dim3A_12] : memref<520x128xf32, #tpu.memory_space<vmem>>[vector<16xi32>, vector<16xi32>], vector<16xf32>,
      %gather3A_65 = tpu.vector_load_idx %arg7[%get3A_57, %get3A_63] : memref<520x128xf32, #tpu.memory_space<vmem>>[vector<16xi32>, vector<16xi32>], vector<16xf32>,
      %sub3A = arith.subf %gather3A_64, %gather3A_65 : vector<16xf32>
      %add3A_66 = arith.addf %scan3A_35, %sub3A : vector<16xf32>
      %add3A_67 = arith.constant 16 : i32
      %add3A_68 = vector.broadcast %add3A_67 : i32 to vector<16xi32>
      %add3A_69 = arith.addi %iota3A_13, %add3A_68 : vector<16xi32>
      %mul3A_70 = arith.constant 128 : i32
      %mul3A_71 = arith.muli %mul3A_37, %mul3A_70 : i32
      %add3A_72 = arith.constant 16 : i32
      %add3A_73 = arith.addi %mul3A_71, %add3A_72 : i32
      %get3A_74 = arith.index_cast %add3A_73 : i32 to index
      %get3A_75 = tpu.vector_load %arg10[%get3A_74] {strides = array<i32>} : memref<4096xi32, #tpu.memory_space<vmem>>, vector<16xi32>,
      %gather3A_76 = tpu.vector_load_idx %arg7[%get3A_75, %broadcast_in_dim3A_10] : memref<520x128xf32, #tpu.memory_space<vmem>>[vector<16xi32>, vector<16xi32>], vector<16xf32>,
      tpu.vector_store_idx %arg11[%add3A_69, %broadcast_in_dim3A_10], %gather3A_76 : memref<128x65xf32, #tpu.memory_space<vmem>>[vector<16xi32>, vector<16xi32>], vector<16xf32>,
      %mul3A_77 = arith.constant 128 : i32
      %mul3A_78 = arith.muli %mul3A_37, %mul3A_77 : i32
      %add3A_79 = arith.constant 16 : i32
      %add3A_80 = arith.addi %mul3A_78, %add3A_79 : i32
      %get3A_81 = arith.index_cast %add3A_80 : i32 to index
      %get3A_82 = tpu.vector_load %arg9[%get3A_81] {strides = array<i32>} : memref<4096xi32, #tpu.memory_space<vmem>>, vector<16xi32>,
      %gather3A_83 = tpu.vector_load_idx %arg7[%get3A_75, %broadcast_in_dim3A_12] : memref<520x128xf32, #tpu.memory_space<vmem>>[vector<16xi32>, vector<16xi32>], vector<16xf32>,
      %gather3A_84 = tpu.vector_load_idx %arg7[%get3A_75, %get3A_82] : memref<520x128xf32, #tpu.memory_space<vmem>>[vector<16xi32>, vector<16xi32>], vector<16xf32>,
      %sub3A_85 = arith.subf %gather3A_83, %gather3A_84 : vector<16xf32>
      %add3A_86 = arith.addf %add3A_66, %sub3A_85 : vector<16xf32>
      %add3A_87 = arith.constant 32 : i32
      %add3A_88 = vector.broadcast %add3A_87 : i32 to vector<16xi32>
      %add3A_89 = arith.addi %iota3A_13, %add3A_88 : vector<16xi32>
      %mul3A_90 = arith.constant 128 : i32
      %mul3A_91 = arith.muli %mul3A_37, %mul3A_90 : i32
      %add3A_92 = arith.constant 32 : i32
      %add3A_93 = arith.addi %mul3A_91, %add3A_92 : i32
      %get3A_94 = arith.index_cast %add3A_93 : i32 to index
      %get3A_95 = tpu.vector_load %arg10[%get3A_94] {strides = array<i32>} : memref<4096xi32, #tpu.memory_space<vmem>>, vector<16xi32>,
      %gather3A_96 = tpu.vector_load_idx %arg7[%get3A_95, %broadcast_in_dim3A_10] : memref<520x128xf32, #tpu.memory_space<vmem>>[vector<16xi32>, vector<16xi32>], vector<16xf32>,
      tpu.vector_store_idx %arg11[%add3A_89, %broadcast_in_dim3A_10], %gather3A_96 : memref<128x65xf32, #tpu.memory_space<vmem>>[vector<16xi32>, vector<16xi32>], vector<16xf32>,
      %mul3A_97 = arith.constant 128 : i32
      %mul3A_98 = arith.muli %mul3A_37, %mul3A_97 : i32
      %add3A_99 = arith.constant 32 : i32
      %add3A_100 = arith.addi %mul3A_98, %add3A_99 : i32
      %get3A_101 = arith.index_cast %add3A_100 : i32 to index
      %get3A_102 = tpu.vector_load %arg9[%get3A_101] {strides = array<i32>} : memref<4096xi32, #tpu.memory_space<vmem>>, vector<16xi32>,
      %gather3A_103 = tpu.vector_load_idx %arg7[%get3A_95, %broadcast_in_dim3A_12] : memref<520x128xf32, #tpu.memory_space<vmem>>[vector<16xi32>, vector<16xi32>], vector<16xf32>,
      %gather3A_104 = tpu.vector_load_idx %arg7[%get3A_95, %get3A_102] : memref<520x128xf32, #tpu.memory_space<vmem>>[vector<16xi32>, vector<16xi32>], vector<16xf32>,
      %sub3A_105 = arith.subf %gather3A_103, %gather3A_104 : vector<16xf32>
      %add3A_106 = arith.addf %add3A_86, %sub3A_105 : vector<16xf32>
      %add3A_107 = arith.constant 48 : i32
      %add3A_108 = vector.broadcast %add3A_107 : i32 to vector<16xi32>
      %add3A_109 = arith.addi %iota3A_13, %add3A_108 : vector<16xi32>
      %mul3A_110 = arith.constant 128 : i32
      %mul3A_111 = arith.muli %mul3A_37, %mul3A_110 : i32
      %add3A_112 = arith.constant 48 : i32
      %add3A_113 = arith.addi %mul3A_111, %add3A_112 : i32
      %get3A_114 = arith.index_cast %add3A_113 : i32 to index
      %get3A_115 = tpu.vector_load %arg10[%get3A_114] {strides = array<i32>} : memref<4096xi32, #tpu.memory_space<vmem>>, vector<16xi32>,
      %gather3A_116 = tpu.vector_load_idx %arg7[%get3A_115, %broadcast_in_dim3A_10] : memref<520x128xf32, #tpu.memory_space<vmem>>[vector<16xi32>, vector<16xi32>], vector<16xf32>,
      tpu.vector_store_idx %arg11[%add3A_109, %broadcast_in_dim3A_10], %gather3A_116 : memref<128x65xf32, #tpu.memory_space<vmem>>[vector<16xi32>, vector<16xi32>], vector<16xf32>,
      %mul3A_117 = arith.constant 128 : i32
      %mul3A_118 = arith.muli %mul3A_37, %mul3A_117 : i32
      %add3A_119 = arith.constant 48 : i32
      %add3A_120 = arith.addi %mul3A_118, %add3A_119 : i32
      %get3A_121 = arith.index_cast %add3A_120 : i32 to index
      %get3A_122 = tpu.vector_load %arg9[%get3A_121] {strides = array<i32>} : memref<4096xi32, #tpu.memory_space<vmem>>, vector<16xi32>,
      %gather3A_123 = tpu.vector_load_idx %arg7[%get3A_115, %broadcast_in_dim3A_12] : memref<520x128xf32, #tpu.memory_space<vmem>>[vector<16xi32>, vector<16xi32>], vector<16xf32>,
      %gather3A_124 = tpu.vector_load_idx %arg7[%get3A_115, %get3A_122] : memref<520x128xf32, #tpu.memory_space<vmem>>[vector<16xi32>, vector<16xi32>], vector<16xf32>,
      %sub3A_125 = arith.subf %gather3A_123, %gather3A_124 : vector<16xf32>
      %add3A_126 = arith.addf %add3A_106, %sub3A_125 : vector<16xf32>
      %add3A_127 = arith.constant 64 : i32
      %add3A_128 = vector.broadcast %add3A_127 : i32 to vector<16xi32>
      %add3A_129 = arith.addi %iota3A_13, %add3A_128 : vector<16xi32>
      %mul3A_130 = arith.constant 128 : i32
      %mul3A_131 = arith.muli %mul3A_37, %mul3A_130 : i32
      %add3A_132 = arith.constant 64 : i32
      %add3A_133 = arith.addi %mul3A_131, %add3A_132 : i32
      %get3A_134 = arith.index_cast %add3A_133 : i32 to index
      %get3A_135 = tpu.vector_load %arg10[%get3A_134] {strides = array<i32>} : memref<4096xi32, #tpu.memory_space<vmem>>, vector<16xi32>,
      %gather3A_136 = tpu.vector_load_idx %arg7[%get3A_135, %broadcast_in_dim3A_10] : memref<520x128xf32, #tpu.memory_space<vmem>>[vector<16xi32>, vector<16xi32>], vector<16xf32>,
      tpu.vector_store_idx %arg11[%add3A_129, %broadcast_in_dim3A_10], %gather3A_136 : memref<128x65xf32, #tpu.memory_space<vmem>>[vector<16xi32>, vector<16xi32>], vector<16xf32>,
      %mul3A_137 = arith.constant 128 : i32
      %mul3A_138 = arith.muli %mul3A_37, %mul3A_137 : i32
      %add3A_139 = arith.constant 64 : i32
      %add3A_140 = arith.addi %mul3A_138, %add3A_139 : i32
      %get3A_141 = arith.index_cast %add3A_140 : i32 to index
      %get3A_142 = tpu.vector_load %arg9[%get3A_141] {strides = array<i32>} : memref<4096xi32, #tpu.memory_space<vmem>>, vector<16xi32>,
      %gather3A_143 = tpu.vector_load_idx %arg7[%get3A_135, %broadcast_in_dim3A_12] : memref<520x128xf32, #tpu.memory_space<vmem>>[vector<16xi32>, vector<16xi32>], vector<16xf32>,
      %gather3A_144 = tpu.vector_load_idx %arg7[%get3A_135, %get3A_142] : memref<520x128xf32, #tpu.memory_space<vmem>>[vector<16xi32>, vector<16xi32>], vector<16xf32>,
      %sub3A_145 = arith.subf %gather3A_143, %gather3A_144 : vector<16xf32>
      %add3A_146 = arith.addf %add3A_126, %sub3A_145 : vector<16xf32>
      %add3A_147 = arith.constant 80 : i32
      %add3A_148 = vector.broadcast %add3A_147 : i32 to vector<16xi32>
      %add3A_149 = arith.addi %iota3A_13, %add3A_148 : vector<16xi32>
      %mul3A_150 = arith.constant 128 : i32
      %mul3A_151 = arith.muli %mul3A_37, %mul3A_150 : i32
      %add3A_152 = arith.constant 80 : i32
      %add3A_153 = arith.addi %mul3A_151, %add3A_152 : i32
      %get3A_154 = arith.index_cast %add3A_153 : i32 to index
      %get3A_155 = tpu.vector_load %arg10[%get3A_154] {strides = array<i32>} : memref<4096xi32, #tpu.memory_space<vmem>>, vector<16xi32>,
      %gather3A_156 = tpu.vector_load_idx %arg7[%get3A_155, %broadcast_in_dim3A_10] : memref<520x128xf32, #tpu.memory_space<vmem>>[vector<16xi32>, vector<16xi32>], vector<16xf32>,
      tpu.vector_store_idx %arg11[%add3A_149, %broadcast_in_dim3A_10], %gather3A_156 : memref<128x65xf32, #tpu.memory_space<vmem>>[vector<16xi32>, vector<16xi32>], vector<16xf32>,
      %mul3A_157 = arith.constant 128 : i32
      %mul3A_158 = arith.muli %mul3A_37, %mul3A_157 : i32
      %add3A_159 = arith.constant 80 : i32
      %add3A_160 = arith.addi %mul3A_158, %add3A_159 : i32
      %get3A_161 = arith.index_cast %add3A_160 : i32 to index
      %get3A_162 = tpu.vector_load %arg9[%get3A_161] {strides = array<i32>} : memref<4096xi32, #tpu.memory_space<vmem>>, vector<16xi32>,
      %gather3A_163 = tpu.vector_load_idx %arg7[%get3A_155, %broadcast_in_dim3A_12] : memref<520x128xf32, #tpu.memory_space<vmem>>[vector<16xi32>, vector<16xi32>], vector<16xf32>,
      %gather3A_164 = tpu.vector_load_idx %arg7[%get3A_155, %get3A_162] : memref<520x128xf32, #tpu.memory_space<vmem>>[vector<16xi32>, vector<16xi32>], vector<16xf32>,
      %sub3A_165 = arith.subf %gather3A_163, %gather3A_164 : vector<16xf32>
      %add3A_166 = arith.addf %add3A_146, %sub3A_165 : vector<16xf32>
      %add3A_167 = arith.constant 96 : i32
      %add3A_168 = vector.broadcast %add3A_167 : i32 to vector<16xi32>
      %add3A_169 = arith.addi %iota3A_13, %add3A_168 : vector<16xi32>
      %mul3A_170 = arith.constant 128 : i32
      %mul3A_171 = arith.muli %mul3A_37, %mul3A_170 : i32
      %add3A_172 = arith.constant 96 : i32
      %add3A_173 = arith.addi %mul3A_171, %add3A_172 : i32
      %get3A_174 = arith.index_cast %add3A_173 : i32 to index
      %get3A_175 = tpu.vector_load %arg10[%get3A_174] {strides = array<i32>} : memref<4096xi32, #tpu.memory_space<vmem>>, vector<16xi32>,
      %gather3A_176 = tpu.vector_load_idx %arg7[%get3A_175, %broadcast_in_dim3A_10] : memref<520x128xf32, #tpu.memory_space<vmem>>[vector<16xi32>, vector<16xi32>], vector<16xf32>,
      tpu.vector_store_idx %arg11[%add3A_169, %broadcast_in_dim3A_10], %gather3A_176 : memref<128x65xf32, #tpu.memory_space<vmem>>[vector<16xi32>, vector<16xi32>], vector<16xf32>,
      %mul3A_177 = arith.constant 128 : i32
      %mul3A_178 = arith.muli %mul3A_37, %mul3A_177 : i32
      %add3A_179 = arith.constant 96 : i32
      %add3A_180 = arith.addi %mul3A_178, %add3A_179 : i32
      %get3A_181 = arith.index_cast %add3A_180 : i32 to index
      %get3A_182 = tpu.vector_load %arg9[%get3A_181] {strides = array<i32>} : memref<4096xi32, #tpu.memory_space<vmem>>, vector<16xi32>,
      %gather3A_183 = tpu.vector_load_idx %arg7[%get3A_175, %broadcast_in_dim3A_12] : memref<520x128xf32, #tpu.memory_space<vmem>>[vector<16xi32>, vector<16xi32>], vector<16xf32>,
      %gather3A_184 = tpu.vector_load_idx %arg7[%get3A_175, %get3A_182] : memref<520x128xf32, #tpu.memory_space<vmem>>[vector<16xi32>, vector<16xi32>], vector<16xf32>,
      %sub3A_185 = arith.subf %gather3A_183, %gather3A_184 : vector<16xf32>
      %add3A_186 = arith.addf %add3A_166, %sub3A_185 : vector<16xf32>
      %add3A_187 = arith.constant 112 : i32
      %add3A_188 = vector.broadcast %add3A_187 : i32 to vector<16xi32>
      %add3A_189 = arith.addi %iota3A_13, %add3A_188 : vector<16xi32>
      %mul3A_190 = arith.constant 128 : i32
      %mul3A_191 = arith.muli %mul3A_37, %mul3A_190 : i32
      %add3A_192 = arith.constant 112 : i32
      %add3A_193 = arith.addi %mul3A_191, %add3A_192 : i32
      %get3A_194 = arith.index_cast %add3A_193 : i32 to index
      %get3A_195 = tpu.vector_load %arg10[%get3A_194] {strides = array<i32>} : memref<4096xi32, #tpu.memory_space<vmem>>, vector<16xi32>,
      %gather3A_196 = tpu.vector_load_idx %arg7[%get3A_195, %broadcast_in_dim3A_10] : memref<520x128xf32, #tpu.memory_space<vmem>>[vector<16xi32>, vector<16xi32>], vector<16xf32>,
      tpu.vector_store_idx %arg11[%add3A_189, %broadcast_in_dim3A_10], %gather3A_196 : memref<128x65xf32, #tpu.memory_space<vmem>>[vector<16xi32>, vector<16xi32>], vector<16xf32>,
      %mul3A_197 = arith.constant 128 : i32
      %mul3A_198 = arith.muli %mul3A_37, %mul3A_197 : i32
      %add3A_199 = arith.constant 112 : i32
      %add3A_200 = arith.addi %mul3A_198, %add3A_199 : i32
      %get3A_201 = arith.index_cast %add3A_200 : i32 to index
      %get3A_202 = tpu.vector_load %arg9[%get3A_201] {strides = array<i32>} : memref<4096xi32, #tpu.memory_space<vmem>>, vector<16xi32>,
      %gather3A_203 = tpu.vector_load_idx %arg7[%get3A_195, %broadcast_in_dim3A_12] : memref<520x128xf32, #tpu.memory_space<vmem>>[vector<16xi32>, vector<16xi32>], vector<16xf32>,
      %gather3A_204 = tpu.vector_load_idx %arg7[%get3A_195, %get3A_202] : memref<520x128xf32, #tpu.memory_space<vmem>>[vector<16xi32>, vector<16xi32>], vector<16xf32>,
      %sub3A_205 = arith.subf %gather3A_203, %gather3A_204 : vector<16xf32>
      %add3A_206 = arith.addf %add3A_186, %sub3A_205 : vector<16xf32>
      %mul3A_207 = arith.constant 128 : i32
      %mul3A_208 = arith.muli %mul3A_37, %mul3A_207 : i32
      %add3A_209 = arith.addi %mul3A_2, %mul3A_208 : i32
      %dma_start3A = arith.constant 0 : i32
      %dma_start3A_210 = tpu.memref_slice %arg5[%add3A_209, %dma_start3A] : memref<131072x65xf32, #tpu.memory_space<hbm>> -> memref<128x65xf32, #tpu.memory_space<hbm>>
      %dma_start3A_211 = arith.constant 0 : i32
      %dma_start3A_212 = tpu.memref_slice %arg5[%add3A_209, %dma_start3A_211] : memref<131072x65xf32, #tpu.memory_space<hbm>> -> memref<128x65xf32, #tpu.memory_space<hbm>>
      tpu.enqueue_dma source(%arg11 : memref<128x65xf32, #tpu.memory_space<vmem>>) target(%dma_start3A_212 : memref<128x65xf32, #tpu.memory_space<hbm>>) target_semaphore(%arg14 : memref<!tpu.dma_semaphore, #tpu.memory_space<semaphore_mem>>)
      %gt3A_213 = arith.constant 0 : i32
      %gt3A_214 = arith.cmpi sgt, %scan3A_34, %gt3A_213 : i32
      %convert_element_type3A_215 = arith.extui %gt3A_214 : i1 to i32
      %cond3A_216 = arith.constant 0 : i32
      %cond3A_217 = arith.cmpi ne, %convert_element_type3A_215, %cond3A_216 : i32
      scf.if %cond3A_217 {
        %sub3A_391 = arith.constant 2 : i32
        %sub3A_392 = arith.subi %add3A_41, %sub3A_391 : i32
        %mul3A_393 = arith.constant 128 : i32
        %mul3A_394 = arith.muli %sub3A_392, %mul3A_393 : i32
        %add3A_395 = arith.addi %mul3A_2, %mul3A_394 : i32
        %dma_wait3A_396 = arith.constant 0 : i32
        %dma_wait3A_397 = tpu.memref_slice %arg5[%add3A_395, %dma_wait3A_396] : memref<131072x65xf32, #tpu.memory_space<hbm>> -> memref<128x65xf32, #tpu.memory_space<hbm>>
        %dma_wait3A_398 = arith.constant 0 : i32
        %dma_wait3A_399 = tpu.memref_slice %arg5[%add3A_395, %dma_wait3A_398] : memref<131072x65xf32, #tpu.memory_space<hbm>> -> memref<128x65xf32, #tpu.memory_space<hbm>>
        tpu.wait_dma2 semaphore(%arg15 : memref<!tpu.dma_semaphore, #tpu.memory_space<semaphore_mem>>) src(%arg12 : memref<128x65xf32, #tpu.memory_space<vmem>>) dst(%dma_wait3A_399 : memref<128x65xf32, #tpu.memory_space<hbm>>)
      } else {
      }
      %scan3A_218 = arith.constant 0 : i32
      %scan3A_219 = arith.constant 0 : i32
      %scan3A_220 = arith.constant 8 : i32
      %scan3A_221 = arith.addi %scan3A_219, %scan3A_220 : i32
      %scan3A_222 = arith.constant 1 : i32
      scf.for %scan3A_391 = %scan3A_219 to %scan3A_221 step %scan3A_222  : i32 {
        %mul3A_392 = arith.constant 128 : i32
        %mul3A_393 = arith.muli %add3A_41, %mul3A_392 : i32
        %mul3A_394 = arith.constant 16 : i32
        %mul3A_395 = arith.muli %scan3A_391, %mul3A_394 : i32
        %add3A_396 = arith.addi %mul3A_393, %mul3A_395 : i32
        %get3A_397 = arith.index_cast %add3A_396 : i32 to index
        %get3A_398 = tpu.vector_load %arg10[%get3A_397] {strides = array<i32>} : memref<4096xi32, #tpu.memory_space<vmem>>, vector<16xi32>,
        %slice3A = vector.extract_strided_slice %get3A_398 {offsets = [0], sizes = [1], strides = [1]} : vector<16xi32> to vector<1xi32>
        %squeeze3A = vector.extract %slice3A[0] : i32 from vector<1xi32>
        %slice3A_399 = vector.extract_strided_slice %get3A_398 {offsets = [1], sizes = [1], strides = [1]} : vector<16xi32> to vector<1xi32>
        %squeeze3A_400 = vector.extract %slice3A_399[0] : i32 from vector<1xi32>
        %get3A_401 = arith.index_cast %squeeze3A : i32 to index
        %get3A_402 = arith.constant 0 : index
        %get3A_403 = tpu.vector_load %arg7[%get3A_401, %get3A_402] {strides = array<i32>} : memref<520x128xf32, #tpu.memory_space<vmem>>, vector<16xf32>,
        %get3A_404 = arith.index_cast %squeeze3A : i32 to index
        %get3A_405 = arith.constant 16 : index
        %get3A_406 = tpu.vector_load %arg7[%get3A_404, %get3A_405] {strides = array<i32>} : memref<520x128xf32, #tpu.memory_space<vmem>>, vector<16xf32>,
        %get3A_407 = arith.index_cast %squeeze3A : i32 to index
        %get3A_408 = arith.constant 32 : index
        %get3A_409 = tpu.vector_load %arg7[%get3A_407, %get3A_408] {strides = array<i32>} : memref<520x128xf32, #tpu.memory_space<vmem>>, vector<16xf32>,
        %get3A_410 = arith.index_cast %squeeze3A : i32 to index
        %get3A_411 = arith.constant 48 : index
        %get3A_412 = tpu.vector_load %arg7[%get3A_410, %get3A_411] {strides = array<i32>} : memref<520x128xf32, #tpu.memory_space<vmem>>, vector<16xf32>,
        %get3A_413 = arith.index_cast %squeeze3A_400 : i32 to index
        %get3A_414 = arith.constant 0 : index
        %get3A_415 = tpu.vector_load %arg7[%get3A_413, %get3A_414] {strides = array<i32>} : memref<520x128xf32, #tpu.memory_space<vmem>>, vector<16xf32>,
        %get3A_416 = arith.index_cast %squeeze3A_400 : i32 to index
        %get3A_417 = arith.constant 16 : index
        %get3A_418 = tpu.vector_load %arg7[%get3A_416, %get3A_417] {strides = array<i32>} : memref<520x128xf32, #tpu.memory_space<vmem>>, vector<16xf32>,
        %get3A_419 = arith.index_cast %squeeze3A_400 : i32 to index
        %get3A_420 = arith.constant 32 : index
        %get3A_421 = tpu.vector_load %arg7[%get3A_419, %get3A_420] {strides = array<i32>} : memref<520x128xf32, #tpu.memory_space<vmem>>, vector<16xf32>,
        %get3A_422 = arith.index_cast %squeeze3A_400 : i32 to index
        %get3A_423 = arith.constant 48 : index
        %get3A_424 = tpu.vector_load %arg7[%get3A_422, %get3A_423] {strides = array<i32>} : memref<520x128xf32, #tpu.memory_space<vmem>>, vector<16xf32>,
        %slice3A_425 = vector.extract_strided_slice %get3A_398 {offsets = [2], sizes = [1], strides = [1]} : vector<16xi32> to vector<1xi32>
        %squeeze3A_426 = vector.extract %slice3A_425[0] : i32 from vector<1xi32>
        %slice3A_427 = vector.extract_strided_slice %get3A_398 {offsets = [3], sizes = [1], strides = [1]} : vector<16xi32> to vector<1xi32>
        %squeeze3A_428 = vector.extract %slice3A_427[0] : i32 from vector<1xi32>
        %get3A_429 = arith.index_cast %squeeze3A_426 : i32 to index
        %get3A_430 = arith.constant 0 : index
        %get3A_431 = tpu.vector_load %arg7[%get3A_429, %get3A_430] {strides = array<i32>} : memref<520x128xf32, #tpu.memory_space<vmem>>, vector<16xf32>,
        %get3A_432 = arith.index_cast %squeeze3A_426 : i32 to index
        %get3A_433 = arith.constant 16 : index
        %get3A_434 = tpu.vector_load %arg7[%get3A_432, %get3A_433] {strides = array<i32>} : memref<520x128xf32, #tpu.memory_space<vmem>>, vector<16xf32>,
        %get3A_435 = arith.index_cast %squeeze3A_426 : i32 to index
        %get3A_436 = arith.constant 32 : index
        %get3A_437 = tpu.vector_load %arg7[%get3A_435, %get3A_436] {strides = array<i32>} : memref<520x128xf32, #tpu.memory_space<vmem>>, vector<16xf32>,
        %get3A_438 = arith.index_cast %squeeze3A_426 : i32 to index
        %get3A_439 = arith.constant 48 : index
        %get3A_440 = tpu.vector_load %arg7[%get3A_438, %get3A_439] {strides = array<i32>} : memref<520x128xf32, #tpu.memory_space<vmem>>, vector<16xf32>,
        %get3A_441 = arith.index_cast %squeeze3A_428 : i32 to index
        %get3A_442 = arith.constant 0 : index
        %get3A_443 = tpu.vector_load %arg7[%get3A_441, %get3A_442] {strides = array<i32>} : memref<520x128xf32, #tpu.memory_space<vmem>>, vector<16xf32>,
        %get3A_444 = arith.index_cast %squeeze3A_428 : i32 to index
        %get3A_445 = arith.constant 16 : index
        %get3A_446 = tpu.vector_load %arg7[%get3A_444, %get3A_445] {strides = array<i32>} : memref<520x128xf32, #tpu.memory_space<vmem>>, vector<16xf32>,
        %get3A_447 = arith.index_cast %squeeze3A_428 : i32 to index
        %get3A_448 = arith.constant 32 : index
        %get3A_449 = tpu.vector_load %arg7[%get3A_447, %get3A_448] {strides = array<i32>} : memref<520x128xf32, #tpu.memory_space<vmem>>, vector<16xf32>,
        %get3A_450 = arith.index_cast %squeeze3A_428 : i32 to index
        %get3A_451 = arith.constant 48 : index
        %get3A_452 = tpu.vector_load %arg7[%get3A_450, %get3A_451] {strides = array<i32>} : memref<520x128xf32, #tpu.memory_space<vmem>>, vector<16xf32>,
        %mul3A_453 = arith.constant 16 : i32
        %mul3A_454 = arith.muli %scan3A_391, %mul3A_453 : i32
        %add3A_455 = arith.constant 2 : i32
        %add3A_456 = arith.addi %mul3A_454, %add3A_455 : i32
        %sub3A_457 = arith.constant 2 : i32
        %sub3A_458 = arith.subi %add3A_456, %sub3A_457 : i32
        %swap3A_459 = arith.index_cast %sub3A_458 : i32 to index
        %swap3A_460 = arith.constant 0 : index
        %swap3A_461 = tpu.vector_load %arg12[%swap3A_459, %swap3A_460] {strides = array<i32>} : memref<128x65xf32, #tpu.memory_space<vmem>>, vector<16xf32>,
        tpu.vector_store %arg12[%swap3A_459, %swap3A_460], %get3A_403 {strides = array<i32>} : memref<128x65xf32, #tpu.memory_space<vmem>>, vector<16xf32>,
        %add3A_462 = arith.constant 1 : i32
        %add3A_463 = arith.addi %sub3A_458, %add3A_462 : i32
        %swap3A_464 = arith.index_cast %add3A_463 : i32 to index
        %swap3A_465 = arith.constant 0 : index
        %swap3A_466 = tpu.vector_load %arg12[%swap3A_464, %swap3A_465] {strides = array<i32>} : memref<128x65xf32, #tpu.memory_space<vmem>>, vector<16xf32>,
        tpu.vector_store %arg12[%swap3A_464, %swap3A_465], %get3A_415 {strides = array<i32>} : memref<128x65xf32, #tpu.memory_space<vmem>>, vector<16xf32>,
        %swap3A_467 = arith.index_cast %sub3A_458 : i32 to index
        %swap3A_468 = arith.constant 16 : index
        %swap3A_469 = tpu.vector_load %arg12[%swap3A_467, %swap3A_468] {strides = array<i32>} : memref<128x65xf32, #tpu.memory_space<vmem>>, vector<16xf32>,
        tpu.vector_store %arg12[%swap3A_467, %swap3A_468], %get3A_406 {strides = array<i32>} : memref<128x65xf32, #tpu.memory_space<vmem>>, vector<16xf32>,
        %add3A_470 = arith.constant 1 : i32
        %add3A_471 = arith.addi %sub3A_458, %add3A_470 : i32
        %swap3A_472 = arith.index_cast %add3A_471 : i32 to index
        %swap3A_473 = arith.constant 16 : index
        %swap3A_474 = tpu.vector_load %arg12[%swap3A_472, %swap3A_473] {strides = array<i32>} : memref<128x65xf32, #tpu.memory_space<vmem>>, vector<16xf32>,
        tpu.vector_store %arg12[%swap3A_472, %swap3A_473], %get3A_418 {strides = array<i32>} : memref<128x65xf32, #tpu.memory_space<vmem>>, vector<16xf32>,
        %swap3A_475 = arith.index_cast %sub3A_458 : i32 to index
        %swap3A_476 = arith.constant 32 : index
        %swap3A_477 = tpu.vector_load %arg12[%swap3A_475, %swap3A_476] {strides = array<i32>} : memref<128x65xf32, #tpu.memory_space<vmem>>, vector<16xf32>,
        tpu.vector_store %arg12[%swap3A_475, %swap3A_476], %get3A_409 {strides = array<i32>} : memref<128x65xf32, #tpu.memory_space<vmem>>, vector<16xf32>,
        %add3A_478 = arith.constant 1 : i32
        %add3A_479 = arith.addi %sub3A_458, %add3A_478 : i32
        %swap3A_480 = arith.index_cast %add3A_479 : i32 to index
        %swap3A_481 = arith.constant 32 : index
        %swap3A_482 = tpu.vector_load %arg12[%swap3A_480, %swap3A_481] {strides = array<i32>} : memref<128x65xf32, #tpu.memory_space<vmem>>, vector<16xf32>,
        tpu.vector_store %arg12[%swap3A_480, %swap3A_481], %get3A_421 {strides = array<i32>} : memref<128x65xf32, #tpu.memory_space<vmem>>, vector<16xf32>,
        %swap3A_483 = arith.index_cast %sub3A_458 : i32 to index
        %swap3A_484 = arith.constant 48 : index
        %swap3A_485 = tpu.vector_load %arg12[%swap3A_483, %swap3A_484] {strides = array<i32>} : memref<128x65xf32, #tpu.memory_space<vmem>>, vector<16xf32>,
        tpu.vector_store %arg12[%swap3A_483, %swap3A_484], %get3A_412 {strides = array<i32>} : memref<128x65xf32, #tpu.memory_space<vmem>>, vector<16xf32>,
        %add3A_486 = arith.constant 1 : i32
        %add3A_487 = arith.addi %sub3A_458, %add3A_486 : i32
        %swap3A_488 = arith.index_cast %add3A_487 : i32 to index
        %swap3A_489 = arith.constant 48 : index
        %swap3A_490 = tpu.vector_load %arg12[%swap3A_488, %swap3A_489] {strides = array<i32>} : memref<128x65xf32, #tpu.memory_space<vmem>>, vector<16xf32>,
        tpu.vector_store %arg12[%swap3A_488, %swap3A_489], %get3A_424 {strides = array<i32>} : memref<128x65xf32, #tpu.memory_space<vmem>>, vector<16xf32>,
        %slice3A_491 = vector.extract_strided_slice %get3A_398 {offsets = [4], sizes = [1], strides = [1]} : vector<16xi32> to vector<1xi32>
        %squeeze3A_492 = vector.extract %slice3A_491[0] : i32 from vector<1xi32>
        %slice3A_493 = vector.extract_strided_slice %get3A_398 {offsets = [5], sizes = [1], strides = [1]} : vector<16xi32> to vector<1xi32>
        %squeeze3A_494 = vector.extract %slice3A_493[0] : i32 from vector<1xi32>
        %get3A_495 = arith.index_cast %squeeze3A_492 : i32 to index
        %get3A_496 = arith.constant 0 : index
        %get3A_497 = tpu.vector_load %arg7[%get3A_495, %get3A_496] {strides = array<i32>} : memref<520x128xf32, #tpu.memory_space<vmem>>, vector<16xf32>,
        %get3A_498 = arith.index_cast %squeeze3A_492 : i32 to index
        %get3A_499 = arith.constant 16 : index
        %get3A_500 = tpu.vector_load %arg7[%get3A_498, %get3A_499] {strides = array<i32>} : memref<520x128xf32, #tpu.memory_space<vmem>>, vector<16xf32>,
        %get3A_501 = arith.index_cast %squeeze3A_492 : i32 to index
        %get3A_502 = arith.constant 32 : index
        %get3A_503 = tpu.vector_load %arg7[%get3A_501, %get3A_502] {strides = array<i32>} : memref<520x128xf32, #tpu.memory_space<vmem>>, vector<16xf32>,
        %get3A_504 = arith.index_cast %squeeze3A_492 : i32 to index
        %get3A_505 = arith.constant 48 : index
        %get3A_506 = tpu.vector_load %arg7[%get3A_504, %get3A_505] {strides = array<i32>} : memref<520x128xf32, #tpu.memory_space<vmem>>, vector<16xf32>,
        %get3A_507 = arith.index_cast %squeeze3A_494 : i32 to index
        %get3A_508 = arith.constant 0 : index
        %get3A_509 = tpu.vector_load %arg7[%get3A_507, %get3A_508] {strides = array<i32>} : memref<520x128xf32, #tpu.memory_space<vmem>>, vector<16xf32>,
        %get3A_510 = arith.index_cast %squeeze3A_494 : i32 to index
        %get3A_511 = arith.constant 16 : index
        %get3A_512 = tpu.vector_load %arg7[%get3A_510, %get3A_511] {strides = array<i32>} : memref<520x128xf32, #tpu.memory_space<vmem>>, vector<16xf32>,
        %get3A_513 = arith.index_cast %squeeze3A_494 : i32 to index
        %get3A_514 = arith.constant 32 : index
        %get3A_515 = tpu.vector_load %arg7[%get3A_513, %get3A_514] {strides = array<i32>} : memref<520x128xf32, #tpu.memory_space<vmem>>, vector<16xf32>,
        %get3A_516 = arith.index_cast %squeeze3A_494 : i32 to index
        %get3A_517 = arith.constant 48 : index
        %get3A_518 = tpu.vector_load %arg7[%get3A_516, %get3A_517] {strides = array<i32>} : memref<520x128xf32, #tpu.memory_space<vmem>>, vector<16xf32>,
        %mul3A_519 = arith.constant 16 : i32
        %mul3A_520 = arith.muli %scan3A_391, %mul3A_519 : i32
        %add3A_521 = arith.constant 4 : i32
        %add3A_522 = arith.addi %mul3A_520, %add3A_521 : i32
        %sub3A_523 = arith.constant 2 : i32
        %sub3A_524 = arith.subi %add3A_522, %sub3A_523 : i32
        %swap3A_525 = arith.index_cast %sub3A_524 : i32 to index
        %swap3A_526 = arith.constant 0 : index
        %swap3A_527 = tpu.vector_load %arg12[%swap3A_525, %swap3A_526] {strides = array<i32>} : memref<128x65xf32, #tpu.memory_space<vmem>>, vector<16xf32>,
        tpu.vector_store %arg12[%swap3A_525, %swap3A_526], %get3A_431 {strides = array<i32>} : memref<128x65xf32, #tpu.memory_space<vmem>>, vector<16xf32>,
        %add3A_528 = arith.constant 1 : i32
        %add3A_529 = arith.addi %sub3A_524, %add3A_528 : i32
        %swap3A_530 = arith.index_cast %add3A_529 : i32 to index
        %swap3A_531 = arith.constant 0 : index
        %swap3A_532 = tpu.vector_load %arg12[%swap3A_530, %swap3A_531] {strides = array<i32>} : memref<128x65xf32, #tpu.memory_space<vmem>>, vector<16xf32>,
        tpu.vector_store %arg12[%swap3A_530, %swap3A_531], %get3A_443 {strides = array<i32>} : memref<128x65xf32, #tpu.memory_space<vmem>>, vector<16xf32>,
        %swap3A_533 = arith.index_cast %sub3A_524 : i32 to index
        %swap3A_534 = arith.constant 16 : index
        %swap3A_535 = tpu.vector_load %arg12[%swap3A_533, %swap3A_534] {strides = array<i32>} : memref<128x65xf32, #tpu.memory_space<vmem>>, vector<16xf32>,
        tpu.vector_store %arg12[%swap3A_533, %swap3A_534], %get3A_434 {strides = array<i32>} : memref<128x65xf32, #tpu.memory_space<vmem>>, vector<16xf32>,
        %add3A_536 = arith.constant 1 : i32
        %add3A_537 = arith.addi %sub3A_524, %add3A_536 : i32
        %swap3A_538 = arith.index_cast %add3A_537 : i32 to index
        %swap3A_539 = arith.constant 16 : index
        %swap3A_540 = tpu.vector_load %arg12[%swap3A_538, %swap3A_539] {strides = array<i32>} : memref<128x65xf32, #tpu.memory_space<vmem>>, vector<16xf32>,
        tpu.vector_store %arg12[%swap3A_538, %swap3A_539], %get3A_446 {strides = array<i32>} : memref<128x65xf32, #tpu.memory_space<vmem>>, vector<16xf32>,
        %swap3A_541 = arith.index_cast %sub3A_524 : i32 to index
        %swap3A_542 = arith.constant 32 : index
        %swap3A_543 = tpu.vector_load %arg12[%swap3A_541, %swap3A_542] {strides = array<i32>} : memref<128x65xf32, #tpu.memory_space<vmem>>, vector<16xf32>,
        tpu.vector_store %arg12[%swap3A_541, %swap3A_542], %get3A_437 {strides = array<i32>} : memref<128x65xf32, #tpu.memory_space<vmem>>, vector<16xf32>,
        %add3A_544 = arith.constant 1 : i32
        %add3A_545 = arith.addi %sub3A_524, %add3A_544 : i32
        %swap3A_546 = arith.index_cast %add3A_545 : i32 to index
        %swap3A_547 = arith.constant 32 : index
        %swap3A_548 = tpu.vector_load %arg12[%swap3A_546, %swap3A_547] {strides = array<i32>} : memref<128x65xf32, #tpu.memory_space<vmem>>, vector<16xf32>,
        tpu.vector_store %arg12[%swap3A_546, %swap3A_547], %get3A_449 {strides = array<i32>} : memref<128x65xf32, #tpu.memory_space<vmem>>, vector<16xf32>,
        %swap3A_549 = arith.index_cast %sub3A_524 : i32 to index
        %swap3A_550 = arith.constant 48 : index
        %swap3A_551 = tpu.vector_load %arg12[%swap3A_549, %swap3A_550] {strides = array<i32>} : memref<128x65xf32, #tpu.memory_space<vmem>>, vector<16xf32>,
        tpu.vector_store %arg12[%swap3A_549, %swap3A_550], %get3A_440 {strides = array<i32>} : memref<128x65xf32, #tpu.memory_space<vmem>>, vector<16xf32>,
        %add3A_552 = arith.constant 1 : i32
        %add3A_553 = arith.addi %sub3A_524, %add3A_552 : i32
        %swap3A_554 = arith.index_cast %add3A_553 : i32 to index
        %swap3A_555 = arith.constant 48 : index
        %swap3A_556 = tpu.vector_load %arg12[%swap3A_554, %swap3A_555] {strides = array<i32>} : memref<128x65xf32, #tpu.memory_space<vmem>>, vector<16xf32>,
        tpu.vector_store %arg12[%swap3A_554, %swap3A_555], %get3A_452 {strides = array<i32>} : memref<128x65xf32, #tpu.memory_space<vmem>>, vector<16xf32>,
        %slice3A_557 = vector.extract_strided_slice %get3A_398 {offsets = [6], sizes = [1], strides = [1]} : vector<16xi32> to vector<1xi32>
        %squeeze3A_558 = vector.extract %slice3A_557[0] : i32 from vector<1xi32>
        %slice3A_559 = vector.extract_strided_slice %get3A_398 {offsets = [7], sizes = [1], strides = [1]} : vector<16xi32> to vector<1xi32>
        %squeeze3A_560 = vector.extract %slice3A_559[0] : i32 from vector<1xi32>
        %get3A_561 = arith.index_cast %squeeze3A_558 : i32 to index
        %get3A_562 = arith.constant 0 : index
        %get3A_563 = tpu.vector_load %arg7[%get3A_561, %get3A_562] {strides = array<i32>} : memref<520x128xf32, #tpu.memory_space<vmem>>, vector<16xf32>,
        %get3A_564 = arith.index_cast %squeeze3A_558 : i32 to index
        %get3A_565 = arith.constant 16 : index
        %get3A_566 = tpu.vector_load %arg7[%get3A_564, %get3A_565] {strides = array<i32>} : memref<520x128xf32, #tpu.memory_space<vmem>>, vector<16xf32>,
        %get3A_567 = arith.index_cast %squeeze3A_558 : i32 to index
        %get3A_568 = arith.constant 32 : index
        %get3A_569 = tpu.vector_load %arg7[%get3A_567, %get3A_568] {strides = array<i32>} : memref<520x128xf32, #tpu.memory_space<vmem>>, vector<16xf32>,
        %get3A_570 = arith.index_cast %squeeze3A_558 : i32 to index
        %get3A_571 = arith.constant 48 : index
        %get3A_572 = tpu.vector_load %arg7[%get3A_570, %get3A_571] {strides = array<i32>} : memref<520x128xf32, #tpu.memory_space<vmem>>, vector<16xf32>,
        %get3A_573 = arith.index_cast %squeeze3A_560 : i32 to index
        %get3A_574 = arith.constant 0 : index
        %get3A_575 = tpu.vector_load %arg7[%get3A_573, %get3A_574] {strides = array<i32>} : memref<520x128xf32, #tpu.memory_space<vmem>>, vector<16xf32>,
        %get3A_576 = arith.index_cast %squeeze3A_560 : i32 to index
        %get3A_577 = arith.constant 16 : index
        %get3A_578 = tpu.vector_load %arg7[%get3A_576, %get3A_577] {strides = array<i32>} : memref<520x128xf32, #tpu.memory_space<vmem>>, vector<16xf32>,
        %get3A_579 = arith.index_cast %squeeze3A_560 : i32 to index
        %get3A_580 = arith.constant 32 : index
        %get3A_581 = tpu.vector_load %arg7[%get3A_579, %get3A_580] {strides = array<i32>} : memref<520x128xf32, #tpu.memory_space<vmem>>, vector<16xf32>,
        %get3A_582 = arith.index_cast %squeeze3A_560 : i32 to index
        %get3A_583 = arith.constant 48 : index
        %get3A_584 = tpu.vector_load %arg7[%get3A_582, %get3A_583] {strides = array<i32>} : memref<520x128xf32, #tpu.memory_space<vmem>>, vector<16xf32>,
        %mul3A_585 = arith.constant 16 : i32
        %mul3A_586 = arith.muli %scan3A_391, %mul3A_585 : i32
        %add3A_587 = arith.constant 6 : i32
        %add3A_588 = arith.addi %mul3A_586, %add3A_587 : i32
        %sub3A_589 = arith.constant 2 : i32
        %sub3A_590 = arith.subi %add3A_588, %sub3A_589 : i32
        %swap3A_591 = arith.index_cast %sub3A_590 : i32 to index
        %swap3A_592 = arith.constant 0 : index
        %swap3A_593 = tpu.vector_load %arg12[%swap3A_591, %swap3A_592] {strides = array<i32>} : memref<128x65xf32, #tpu.memory_space<vmem>>, vector<16xf32>,
        tpu.vector_store %arg12[%swap3A_591, %swap3A_592], %get3A_497 {strides = array<i32>} : memref<128x65xf32, #tpu.memory_space<vmem>>, vector<16xf32>,
        %add3A_594 = arith.constant 1 : i32
        %add3A_595 = arith.addi %sub3A_590, %add3A_594 : i32
        %swap3A_596 = arith.index_cast %add3A_595 : i32 to index
        %swap3A_597 = arith.constant 0 : index
        %swap3A_598 = tpu.vector_load %arg12[%swap3A_596, %swap3A_597] {strides = array<i32>} : memref<128x65xf32, #tpu.memory_space<vmem>>, vector<16xf32>,
        tpu.vector_store %arg12[%swap3A_596, %swap3A_597], %get3A_509 {strides = array<i32>} : memref<128x65xf32, #tpu.memory_space<vmem>>, vector<16xf32>,
        %swap3A_599 = arith.index_cast %sub3A_590 : i32 to index
        %swap3A_600 = arith.constant 16 : index
        %swap3A_601 = tpu.vector_load %arg12[%swap3A_599, %swap3A_600] {strides = array<i32>} : memref<128x65xf32, #tpu.memory_space<vmem>>, vector<16xf32>,
        tpu.vector_store %arg12[%swap3A_599, %swap3A_600], %get3A_500 {strides = array<i32>} : memref<128x65xf32, #tpu.memory_space<vmem>>, vector<16xf32>,
        %add3A_602 = arith.constant 1 : i32
        %add3A_603 = arith.addi %sub3A_590, %add3A_602 : i32
        %swap3A_604 = arith.index_cast %add3A_603 : i32 to index
        %swap3A_605 = arith.constant 16 : index
        %swap3A_606 = tpu.vector_load %arg12[%swap3A_604, %swap3A_605] {strides = array<i32>} : memref<128x65xf32, #tpu.memory_space<vmem>>, vector<16xf32>,
        tpu.vector_store %arg12[%swap3A_604, %swap3A_605], %get3A_512 {strides = array<i32>} : memref<128x65xf32, #tpu.memory_space<vmem>>, vector<16xf32>,
        %swap3A_607 = arith.index_cast %sub3A_590 : i32 to index
        %swap3A_608 = arith.constant 32 : index
        %swap3A_609 = tpu.vector_load %arg12[%swap3A_607, %swap3A_608] {strides = array<i32>} : memref<128x65xf32, #tpu.memory_space<vmem>>, vector<16xf32>,
        tpu.vector_store %arg12[%swap3A_607, %swap3A_608], %get3A_503 {strides = array<i32>} : memref<128x65xf32, #tpu.memory_space<vmem>>, vector<16xf32>,
        %add3A_610 = arith.constant 1 : i32
        %add3A_611 = arith.addi %sub3A_590, %add3A_610 : i32
        %swap3A_612 = arith.index_cast %add3A_611 : i32 to index
        %swap3A_613 = arith.constant 32 : index
        %swap3A_614 = tpu.vector_load %arg12[%swap3A_612, %swap3A_613] {strides = array<i32>} : memref<128x65xf32, #tpu.memory_space<vmem>>, vector<16xf32>,
        tpu.vector_store %arg12[%swap3A_612, %swap3A_613], %get3A_515 {strides = array<i32>} : memref<128x65xf32, #tpu.memory_space<vmem>>, vector<16xf32>,
        %swap3A_615 = arith.index_cast %sub3A_590 : i32 to index
        %swap3A_616 = arith.constant 48 : index
        %swap3A_617 = tpu.vector_load %arg12[%swap3A_615, %swap3A_616] {strides = array<i32>} : memref<128x65xf32, #tpu.memory_space<vmem>>, vector<16xf32>,
        tpu.vector_store %arg12[%swap3A_615, %swap3A_616], %get3A_506 {strides = array<i32>} : memref<128x65xf32, #tpu.memory_space<vmem>>, vector<16xf32>,
        %add3A_618 = arith.constant 1 : i32
        %add3A_619 = arith.addi %sub3A_590, %add3A_618 : i32
        %swap3A_620 = arith.index_cast %add3A_619 : i32 to index
        %swap3A_621 = arith.constant 48 : index
        %swap3A_622 = tpu.vector_load %arg12[%swap3A_620, %swap3A_621] {strides = array<i32>} : memref<128x65xf32, #tpu.memory_space<vmem>>, vector<16xf32>,
        tpu.vector_store %arg12[%swap3A_620, %swap3A_621], %get3A_518 {strides = array<i32>} : memref<128x65xf32, #tpu.memory_space<vmem>>, vector<16xf32>,
        %slice3A_623 = vector.extract_strided_slice %get3A_398 {offsets = [8], sizes = [1], strides = [1]} : vector<16xi32> to vector<1xi32>
        %squeeze3A_624 = vector.extract %slice3A_623[0] : i32 from vector<1xi32>
        %slice3A_625 = vector.extract_strided_slice %get3A_398 {offsets = [9], sizes = [1], strides = [1]} : vector<16xi32> to vector<1xi32>
        %squeeze3A_626 = vector.extract %slice3A_625[0] : i32 from vector<1xi32>
        %get3A_627 = arith.index_cast %squeeze3A_624 : i32 to index
        %get3A_628 = arith.constant 0 : index
        %get3A_629 = tpu.vector_load %arg7[%get3A_627, %get3A_628] {strides = array<i32>} : memref<520x128xf32, #tpu.memory_space<vmem>>, vector<16xf32>,
        %get3A_630 = arith.index_cast %squeeze3A_624 : i32 to index
        %get3A_631 = arith.constant 16 : index
        %get3A_632 = tpu.vector_load %arg7[%get3A_630, %get3A_631] {strides = array<i32>} : memref<520x128xf32, #tpu.memory_space<vmem>>, vector<16xf32>,
        %get3A_633 = arith.index_cast %squeeze3A_624 : i32 to index
        %get3A_634 = arith.constant 32 : index
        %get3A_635 = tpu.vector_load %arg7[%get3A_633, %get3A_634] {strides = array<i32>} : memref<520x128xf32, #tpu.memory_space<vmem>>, vector<16xf32>,
        %get3A_636 = arith.index_cast %squeeze3A_624 : i32 to index
        %get3A_637 = arith.constant 48 : index
        %get3A_638 = tpu.vector_load %arg7[%get3A_636, %get3A_637] {strides = array<i32>} : memref<520x128xf32, #tpu.memory_space<vmem>>, vector<16xf32>,
        %get3A_639 = arith.index_cast %squeeze3A_626 : i32 to index
        %get3A_640 = arith.constant 0 : index
        %get3A_641 = tpu.vector_load %arg7[%get3A_639, %get3A_640] {strides = array<i32>} : memref<520x128xf32, #tpu.memory_space<vmem>>, vector<16xf32>,
        %get3A_642 = arith.index_cast %squeeze3A_626 : i32 to index
        %get3A_643 = arith.constant 16 : index
        %get3A_644 = tpu.vector_load %arg7[%get3A_642, %get3A_643] {strides = array<i32>} : memref<520x128xf32, #tpu.memory_space<vmem>>, vector<16xf32>,
        %get3A_645 = arith.index_cast %squeeze3A_626 : i32 to index
        %get3A_646 = arith.constant 32 : index
        %get3A_647 = tpu.vector_load %arg7[%get3A_645, %get3A_646] {strides = array<i32>} : memref<520x128xf32, #tpu.memory_space<vmem>>, vector<16xf32>,
        %get3A_648 = arith.index_cast %squeeze3A_626 : i32 to index
        %get3A_649 = arith.constant 48 : index
        %get3A_650 = tpu.vector_load %arg7[%get3A_648, %get3A_649] {strides = array<i32>} : memref<520x128xf32, #tpu.memory_space<vmem>>, vector<16xf32>,
        %mul3A_651 = arith.constant 16 : i32
        %mul3A_652 = arith.muli %scan3A_391, %mul3A_651 : i32
        %add3A_653 = arith.constant 8 : i32
        %add3A_654 = arith.addi %mul3A_652, %add3A_653 : i32
        %sub3A_655 = arith.constant 2 : i32
        %sub3A_656 = arith.subi %add3A_654, %sub3A_655 : i32
        %swap3A_657 = arith.index_cast %sub3A_656 : i32 to index
        %swap3A_658 = arith.constant 0 : index
        %swap3A_659 = tpu.vector_load %arg12[%swap3A_657, %swap3A_658] {strides = array<i32>} : memref<128x65xf32, #tpu.memory_space<vmem>>, vector<16xf32>,
        tpu.vector_store %arg12[%swap3A_657, %swap3A_658], %get3A_563 {strides = array<i32>} : memref<128x65xf32, #tpu.memory_space<vmem>>, vector<16xf32>,
        %add3A_660 = arith.constant 1 : i32
        %add3A_661 = arith.addi %sub3A_656, %add3A_660 : i32
        %swap3A_662 = arith.index_cast %add3A_661 : i32 to index
        %swap3A_663 = arith.constant 0 : index
        %swap3A_664 = tpu.vector_load %arg12[%swap3A_662, %swap3A_663] {strides = array<i32>} : memref<128x65xf32, #tpu.memory_space<vmem>>, vector<16xf32>,
        tpu.vector_store %arg12[%swap3A_662, %swap3A_663], %get3A_575 {strides = array<i32>} : memref<128x65xf32, #tpu.memory_space<vmem>>, vector<16xf32>,
        %swap3A_665 = arith.index_cast %sub3A_656 : i32 to index
        %swap3A_666 = arith.constant 16 : index
        %swap3A_667 = tpu.vector_load %arg12[%swap3A_665, %swap3A_666] {strides = array<i32>} : memref<128x65xf32, #tpu.memory_space<vmem>>, vector<16xf32>,
        tpu.vector_store %arg12[%swap3A_665, %swap3A_666], %get3A_566 {strides = array<i32>} : memref<128x65xf32, #tpu.memory_space<vmem>>, vector<16xf32>,
        %add3A_668 = arith.constant 1 : i32
        %add3A_669 = arith.addi %sub3A_656, %add3A_668 : i32
        %swap3A_670 = arith.index_cast %add3A_669 : i32 to index
        %swap3A_671 = arith.constant 16 : index
        %swap3A_672 = tpu.vector_load %arg12[%swap3A_670, %swap3A_671] {strides = array<i32>} : memref<128x65xf32, #tpu.memory_space<vmem>>, vector<16xf32>,
        tpu.vector_store %arg12[%swap3A_670, %swap3A_671], %get3A_578 {strides = array<i32>} : memref<128x65xf32, #tpu.memory_space<vmem>>, vector<16xf32>,
        %swap3A_673 = arith.index_cast %sub3A_656 : i32 to index
        %swap3A_674 = arith.constant 32 : index
        %swap3A_675 = tpu.vector_load %arg12[%swap3A_673, %swap3A_674] {strides = array<i32>} : memref<128x65xf32, #tpu.memory_space<vmem>>, vector<16xf32>,
        tpu.vector_store %arg12[%swap3A_673, %swap3A_674], %get3A_569 {strides = array<i32>} : memref<128x65xf32, #tpu.memory_space<vmem>>, vector<16xf32>,
        %add3A_676 = arith.constant 1 : i32
        %add3A_677 = arith.addi %sub3A_656, %add3A_676 : i32
        %swap3A_678 = arith.index_cast %add3A_677 : i32 to index
        %swap3A_679 = arith.constant 32 : index
        %swap3A_680 = tpu.vector_load %arg12[%swap3A_678, %swap3A_679] {strides = array<i32>} : memref<128x65xf32, #tpu.memory_space<vmem>>, vector<16xf32>,
        tpu.vector_store %arg12[%swap3A_678, %swap3A_679], %get3A_581 {strides = array<i32>} : memref<128x65xf32, #tpu.memory_space<vmem>>, vector<16xf32>,
        %swap3A_681 = arith.index_cast %sub3A_656 : i32 to index
        %swap3A_682 = arith.constant 48 : index
        %swap3A_683 = tpu.vector_load %arg12[%swap3A_681, %swap3A_682] {strides = array<i32>} : memref<128x65xf32, #tpu.memory_space<vmem>>, vector<16xf32>,
        tpu.vector_store %arg12[%swap3A_681, %swap3A_682], %get3A_572 {strides = array<i32>} : memref<128x65xf32, #tpu.memory_space<vmem>>, vector<16xf32>,
        %add3A_684 = arith.constant 1 : i32
        %add3A_685 = arith.addi %sub3A_656, %add3A_684 : i32
        %swap3A_686 = arith.index_cast %add3A_685 : i32 to index
        %swap3A_687 = arith.constant 48 : index
        %swap3A_688 = tpu.vector_load %arg12[%swap3A_686, %swap3A_687] {strides = array<i32>} : memref<128x65xf32, #tpu.memory_space<vmem>>, vector<16xf32>,
        tpu.vector_store %arg12[%swap3A_686, %swap3A_687], %get3A_584 {strides = array<i32>} : memref<128x65xf32, #tpu.memory_space<vmem>>, vector<16xf32>,
        %slice3A_689 = vector.extract_strided_slice %get3A_398 {offsets = [10], sizes = [1], strides = [1]} : vector<16xi32> to vector<1xi32>
        %squeeze3A_690 = vector.extract %slice3A_689[0] : i32 from vector<1xi32>
        %slice3A_691 = vector.extract_strided_slice %get3A_398 {offsets = [11], sizes = [1], strides = [1]} : vector<16xi32> to vector<1xi32>
        %squeeze3A_692 = vector.extract %slice3A_691[0] : i32 from vector<1xi32>
        %get3A_693 = arith.index_cast %squeeze3A_690 : i32 to index
        %get3A_694 = arith.constant 0 : index
        %get3A_695 = tpu.vector_load %arg7[%get3A_693, %get3A_694] {strides = array<i32>} : memref<520x128xf32, #tpu.memory_space<vmem>>, vector<16xf32>,
        %get3A_696 = arith.index_cast %squeeze3A_690 : i32 to index
        %get3A_697 = arith.constant 16 : index
        %get3A_698 = tpu.vector_load %arg7[%get3A_696, %get3A_697] {strides = array<i32>} : memref<520x128xf32, #tpu.memory_space<vmem>>, vector<16xf32>,
        %get3A_699 = arith.index_cast %squeeze3A_690 : i32 to index
        %get3A_700 = arith.constant 32 : index
        %get3A_701 = tpu.vector_load %arg7[%get3A_699, %get3A_700] {strides = array<i32>} : memref<520x128xf32, #tpu.memory_space<vmem>>, vector<16xf32>,
        %get3A_702 = arith.index_cast %squeeze3A_690 : i32 to index
        %get3A_703 = arith.constant 48 : index
        %get3A_704 = tpu.vector_load %arg7[%get3A_702, %get3A_703] {strides = array<i32>} : memref<520x128xf32, #tpu.memory_space<vmem>>, vector<16xf32>,
        %get3A_705 = arith.index_cast %squeeze3A_692 : i32 to index
        %get3A_706 = arith.constant 0 : index
        %get3A_707 = tpu.vector_load %arg7[%get3A_705, %get3A_706] {strides = array<i32>} : memref<520x128xf32, #tpu.memory_space<vmem>>, vector<16xf32>,
        %get3A_708 = arith.index_cast %squeeze3A_692 : i32 to index
        %get3A_709 = arith.constant 16 : index
        %get3A_710 = tpu.vector_load %arg7[%get3A_708, %get3A_709] {strides = array<i32>} : memref<520x128xf32, #tpu.memory_space<vmem>>, vector<16xf32>,
        %get3A_711 = arith.index_cast %squeeze3A_692 : i32 to index
        %get3A_712 = arith.constant 32 : index
        %get3A_713 = tpu.vector_load %arg7[%get3A_711, %get3A_712] {strides = array<i32>} : memref<520x128xf32, #tpu.memory_space<vmem>>, vector<16xf32>,
        %get3A_714 = arith.index_cast %squeeze3A_692 : i32 to index
        %get3A_715 = arith.constant 48 : index
        %get3A_716 = tpu.vector_load %arg7[%get3A_714, %get3A_715] {strides = array<i32>} : memref<520x128xf32, #tpu.memory_space<vmem>>, vector<16xf32>,
        %mul3A_717 = arith.constant 16 : i32
        %mul3A_718 = arith.muli %scan3A_391, %mul3A_717 : i32
        %add3A_719 = arith.constant 10 : i32
        %add3A_720 = arith.addi %mul3A_718, %add3A_719 : i32
        %sub3A_721 = arith.constant 2 : i32
        %sub3A_722 = arith.subi %add3A_720, %sub3A_721 : i32
        %swap3A_723 = arith.index_cast %sub3A_722 : i32 to index
        %swap3A_724 = arith.constant 0 : index
        %swap3A_725 = tpu.vector_load %arg12[%swap3A_723, %swap3A_724] {strides = array<i32>} : memref<128x65xf32, #tpu.memory_space<vmem>>, vector<16xf32>,
        tpu.vector_store %arg12[%swap3A_723, %swap3A_724], %get3A_629 {strides = array<i32>} : memref<128x65xf32, #tpu.memory_space<vmem>>, vector<16xf32>,
        %add3A_726 = arith.constant 1 : i32
        %add3A_727 = arith.addi %sub3A_722, %add3A_726 : i32
        %swap3A_728 = arith.index_cast %add3A_727 : i32 to index
        %swap3A_729 = arith.constant 0 : index
        %swap3A_730 = tpu.vector_load %arg12[%swap3A_728, %swap3A_729] {strides = array<i32>} : memref<128x65xf32, #tpu.memory_space<vmem>>, vector<16xf32>,
        tpu.vector_store %arg12[%swap3A_728, %swap3A_729], %get3A_641 {strides = array<i32>} : memref<128x65xf32, #tpu.memory_space<vmem>>, vector<16xf32>,
        %swap3A_731 = arith.index_cast %sub3A_722 : i32 to index
        %swap3A_732 = arith.constant 16 : index
        %swap3A_733 = tpu.vector_load %arg12[%swap3A_731, %swap3A_732] {strides = array<i32>} : memref<128x65xf32, #tpu.memory_space<vmem>>, vector<16xf32>,
        tpu.vector_store %arg12[%swap3A_731, %swap3A_732], %get3A_632 {strides = array<i32>} : memref<128x65xf32, #tpu.memory_space<vmem>>, vector<16xf32>,
        %add3A_734 = arith.constant 1 : i32
        %add3A_735 = arith.addi %sub3A_722, %add3A_734 : i32
        %swap3A_736 = arith.index_cast %add3A_735 : i32 to index
        %swap3A_737 = arith.constant 16 : index
        %swap3A_738 = tpu.vector_load %arg12[%swap3A_736, %swap3A_737] {strides = array<i32>} : memref<128x65xf32, #tpu.memory_space<vmem>>, vector<16xf32>,
        tpu.vector_store %arg12[%swap3A_736, %swap3A_737], %get3A_644 {strides = array<i32>} : memref<128x65xf32, #tpu.memory_space<vmem>>, vector<16xf32>,
        %swap3A_739 = arith.index_cast %sub3A_722 : i32 to index
        %swap3A_740 = arith.constant 32 : index
        %swap3A_741 = tpu.vector_load %arg12[%swap3A_739, %swap3A_740] {strides = array<i32>} : memref<128x65xf32, #tpu.memory_space<vmem>>, vector<16xf32>,
        tpu.vector_store %arg12[%swap3A_739, %swap3A_740], %get3A_635 {strides = array<i32>} : memref<128x65xf32, #tpu.memory_space<vmem>>, vector<16xf32>,
        %add3A_742 = arith.constant 1 : i32
        %add3A_743 = arith.addi %sub3A_722, %add3A_742 : i32
        %swap3A_744 = arith.index_cast %add3A_743 : i32 to index
        %swap3A_745 = arith.constant 32 : index
        %swap3A_746 = tpu.vector_load %arg12[%swap3A_744, %swap3A_745] {strides = array<i32>} : memref<128x65xf32, #tpu.memory_space<vmem>>, vector<16xf32>,
        tpu.vector_store %arg12[%swap3A_744, %swap3A_745], %get3A_647 {strides = array<i32>} : memref<128x65xf32, #tpu.memory_space<vmem>>, vector<16xf32>,
        %swap3A_747 = arith.index_cast %sub3A_722 : i32 to index
        %swap3A_748 = arith.constant 48 : index
        %swap3A_749 = tpu.vector_load %arg12[%swap3A_747, %swap3A_748] {strides = array<i32>} : memref<128x65xf32, #tpu.memory_space<vmem>>, vector<16xf32>,
        tpu.vector_store %arg12[%swap3A_747, %swap3A_748], %get3A_638 {strides = array<i32>} : memref<128x65xf32, #tpu.memory_space<vmem>>, vector<16xf32>,
        %add3A_750 = arith.constant 1 : i32
        %add3A_751 = arith.addi %sub3A_722, %add3A_750 : i32
        %swap3A_752 = arith.index_cast %add3A_751 : i32 to index
        %swap3A_753 = arith.constant 48 : index
        %swap3A_754 = tpu.vector_load %arg12[%swap3A_752, %swap3A_753] {strides = array<i32>} : memref<128x65xf32, #tpu.memory_space<vmem>>, vector<16xf32>,
        tpu.vector_store %arg12[%swap3A_752, %swap3A_753], %get3A_650 {strides = array<i32>} : memref<128x65xf32, #tpu.memory_space<vmem>>, vector<16xf32>,
        %slice3A_755 = vector.extract_strided_slice %get3A_398 {offsets = [12], sizes = [1], strides = [1]} : vector<16xi32> to vector<1xi32>
        %squeeze3A_756 = vector.extract %slice3A_755[0] : i32 from vector<1xi32>
        %slice3A_757 = vector.extract_strided_slice %get3A_398 {offsets = [13], sizes = [1], strides = [1]} : vector<16xi32> to vector<1xi32>
        %squeeze3A_758 = vector.extract %slice3A_757[0] : i32 from vector<1xi32>
        %get3A_759 = arith.index_cast %squeeze3A_756 : i32 to index
        %get3A_760 = arith.constant 0 : index
        %get3A_761 = tpu.vector_load %arg7[%get3A_759, %get3A_760] {strides = array<i32>} : memref<520x128xf32, #tpu.memory_space<vmem>>, vector<16xf32>,
        %get3A_762 = arith.index_cast %squeeze3A_756 : i32 to index
        %get3A_763 = arith.constant 16 : index
        %get3A_764 = tpu.vector_load %arg7[%get3A_762, %get3A_763] {strides = array<i32>} : memref<520x128xf32, #tpu.memory_space<vmem>>, vector<16xf32>,
        %get3A_765 = arith.index_cast %squeeze3A_756 : i32 to index
        %get3A_766 = arith.constant 32 : index
        %get3A_767 = tpu.vector_load %arg7[%get3A_765, %get3A_766] {strides = array<i32>} : memref<520x128xf32, #tpu.memory_space<vmem>>, vector<16xf32>,
        %get3A_768 = arith.index_cast %squeeze3A_756 : i32 to index
        %get3A_769 = arith.constant 48 : index
        %get3A_770 = tpu.vector_load %arg7[%get3A_768, %get3A_769] {strides = array<i32>} : memref<520x128xf32, #tpu.memory_space<vmem>>, vector<16xf32>,
        %get3A_771 = arith.index_cast %squeeze3A_758 : i32 to index
        %get3A_772 = arith.constant 0 : index
        %get3A_773 = tpu.vector_load %arg7[%get3A_771, %get3A_772] {strides = array<i32>} : memref<520x128xf32, #tpu.memory_space<vmem>>, vector<16xf32>,
        %get3A_774 = arith.index_cast %squeeze3A_758 : i32 to index
        %get3A_775 = arith.constant 16 : index
        %get3A_776 = tpu.vector_load %arg7[%get3A_774, %get3A_775] {strides = array<i32>} : memref<520x128xf32, #tpu.memory_space<vmem>>, vector<16xf32>,
        %get3A_777 = arith.index_cast %squeeze3A_758 : i32 to index
        %get3A_778 = arith.constant 32 : index
        %get3A_779 = tpu.vector_load %arg7[%get3A_777, %get3A_778] {strides = array<i32>} : memref<520x128xf32, #tpu.memory_space<vmem>>, vector<16xf32>,
        %get3A_780 = arith.index_cast %squeeze3A_758 : i32 to index
        %get3A_781 = arith.constant 48 : index
        %get3A_782 = tpu.vector_load %arg7[%get3A_780, %get3A_781] {strides = array<i32>} : memref<520x128xf32, #tpu.memory_space<vmem>>, vector<16xf32>,
        %mul3A_783 = arith.constant 16 : i32
        %mul3A_784 = arith.muli %scan3A_391, %mul3A_783 : i32
        %add3A_785 = arith.constant 12 : i32
        %add3A_786 = arith.addi %mul3A_784, %add3A_785 : i32
        %sub3A_787 = arith.constant 2 : i32
        %sub3A_788 = arith.subi %add3A_786, %sub3A_787 : i32
        %swap3A_789 = arith.index_cast %sub3A_788 : i32 to index
        %swap3A_790 = arith.constant 0 : index
        %swap3A_791 = tpu.vector_load %arg12[%swap3A_789, %swap3A_790] {strides = array<i32>} : memref<128x65xf32, #tpu.memory_space<vmem>>, vector<16xf32>,
        tpu.vector_store %arg12[%swap3A_789, %swap3A_790], %get3A_695 {strides = array<i32>} : memref<128x65xf32, #tpu.memory_space<vmem>>, vector<16xf32>,
        %add3A_792 = arith.constant 1 : i32
        %add3A_793 = arith.addi %sub3A_788, %add3A_792 : i32
        %swap3A_794 = arith.index_cast %add3A_793 : i32 to index
        %swap3A_795 = arith.constant 0 : index
        %swap3A_796 = tpu.vector_load %arg12[%swap3A_794, %swap3A_795] {strides = array<i32>} : memref<128x65xf32, #tpu.memory_space<vmem>>, vector<16xf32>,
        tpu.vector_store %arg12[%swap3A_794, %swap3A_795], %get3A_707 {strides = array<i32>} : memref<128x65xf32, #tpu.memory_space<vmem>>, vector<16xf32>,
        %swap3A_797 = arith.index_cast %sub3A_788 : i32 to index
        %swap3A_798 = arith.constant 16 : index
        %swap3A_799 = tpu.vector_load %arg12[%swap3A_797, %swap3A_798] {strides = array<i32>} : memref<128x65xf32, #tpu.memory_space<vmem>>, vector<16xf32>,
        tpu.vector_store %arg12[%swap3A_797, %swap3A_798], %get3A_698 {strides = array<i32>} : memref<128x65xf32, #tpu.memory_space<vmem>>, vector<16xf32>,
        %add3A_800 = arith.constant 1 : i32
        %add3A_801 = arith.addi %sub3A_788, %add3A_800 : i32
        %swap3A_802 = arith.index_cast %add3A_801 : i32 to index
        %swap3A_803 = arith.constant 16 : index
        %swap3A_804 = tpu.vector_load %arg12[%swap3A_802, %swap3A_803] {strides = array<i32>} : memref<128x65xf32, #tpu.memory_space<vmem>>, vector<16xf32>,
        tpu.vector_store %arg12[%swap3A_802, %swap3A_803], %get3A_710 {strides = array<i32>} : memref<128x65xf32, #tpu.memory_space<vmem>>, vector<16xf32>,
        %swap3A_805 = arith.index_cast %sub3A_788 : i32 to index
        %swap3A_806 = arith.constant 32 : index
        %swap3A_807 = tpu.vector_load %arg12[%swap3A_805, %swap3A_806] {strides = array<i32>} : memref<128x65xf32, #tpu.memory_space<vmem>>, vector<16xf32>,
        tpu.vector_store %arg12[%swap3A_805, %swap3A_806], %get3A_701 {strides = array<i32>} : memref<128x65xf32, #tpu.memory_space<vmem>>, vector<16xf32>,
        %add3A_808 = arith.constant 1 : i32
        %add3A_809 = arith.addi %sub3A_788, %add3A_808 : i32
        %swap3A_810 = arith.index_cast %add3A_809 : i32 to index
        %swap3A_811 = arith.constant 32 : index
        %swap3A_812 = tpu.vector_load %arg12[%swap3A_810, %swap3A_811] {strides = array<i32>} : memref<128x65xf32, #tpu.memory_space<vmem>>, vector<16xf32>,
        tpu.vector_store %arg12[%swap3A_810, %swap3A_811], %get3A_713 {strides = array<i32>} : memref<128x65xf32, #tpu.memory_space<vmem>>, vector<16xf32>,
        %swap3A_813 = arith.index_cast %sub3A_788 : i32 to index
        %swap3A_814 = arith.constant 48 : index
        %swap3A_815 = tpu.vector_load %arg12[%swap3A_813, %swap3A_814] {strides = array<i32>} : memref<128x65xf32, #tpu.memory_space<vmem>>, vector<16xf32>,
        tpu.vector_store %arg12[%swap3A_813, %swap3A_814], %get3A_704 {strides = array<i32>} : memref<128x65xf32, #tpu.memory_space<vmem>>, vector<16xf32>,
        %add3A_816 = arith.constant 1 : i32
        %add3A_817 = arith.addi %sub3A_788, %add3A_816 : i32
        %swap3A_818 = arith.index_cast %add3A_817 : i32 to index
        %swap3A_819 = arith.constant 48 : index
        %swap3A_820 = tpu.vector_load %arg12[%swap3A_818, %swap3A_819] {strides = array<i32>} : memref<128x65xf32, #tpu.memory_space<vmem>>, vector<16xf32>,
        tpu.vector_store %arg12[%swap3A_818, %swap3A_819], %get3A_716 {strides = array<i32>} : memref<128x65xf32, #tpu.memory_space<vmem>>, vector<16xf32>,
        %slice3A_821 = vector.extract_strided_slice %get3A_398 {offsets = [14], sizes = [1], strides = [1]} : vector<16xi32> to vector<1xi32>
        %squeeze3A_822 = vector.extract %slice3A_821[0] : i32 from vector<1xi32>
        %slice3A_823 = vector.extract_strided_slice %get3A_398 {offsets = [15], sizes = [1], strides = [1]} : vector<16xi32> to vector<1xi32>
        %squeeze3A_824 = vector.extract %slice3A_823[0] : i32 from vector<1xi32>
        %get3A_825 = arith.index_cast %squeeze3A_822 : i32 to index
        %get3A_826 = arith.constant 0 : index
        %get3A_827 = tpu.vector_load %arg7[%get3A_825, %get3A_826] {strides = array<i32>} : memref<520x128xf32, #tpu.memory_space<vmem>>, vector<16xf32>,
        %get3A_828 = arith.index_cast %squeeze3A_822 : i32 to index
        %get3A_829 = arith.constant 16 : index
        %get3A_830 = tpu.vector_load %arg7[%get3A_828, %get3A_829] {strides = array<i32>} : memref<520x128xf32, #tpu.memory_space<vmem>>, vector<16xf32>,
        %get3A_831 = arith.index_cast %squeeze3A_822 : i32 to index
        %get3A_832 = arith.constant 32 : index
        %get3A_833 = tpu.vector_load %arg7[%get3A_831, %get3A_832] {strides = array<i32>} : memref<520x128xf32, #tpu.memory_space<vmem>>, vector<16xf32>,
        %get3A_834 = arith.index_cast %squeeze3A_822 : i32 to index
        %get3A_835 = arith.constant 48 : index
        %get3A_836 = tpu.vector_load %arg7[%get3A_834, %get3A_835] {strides = array<i32>} : memref<520x128xf32, #tpu.memory_space<vmem>>, vector<16xf32>,
        %get3A_837 = arith.index_cast %squeeze3A_824 : i32 to index
        %get3A_838 = arith.constant 0 : index
        %get3A_839 = tpu.vector_load %arg7[%get3A_837, %get3A_838] {strides = array<i32>} : memref<520x128xf32, #tpu.memory_space<vmem>>, vector<16xf32>,
        %get3A_840 = arith.index_cast %squeeze3A_824 : i32 to index
        %get3A_841 = arith.constant 16 : index
        %get3A_842 = tpu.vector_load %arg7[%get3A_840, %get3A_841] {strides = array<i32>} : memref<520x128xf32, #tpu.memory_space<vmem>>, vector<16xf32>,
        %get3A_843 = arith.index_cast %squeeze3A_824 : i32 to index
        %get3A_844 = arith.constant 32 : index
        %get3A_845 = tpu.vector_load %arg7[%get3A_843, %get3A_844] {strides = array<i32>} : memref<520x128xf32, #tpu.memory_space<vmem>>, vector<16xf32>,
        %get3A_846 = arith.index_cast %squeeze3A_824 : i32 to index
        %get3A_847 = arith.constant 48 : index
        %get3A_848 = tpu.vector_load %arg7[%get3A_846, %get3A_847] {strides = array<i32>} : memref<520x128xf32, #tpu.memory_space<vmem>>, vector<16xf32>,
        %mul3A_849 = arith.constant 16 : i32
        %mul3A_850 = arith.muli %scan3A_391, %mul3A_849 : i32
        %add3A_851 = arith.constant 14 : i32
        %add3A_852 = arith.addi %mul3A_850, %add3A_851 : i32
        %sub3A_853 = arith.constant 2 : i32
        %sub3A_854 = arith.subi %add3A_852, %sub3A_853 : i32
        %swap3A_855 = arith.index_cast %sub3A_854 : i32 to index
        %swap3A_856 = arith.constant 0 : index
        %swap3A_857 = tpu.vector_load %arg12[%swap3A_855, %swap3A_856] {strides = array<i32>} : memref<128x65xf32, #tpu.memory_space<vmem>>, vector<16xf32>,
        tpu.vector_store %arg12[%swap3A_855, %swap3A_856], %get3A_761 {strides = array<i32>} : memref<128x65xf32, #tpu.memory_space<vmem>>, vector<16xf32>,
        %add3A_858 = arith.constant 1 : i32
        %add3A_859 = arith.addi %sub3A_854, %add3A_858 : i32
        %swap3A_860 = arith.index_cast %add3A_859 : i32 to index
        %swap3A_861 = arith.constant 0 : index
        %swap3A_862 = tpu.vector_load %arg12[%swap3A_860, %swap3A_861] {strides = array<i32>} : memref<128x65xf32, #tpu.memory_space<vmem>>, vector<16xf32>,
        tpu.vector_store %arg12[%swap3A_860, %swap3A_861], %get3A_773 {strides = array<i32>} : memref<128x65xf32, #tpu.memory_space<vmem>>, vector<16xf32>,
        %swap3A_863 = arith.index_cast %sub3A_854 : i32 to index
        %swap3A_864 = arith.constant 16 : index
        %swap3A_865 = tpu.vector_load %arg12[%swap3A_863, %swap3A_864] {strides = array<i32>} : memref<128x65xf32, #tpu.memory_space<vmem>>, vector<16xf32>,
        tpu.vector_store %arg12[%swap3A_863, %swap3A_864], %get3A_764 {strides = array<i32>} : memref<128x65xf32, #tpu.memory_space<vmem>>, vector<16xf32>,
        %add3A_866 = arith.constant 1 : i32
        %add3A_867 = arith.addi %sub3A_854, %add3A_866 : i32
        %swap3A_868 = arith.index_cast %add3A_867 : i32 to index
        %swap3A_869 = arith.constant 16 : index
        %swap3A_870 = tpu.vector_load %arg12[%swap3A_868, %swap3A_869] {strides = array<i32>} : memref<128x65xf32, #tpu.memory_space<vmem>>, vector<16xf32>,
        tpu.vector_store %arg12[%swap3A_868, %swap3A_869], %get3A_776 {strides = array<i32>} : memref<128x65xf32, #tpu.memory_space<vmem>>, vector<16xf32>,
        %swap3A_871 = arith.index_cast %sub3A_854 : i32 to index
        %swap3A_872 = arith.constant 32 : index
        %swap3A_873 = tpu.vector_load %arg12[%swap3A_871, %swap3A_872] {strides = array<i32>} : memref<128x65xf32, #tpu.memory_space<vmem>>, vector<16xf32>,
        tpu.vector_store %arg12[%swap3A_871, %swap3A_872], %get3A_767 {strides = array<i32>} : memref<128x65xf32, #tpu.memory_space<vmem>>, vector<16xf32>,
        %add3A_874 = arith.constant 1 : i32
        %add3A_875 = arith.addi %sub3A_854, %add3A_874 : i32
        %swap3A_876 = arith.index_cast %add3A_875 : i32 to index
        %swap3A_877 = arith.constant 32 : index
        %swap3A_878 = tpu.vector_load %arg12[%swap3A_876, %swap3A_877] {strides = array<i32>} : memref<128x65xf32, #tpu.memory_space<vmem>>, vector<16xf32>,
        tpu.vector_store %arg12[%swap3A_876, %swap3A_877], %get3A_779 {strides = array<i32>} : memref<128x65xf32, #tpu.memory_space<vmem>>, vector<16xf32>,
        %swap3A_879 = arith.index_cast %sub3A_854 : i32 to index
        %swap3A_880 = arith.constant 48 : index
        %swap3A_881 = tpu.vector_load %arg12[%swap3A_879, %swap3A_880] {strides = array<i32>} : memref<128x65xf32, #tpu.memory_space<vmem>>, vector<16xf32>,
        tpu.vector_store %arg12[%swap3A_879, %swap3A_880], %get3A_770 {strides = array<i32>} : memref<128x65xf32, #tpu.memory_space<vmem>>, vector<16xf32>,
        %add3A_882 = arith.constant 1 : i32
        %add3A_883 = arith.addi %sub3A_854, %add3A_882 : i32
        %swap3A_884 = arith.index_cast %add3A_883 : i32 to index
        %swap3A_885 = arith.constant 48 : index
        %swap3A_886 = tpu.vector_load %arg12[%swap3A_884, %swap3A_885] {strides = array<i32>} : memref<128x65xf32, #tpu.memory_space<vmem>>, vector<16xf32>,
        tpu.vector_store %arg12[%swap3A_884, %swap3A_885], %get3A_782 {strides = array<i32>} : memref<128x65xf32, #tpu.memory_space<vmem>>, vector<16xf32>,
        %mul3A_887 = arith.constant 16 : i32
        %mul3A_888 = arith.muli %scan3A_391, %mul3A_887 : i32
        %add3A_889 = arith.constant 14 : i32
        %add3A_890 = arith.addi %mul3A_888, %add3A_889 : i32
        %swap3A_891 = arith.index_cast %add3A_890 : i32 to index
        %swap3A_892 = arith.constant 0 : index
        %swap3A_893 = tpu.vector_load %arg12[%swap3A_891, %swap3A_892] {strides = array<i32>} : memref<128x65xf32, #tpu.memory_space<vmem>>, vector<16xf32>,
        tpu.vector_store %arg12[%swap3A_891, %swap3A_892], %get3A_827 {strides = array<i32>} : memref<128x65xf32, #tpu.memory_space<vmem>>, vector<16xf32>,
        %add3A_894 = arith.constant 1 : i32
        %add3A_895 = arith.addi %add3A_890, %add3A_894 : i32
        %swap3A_896 = arith.index_cast %add3A_895 : i32 to index
        %swap3A_897 = arith.constant 0 : index
        %swap3A_898 = tpu.vector_load %arg12[%swap3A_896, %swap3A_897] {strides = array<i32>} : memref<128x65xf32, #tpu.memory_space<vmem>>, vector<16xf32>,
        tpu.vector_store %arg12[%swap3A_896, %swap3A_897], %get3A_839 {strides = array<i32>} : memref<128x65xf32, #tpu.memory_space<vmem>>, vector<16xf32>,
        %swap3A_899 = arith.index_cast %add3A_890 : i32 to index
        %swap3A_900 = arith.constant 16 : index
        %swap3A_901 = tpu.vector_load %arg12[%swap3A_899, %swap3A_900] {strides = array<i32>} : memref<128x65xf32, #tpu.memory_space<vmem>>, vector<16xf32>,
        tpu.vector_store %arg12[%swap3A_899, %swap3A_900], %get3A_830 {strides = array<i32>} : memref<128x65xf32, #tpu.memory_space<vmem>>, vector<16xf32>,
        %add3A_902 = arith.constant 1 : i32
        %add3A_903 = arith.addi %add3A_890, %add3A_902 : i32
        %swap3A_904 = arith.index_cast %add3A_903 : i32 to index
        %swap3A_905 = arith.constant 16 : index
        %swap3A_906 = tpu.vector_load %arg12[%swap3A_904, %swap3A_905] {strides = array<i32>} : memref<128x65xf32, #tpu.memory_space<vmem>>, vector<16xf32>,
        tpu.vector_store %arg12[%swap3A_904, %swap3A_905], %get3A_842 {strides = array<i32>} : memref<128x65xf32, #tpu.memory_space<vmem>>, vector<16xf32>,
        %swap3A_907 = arith.index_cast %add3A_890 : i32 to index
        %swap3A_908 = arith.constant 32 : index
        %swap3A_909 = tpu.vector_load %arg12[%swap3A_907, %swap3A_908] {strides = array<i32>} : memref<128x65xf32, #tpu.memory_space<vmem>>, vector<16xf32>,
        tpu.vector_store %arg12[%swap3A_907, %swap3A_908], %get3A_833 {strides = array<i32>} : memref<128x65xf32, #tpu.memory_space<vmem>>, vector<16xf32>,
        %add3A_910 = arith.constant 1 : i32
        %add3A_911 = arith.addi %add3A_890, %add3A_910 : i32
        %swap3A_912 = arith.index_cast %add3A_911 : i32 to index
        %swap3A_913 = arith.constant 32 : index
        %swap3A_914 = tpu.vector_load %arg12[%swap3A_912, %swap3A_913] {strides = array<i32>} : memref<128x65xf32, #tpu.memory_space<vmem>>, vector<16xf32>,
        tpu.vector_store %arg12[%swap3A_912, %swap3A_913], %get3A_845 {strides = array<i32>} : memref<128x65xf32, #tpu.memory_space<vmem>>, vector<16xf32>,
        %swap3A_915 = arith.index_cast %add3A_890 : i32 to index
        %swap3A_916 = arith.constant 48 : index
        %swap3A_917 = tpu.vector_load %arg12[%swap3A_915, %swap3A_916] {strides = array<i32>} : memref<128x65xf32, #tpu.memory_space<vmem>>, vector<16xf32>,
        tpu.vector_store %arg12[%swap3A_915, %swap3A_916], %get3A_836 {strides = array<i32>} : memref<128x65xf32, #tpu.memory_space<vmem>>, vector<16xf32>,
        %add3A_918 = arith.constant 1 : i32
        %add3A_919 = arith.addi %add3A_890, %add3A_918 : i32
        %swap3A_920 = arith.index_cast %add3A_919 : i32 to index
        %swap3A_921 = arith.constant 48 : index
        %swap3A_922 = tpu.vector_load %arg12[%swap3A_920, %swap3A_921] {strides = array<i32>} : memref<128x65xf32, #tpu.memory_space<vmem>>, vector<16xf32>,
        tpu.vector_store %arg12[%swap3A_920, %swap3A_921], %get3A_848 {strides = array<i32>} : memref<128x65xf32, #tpu.memory_space<vmem>>, vector<16xf32>,
      }
      %scan3A_223 = arith.constant 8 : i32
      %add3A_224 = arith.constant 0 : i32
      %add3A_225 = vector.broadcast %add3A_224 : i32 to vector<16xi32>
      %add3A_226 = arith.addi %iota3A_13, %add3A_225 : vector<16xi32>
      %mul3A_227 = arith.constant 128 : i32
      %mul3A_228 = arith.muli %add3A_41, %mul3A_227 : i32
      %add3A_229 = arith.constant 0 : i32
      %add3A_230 = arith.addi %mul3A_228, %add3A_229 : i32
      %get3A_231 = arith.index_cast %add3A_230 : i32 to index
      %get3A_232 = tpu.vector_load %arg10[%get3A_231] {strides = array<i32>} : memref<4096xi32, #tpu.memory_space<vmem>>, vector<16xi32>,
      %gather3A_233 = tpu.vector_load_idx %arg7[%get3A_232, %broadcast_in_dim3A_10] : memref<520x128xf32, #tpu.memory_space<vmem>>[vector<16xi32>, vector<16xi32>], vector<16xf32>,
      tpu.vector_store_idx %arg12[%add3A_226, %broadcast_in_dim3A_10], %gather3A_233 : memref<128x65xf32, #tpu.memory_space<vmem>>[vector<16xi32>, vector<16xi32>], vector<16xf32>,
      %mul3A_234 = arith.constant 128 : i32
      %mul3A_235 = arith.muli %add3A_41, %mul3A_234 : i32
      %add3A_236 = arith.constant 0 : i32
      %add3A_237 = arith.addi %mul3A_235, %add3A_236 : i32
      %get3A_238 = arith.index_cast %add3A_237 : i32 to index
      %get3A_239 = tpu.vector_load %arg9[%get3A_238] {strides = array<i32>} : memref<4096xi32, #tpu.memory_space<vmem>>, vector<16xi32>,
      %gather3A_240 = tpu.vector_load_idx %arg7[%get3A_232, %broadcast_in_dim3A_12] : memref<520x128xf32, #tpu.memory_space<vmem>>[vector<16xi32>, vector<16xi32>], vector<16xf32>,
      %gather3A_241 = tpu.vector_load_idx %arg7[%get3A_232, %get3A_239] : memref<520x128xf32, #tpu.memory_space<vmem>>[vector<16xi32>, vector<16xi32>], vector<16xf32>,
      %sub3A_242 = arith.subf %gather3A_240, %gather3A_241 : vector<16xf32>
      %add3A_243 = arith.addf %add3A_206, %sub3A_242 : vector<16xf32>
      %add3A_244 = arith.constant 16 : i32
      %add3A_245 = vector.broadcast %add3A_244 : i32 to vector<16xi32>
      %add3A_246 = arith.addi %iota3A_13, %add3A_245 : vector<16xi32>
      %mul3A_247 = arith.constant 128 : i32
      %mul3A_248 = arith.muli %add3A_41, %mul3A_247 : i32
      %add3A_249 = arith.constant 16 : i32
      %add3A_250 = arith.addi %mul3A_248, %add3A_249 : i32
      %get3A_251 = arith.index_cast %add3A_250 : i32 to index
      %get3A_252 = tpu.vector_load %arg10[%get3A_251] {strides = array<i32>} : memref<4096xi32, #tpu.memory_space<vmem>>, vector<16xi32>,
      %gather3A_253 = tpu.vector_load_idx %arg7[%get3A_252, %broadcast_in_dim3A_10] : memref<520x128xf32, #tpu.memory_space<vmem>>[vector<16xi32>, vector<16xi32>], vector<16xf32>,
      tpu.vector_store_idx %arg12[%add3A_246, %broadcast_in_dim3A_10], %gather3A_253 : memref<128x65xf32, #tpu.memory_space<vmem>>[vector<16xi32>, vector<16xi32>], vector<16xf32>,
      %mul3A_254 = arith.constant 128 : i32
      %mul3A_255 = arith.muli %add3A_41, %mul3A_254 : i32
      %add3A_256 = arith.constant 16 : i32
      %add3A_257 = arith.addi %mul3A_255, %add3A_256 : i32
      %get3A_258 = arith.index_cast %add3A_257 : i32 to index
      %get3A_259 = tpu.vector_load %arg9[%get3A_258] {strides = array<i32>} : memref<4096xi32, #tpu.memory_space<vmem>>, vector<16xi32>,
      %gather3A_260 = tpu.vector_load_idx %arg7[%get3A_252, %broadcast_in_dim3A_12] : memref<520x128xf32, #tpu.memory_space<vmem>>[vector<16xi32>, vector<16xi32>], vector<16xf32>,
      %gather3A_261 = tpu.vector_load_idx %arg7[%get3A_252, %get3A_259] : memref<520x128xf32, #tpu.memory_space<vmem>>[vector<16xi32>, vector<16xi32>], vector<16xf32>,
      %sub3A_262 = arith.subf %gather3A_260, %gather3A_261 : vector<16xf32>
      %add3A_263 = arith.addf %add3A_243, %sub3A_262 : vector<16xf32>
      %add3A_264 = arith.constant 32 : i32
      %add3A_265 = vector.broadcast %add3A_264 : i32 to vector<16xi32>
      %add3A_266 = arith.addi %iota3A_13, %add3A_265 : vector<16xi32>
      %mul3A_267 = arith.constant 128 : i32
      %mul3A_268 = arith.muli %add3A_41, %mul3A_267 : i32
      %add3A_269 = arith.constant 32 : i32
      %add3A_270 = arith.addi %mul3A_268, %add3A_269 : i32
      %get3A_271 = arith.index_cast %add3A_270 : i32 to index
      %get3A_272 = tpu.vector_load %arg10[%get3A_271] {strides = array<i32>} : memref<4096xi32, #tpu.memory_space<vmem>>, vector<16xi32>,
      %gather3A_273 = tpu.vector_load_idx %arg7[%get3A_272, %broadcast_in_dim3A_10] : memref<520x128xf32, #tpu.memory_space<vmem>>[vector<16xi32>, vector<16xi32>], vector<16xf32>,
      tpu.vector_store_idx %arg12[%add3A_266, %broadcast_in_dim3A_10], %gather3A_273 : memref<128x65xf32, #tpu.memory_space<vmem>>[vector<16xi32>, vector<16xi32>], vector<16xf32>,
      %mul3A_274 = arith.constant 128 : i32
      %mul3A_275 = arith.muli %add3A_41, %mul3A_274 : i32
      %add3A_276 = arith.constant 32 : i32
      %add3A_277 = arith.addi %mul3A_275, %add3A_276 : i32
      %get3A_278 = arith.index_cast %add3A_277 : i32 to index
      %get3A_279 = tpu.vector_load %arg9[%get3A_278] {strides = array<i32>} : memref<4096xi32, #tpu.memory_space<vmem>>, vector<16xi32>,
      %gather3A_280 = tpu.vector_load_idx %arg7[%get3A_272, %broadcast_in_dim3A_12] : memref<520x128xf32, #tpu.memory_space<vmem>>[vector<16xi32>, vector<16xi32>], vector<16xf32>,
      %gather3A_281 = tpu.vector_load_idx %arg7[%get3A_272, %get3A_279] : memref<520x128xf32, #tpu.memory_space<vmem>>[vector<16xi32>, vector<16xi32>], vector<16xf32>,
      %sub3A_282 = arith.subf %gather3A_280, %gather3A_281 : vector<16xf32>
      %add3A_283 = arith.addf %add3A_263, %sub3A_282 : vector<16xf32>
      %add3A_284 = arith.constant 48 : i32
      %add3A_285 = vector.broadcast %add3A_284 : i32 to vector<16xi32>
      %add3A_286 = arith.addi %iota3A_13, %add3A_285 : vector<16xi32>
      %mul3A_287 = arith.constant 128 : i32
      %mul3A_288 = arith.muli %add3A_41, %mul3A_287 : i32
      %add3A_289 = arith.constant 48 : i32
      %add3A_290 = arith.addi %mul3A_288, %add3A_289 : i32
      %get3A_291 = arith.index_cast %add3A_290 : i32 to index
      %get3A_292 = tpu.vector_load %arg10[%get3A_291] {strides = array<i32>} : memref<4096xi32, #tpu.memory_space<vmem>>, vector<16xi32>,
      %gather3A_293 = tpu.vector_load_idx %arg7[%get3A_292, %broadcast_in_dim3A_10] : memref<520x128xf32, #tpu.memory_space<vmem>>[vector<16xi32>, vector<16xi32>], vector<16xf32>,
      tpu.vector_store_idx %arg12[%add3A_286, %broadcast_in_dim3A_10], %gather3A_293 : memref<128x65xf32, #tpu.memory_space<vmem>>[vector<16xi32>, vector<16xi32>], vector<16xf32>,
      %mul3A_294 = arith.constant 128 : i32
      %mul3A_295 = arith.muli %add3A_41, %mul3A_294 : i32
      %add3A_296 = arith.constant 48 : i32
      %add3A_297 = arith.addi %mul3A_295, %add3A_296 : i32
      %get3A_298 = arith.index_cast %add3A_297 : i32 to index
      %get3A_299 = tpu.vector_load %arg9[%get3A_298] {strides = array<i32>} : memref<4096xi32, #tpu.memory_space<vmem>>, vector<16xi32>,
      %gather3A_300 = tpu.vector_load_idx %arg7[%get3A_292, %broadcast_in_dim3A_12] : memref<520x128xf32, #tpu.memory_space<vmem>>[vector<16xi32>, vector<16xi32>], vector<16xf32>,
      %gather3A_301 = tpu.vector_load_idx %arg7[%get3A_292, %get3A_299] : memref<520x128xf32, #tpu.memory_space<vmem>>[vector<16xi32>, vector<16xi32>], vector<16xf32>,
      %sub3A_302 = arith.subf %gather3A_300, %gather3A_301 : vector<16xf32>
      %add3A_303 = arith.addf %add3A_283, %sub3A_302 : vector<16xf32>
      %add3A_304 = arith.constant 64 : i32
      %add3A_305 = vector.broadcast %add3A_304 : i32 to vector<16xi32>
      %add3A_306 = arith.addi %iota3A_13, %add3A_305 : vector<16xi32>
      %mul3A_307 = arith.constant 128 : i32
      %mul3A_308 = arith.muli %add3A_41, %mul3A_307 : i32
      %add3A_309 = arith.constant 64 : i32
      %add3A_310 = arith.addi %mul3A_308, %add3A_309 : i32
      %get3A_311 = arith.index_cast %add3A_310 : i32 to index
      %get3A_312 = tpu.vector_load %arg10[%get3A_311] {strides = array<i32>} : memref<4096xi32, #tpu.memory_space<vmem>>, vector<16xi32>,
      %gather3A_313 = tpu.vector_load_idx %arg7[%get3A_312, %broadcast_in_dim3A_10] : memref<520x128xf32, #tpu.memory_space<vmem>>[vector<16xi32>, vector<16xi32>], vector<16xf32>,
      tpu.vector_store_idx %arg12[%add3A_306, %broadcast_in_dim3A_10], %gather3A_313 : memref<128x65xf32, #tpu.memory_space<vmem>>[vector<16xi32>, vector<16xi32>], vector<16xf32>,
      %mul3A_314 = arith.constant 128 : i32
      %mul3A_315 = arith.muli %add3A_41, %mul3A_314 : i32
      %add3A_316 = arith.constant 64 : i32
      %add3A_317 = arith.addi %mul3A_315, %add3A_316 : i32
      %get3A_318 = arith.index_cast %add3A_317 : i32 to index
      %get3A_319 = tpu.vector_load %arg9[%get3A_318] {strides = array<i32>} : memref<4096xi32, #tpu.memory_space<vmem>>, vector<16xi32>,
      %gather3A_320 = tpu.vector_load_idx %arg7[%get3A_312, %broadcast_in_dim3A_12] : memref<520x128xf32, #tpu.memory_space<vmem>>[vector<16xi32>, vector<16xi32>], vector<16xf32>,
      %gather3A_321 = tpu.vector_load_idx %arg7[%get3A_312, %get3A_319] : memref<520x128xf32, #tpu.memory_space<vmem>>[vector<16xi32>, vector<16xi32>], vector<16xf32>,
      %sub3A_322 = arith.subf %gather3A_320, %gather3A_321 : vector<16xf32>
      %add3A_323 = arith.addf %add3A_303, %sub3A_322 : vector<16xf32>
      %add3A_324 = arith.constant 80 : i32
      %add3A_325 = vector.broadcast %add3A_324 : i32 to vector<16xi32>
      %add3A_326 = arith.addi %iota3A_13, %add3A_325 : vector<16xi32>
      %mul3A_327 = arith.constant 128 : i32
      %mul3A_328 = arith.muli %add3A_41, %mul3A_327 : i32
      %add3A_329 = arith.constant 80 : i32
      %add3A_330 = arith.addi %mul3A_328, %add3A_329 : i32
      %get3A_331 = arith.index_cast %add3A_330 : i32 to index
      %get3A_332 = tpu.vector_load %arg10[%get3A_331] {strides = array<i32>} : memref<4096xi32, #tpu.memory_space<vmem>>, vector<16xi32>,
      %gather3A_333 = tpu.vector_load_idx %arg7[%get3A_332, %broadcast_in_dim3A_10] : memref<520x128xf32, #tpu.memory_space<vmem>>[vector<16xi32>, vector<16xi32>], vector<16xf32>,
      tpu.vector_store_idx %arg12[%add3A_326, %broadcast_in_dim3A_10], %gather3A_333 : memref<128x65xf32, #tpu.memory_space<vmem>>[vector<16xi32>, vector<16xi32>], vector<16xf32>,
      %mul3A_334 = arith.constant 128 : i32
      %mul3A_335 = arith.muli %add3A_41, %mul3A_334 : i32
      %add3A_336 = arith.constant 80 : i32
      %add3A_337 = arith.addi %mul3A_335, %add3A_336 : i32
      %get3A_338 = arith.index_cast %add3A_337 : i32 to index
      %get3A_339 = tpu.vector_load %arg9[%get3A_338] {strides = array<i32>} : memref<4096xi32, #tpu.memory_space<vmem>>, vector<16xi32>,
      %gather3A_340 = tpu.vector_load_idx %arg7[%get3A_332, %broadcast_in_dim3A_12] : memref<520x128xf32, #tpu.memory_space<vmem>>[vector<16xi32>, vector<16xi32>], vector<16xf32>,
      %gather3A_341 = tpu.vector_load_idx %arg7[%get3A_332, %get3A_339] : memref<520x128xf32, #tpu.memory_space<vmem>>[vector<16xi32>, vector<16xi32>], vector<16xf32>,
      %sub3A_342 = arith.subf %gather3A_340, %gather3A_341 : vector<16xf32>
      %add3A_343 = arith.addf %add3A_323, %sub3A_342 : vector<16xf32>
      %add3A_344 = arith.constant 96 : i32
      %add3A_345 = vector.broadcast %add3A_344 : i32 to vector<16xi32>
      %add3A_346 = arith.addi %iota3A_13, %add3A_345 : vector<16xi32>
      %mul3A_347 = arith.constant 128 : i32
      %mul3A_348 = arith.muli %add3A_41, %mul3A_347 : i32
      %add3A_349 = arith.constant 96 : i32
      %add3A_350 = arith.addi %mul3A_348, %add3A_349 : i32
      %get3A_351 = arith.index_cast %add3A_350 : i32 to index
      %get3A_352 = tpu.vector_load %arg10[%get3A_351] {strides = array<i32>} : memref<4096xi32, #tpu.memory_space<vmem>>, vector<16xi32>,
      %gather3A_353 = tpu.vector_load_idx %arg7[%get3A_352, %broadcast_in_dim3A_10] : memref<520x128xf32, #tpu.memory_space<vmem>>[vector<16xi32>, vector<16xi32>], vector<16xf32>,
      tpu.vector_store_idx %arg12[%add3A_346, %broadcast_in_dim3A_10], %gather3A_353 : memref<128x65xf32, #tpu.memory_space<vmem>>[vector<16xi32>, vector<16xi32>], vector<16xf32>,
      %mul3A_354 = arith.constant 128 : i32
      %mul3A_355 = arith.muli %add3A_41, %mul3A_354 : i32
      %add3A_356 = arith.constant 96 : i32
      %add3A_357 = arith.addi %mul3A_355, %add3A_356 : i32
      %get3A_358 = arith.index_cast %add3A_357 : i32 to index
      %get3A_359 = tpu.vector_load %arg9[%get3A_358] {strides = array<i32>} : memref<4096xi32, #tpu.memory_space<vmem>>, vector<16xi32>,
      %gather3A_360 = tpu.vector_load_idx %arg7[%get3A_352, %broadcast_in_dim3A_12] : memref<520x128xf32, #tpu.memory_space<vmem>>[vector<16xi32>, vector<16xi32>], vector<16xf32>,
      %gather3A_361 = tpu.vector_load_idx %arg7[%get3A_352, %get3A_359] : memref<520x128xf32, #tpu.memory_space<vmem>>[vector<16xi32>, vector<16xi32>], vector<16xf32>,
      %sub3A_362 = arith.subf %gather3A_360, %gather3A_361 : vector<16xf32>
      %add3A_363 = arith.addf %add3A_343, %sub3A_362 : vector<16xf32>
      %add3A_364 = arith.constant 112 : i32
      %add3A_365 = vector.broadcast %add3A_364 : i32 to vector<16xi32>
      %add3A_366 = arith.addi %iota3A_13, %add3A_365 : vector<16xi32>
      %mul3A_367 = arith.constant 128 : i32
      %mul3A_368 = arith.muli %add3A_41, %mul3A_367 : i32
      %add3A_369 = arith.constant 112 : i32
      %add3A_370 = arith.addi %mul3A_368, %add3A_369 : i32
      %get3A_371 = arith.index_cast %add3A_370 : i32 to index
      %get3A_372 = tpu.vector_load %arg10[%get3A_371] {strides = array<i32>} : memref<4096xi32, #tpu.memory_space<vmem>>, vector<16xi32>,
      %gather3A_373 = tpu.vector_load_idx %arg7[%get3A_372, %broadcast_in_dim3A_10] : memref<520x128xf32, #tpu.memory_space<vmem>>[vector<16xi32>, vector<16xi32>], vector<16xf32>,
      tpu.vector_store_idx %arg12[%add3A_366, %broadcast_in_dim3A_10], %gather3A_373 : memref<128x65xf32, #tpu.memory_space<vmem>>[vector<16xi32>, vector<16xi32>], vector<16xf32>,
      %mul3A_374 = arith.constant 128 : i32
      %mul3A_375 = arith.muli %add3A_41, %mul3A_374 : i32
      %add3A_376 = arith.constant 112 : i32
      %add3A_377 = arith.addi %mul3A_375, %add3A_376 : i32
      %get3A_378 = arith.index_cast %add3A_377 : i32 to index
      %get3A_379 = tpu.vector_load %arg9[%get3A_378] {strides = array<i32>} : memref<4096xi32, #tpu.memory_space<vmem>>, vector<16xi32>,
      %gather3A_380 = tpu.vector_load_idx %arg7[%get3A_372, %broadcast_in_dim3A_12] : memref<520x128xf32, #tpu.memory_space<vmem>>[vector<16xi32>, vector<16xi32>], vector<16xf32>,
      %gather3A_381 = tpu.vector_load_idx %arg7[%get3A_372, %get3A_379] : memref<520x128xf32, #tpu.memory_space<vmem>>[vector<16xi32>, vector<16xi32>], vector<16xf32>,
      %sub3A_382 = arith.subf %gather3A_380, %gather3A_381 : vector<16xf32>
      %add3A_383 = arith.addf %add3A_363, %sub3A_382 : vector<16xf32>
      %mul3A_384 = arith.constant 128 : i32
      %mul3A_385 = arith.muli %add3A_41, %mul3A_384 : i32
      %add3A_386 = arith.addi %mul3A_2, %mul3A_385 : i32
      %dma_start3A_387 = arith.constant 0 : i32
      %dma_start3A_388 = tpu.memref_slice %arg5[%add3A_386, %dma_start3A_387] : memref<131072x65xf32, #tpu.memory_space<hbm>> -> memref<128x65xf32, #tpu.memory_space<hbm>>
      %dma_start3A_389 = arith.constant 0 : i32
      %dma_start3A_390 = tpu.memref_slice %arg5[%add3A_386, %dma_start3A_389] : memref<131072x65xf32, #tpu.memory_space<hbm>> -> memref<128x65xf32, #tpu.memory_space<hbm>>
      tpu.enqueue_dma source(%arg12 : memref<128x65xf32, #tpu.memory_space<vmem>>) target(%dma_start3A_390 : memref<128x65xf32, #tpu.memory_space<hbm>>) target_semaphore(%arg15 : memref<!tpu.dma_semaphore, #tpu.memory_space<semaphore_mem>>)
      scf.yield %add3A_383 : vector<16xf32>
    }
    %scan3A_21 = arith.constant 16 : i32
    %swap3A = arith.constant 0 : index
    %swap3A_22 = tpu.vector_load %arg13[%swap3A] {strides = array<i32>} : memref<16xf32, #tpu.memory_space<vmem>>, vector<16xf32>,
    tpu.vector_store %arg13[%swap3A], %scan3A_20 {strides = array<i32>} : memref<16xf32, #tpu.memory_space<vmem>>, vector<16xf32>,
    "tpu.region"() ({
      %run_scoped3A = tpu.sem_alloc : memref<!tpu.dma_semaphore, #tpu.memory_space<semaphore_mem>>
      %dma_start3A = arith.constant 0 : i32
      %dma_start3A_34 = tpu.memref_slice %arg6[%add3A, %dma_start3A] : memref<32x16xf32, #tpu.memory_space<hbm>> -> memref<1x16xf32, #tpu.memory_space<hbm>>
      %dma_start3A_35 = tpu.memref_squeeze %dma_start3A_34 : memref<1x16xf32, #tpu.memory_space<hbm>> -> memref<16xf32, #tpu.memory_space<hbm>>
      %dma_start3A_36 = arith.constant 0 : i32
      %dma_start3A_37 = tpu.memref_slice %arg6[%add3A, %dma_start3A_36] : memref<32x16xf32, #tpu.memory_space<hbm>> -> memref<1x16xf32, #tpu.memory_space<hbm>>
      %dma_start3A_38 = tpu.memref_squeeze %dma_start3A_37 : memref<1x16xf32, #tpu.memory_space<hbm>> -> memref<16xf32, #tpu.memory_space<hbm>>
      tpu.enqueue_dma source(%arg13 : memref<16xf32, #tpu.memory_space<vmem>>) target(%dma_start3A_38 : memref<16xf32, #tpu.memory_space<hbm>>) target_semaphore(%run_scoped3A : memref<!tpu.dma_semaphore, #tpu.memory_space<semaphore_mem>>)
      %dma_wait3A_39 = arith.constant 0 : i32
      %dma_wait3A_40 = tpu.memref_slice %arg6[%add3A, %dma_wait3A_39] : memref<32x16xf32, #tpu.memory_space<hbm>> -> memref<1x16xf32, #tpu.memory_space<hbm>>
      %dma_wait3A_41 = tpu.memref_squeeze %dma_wait3A_40 : memref<1x16xf32, #tpu.memory_space<hbm>> -> memref<16xf32, #tpu.memory_space<hbm>>
      %dma_wait3A_42 = arith.constant 0 : i32
      %dma_wait3A_43 = tpu.memref_slice %arg6[%add3A, %dma_wait3A_42] : memref<32x16xf32, #tpu.memory_space<hbm>> -> memref<1x16xf32, #tpu.memory_space<hbm>>
      %dma_wait3A_44 = tpu.memref_squeeze %dma_wait3A_43 : memref<1x16xf32, #tpu.memory_space<hbm>> -> memref<16xf32, #tpu.memory_space<hbm>>
      tpu.wait_dma2 semaphore(%run_scoped3A : memref<!tpu.dma_semaphore, #tpu.memory_space<semaphore_mem>>) src(%arg13 : memref<16xf32, #tpu.memory_space<vmem>>) dst(%dma_wait3A_44 : memref<16xf32, #tpu.memory_space<hbm>>)
      tpu.yield
    }) : () -> ()
    %add3A_23 = arith.constant 3840 : i32
    %add3A_24 = arith.addi %mul3A_2, %add3A_23 : i32
    %dma_wait3A = arith.constant 0 : i32
    %dma_wait3A_25 = tpu.memref_slice %arg5[%add3A_24, %dma_wait3A] : memref<131072x65xf32, #tpu.memory_space<hbm>> -> memref<128x65xf32, #tpu.memory_space<hbm>>
    %dma_wait3A_26 = arith.constant 0 : i32
    %dma_wait3A_27 = tpu.memref_slice %arg5[%add3A_24, %dma_wait3A_26] : memref<131072x65xf32, #tpu.memory_space<hbm>> -> memref<128x65xf32, #tpu.memory_space<hbm>>
    tpu.wait_dma2 semaphore(%arg14 : memref<!tpu.dma_semaphore, #tpu.memory_space<semaphore_mem>>) src(%arg11 : memref<128x65xf32, #tpu.memory_space<vmem>>) dst(%dma_wait3A_27 : memref<128x65xf32, #tpu.memory_space<hbm>>)
    %add3A_28 = arith.constant 3968 : i32
    %add3A_29 = arith.addi %mul3A_2, %add3A_28 : i32
    %dma_wait3A_30 = arith.constant 0 : i32
    %dma_wait3A_31 = tpu.memref_slice %arg5[%add3A_29, %dma_wait3A_30] : memref<131072x65xf32, #tpu.memory_space<hbm>> -> memref<128x65xf32, #tpu.memory_space<hbm>>
    %dma_wait3A_32 = arith.constant 0 : i32
    %dma_wait3A_33 = tpu.memref_slice %arg5[%add3A_29, %dma_wait3A_32] : memref<131072x65xf32, #tpu.memory_space<hbm>> -> memref<128x65xf32, #tpu.memory_space<hbm>>
    tpu.wait_dma2 semaphore(%arg15 : memref<!tpu.dma_semaphore, #tpu.memory_space<semaphore_mem>>) src(%arg12 : memref<128x65xf32, #tpu.memory_space<vmem>>) dst(%dma_wait3A_33 : memref<128x65xf32, #tpu.memory_space<hbm>>)
    return
  }
}

module attributes {stable_mosaic.version = 14 : i64} {
  func.func @_table_body(%arg0: memref<520x32xf32, #tpu.memory_space<vmem>>, %arg1: memref<520x32xf32, #tpu.memory_space<vmem>>, %arg2: memref<32x128xf32, #tpu.memory_space<vmem>>, %arg3: memref<1x128xf32, #tpu.memory_space<vmem>>, %arg4: memref<520x128xf32, #tpu.memory_space<vmem>>) attributes {dimension_semantics = [], scalar_prefetch = 0 : i64, scratch_operands = 0 : i64, tpu.core_type = #tpu.core_type<tc>} {
    %get3A = arith.constant 0 : index
    %get3A_0 = arith.constant 0 : index
    %get3A_1 = vector.load %arg0[%get3A, %get3A_0] : memref<520x32xf32, #tpu.memory_space<vmem>>, vector<520x32xf32>
    %get3A_2 = arith.constant 0 : index
    %get3A_3 = arith.constant 0 : index
    %get3A_4 = vector.load %arg1[%get3A_2, %get3A_3] : memref<520x32xf32, #tpu.memory_space<vmem>>, vector<520x32xf32>
    %add3A = arith.addf %get3A_1, %get3A_4 : vector<520x32xf32>
    %get3A_5 = arith.constant 0 : index
    %get3A_6 = arith.constant 0 : index
    %get3A_7 = vector.load %arg2[%get3A_5, %get3A_6] : memref<32x128xf32, #tpu.memory_space<vmem>>, vector<32x128xf32>
    %dot_general3A = arith.constant dense<0.000000e+00> : vector<520x128xf32>
    %dot_general3A_8 = tpu.matmul %add3A, %get3A_7, %dot_general3A {dimension_numbers = #tpu.dot_dimension_numbers<[1], [0], [0], [1], [0, 0, 1, 1], [], []>, transpose_lhs_hint = false} : vector<520x32xf32>, vector<32x128xf32>, vector<520x128xf32> -> vector<520x128xf32>
    %get3A_9 = arith.constant 0 : index
    %get3A_10 = arith.constant 0 : index
    %get3A_11 = vector.load %arg3[%get3A_9, %get3A_10] : memref<1x128xf32, #tpu.memory_space<vmem>>, vector<1x128xf32>
    %add3A_12 = vector.broadcast %get3A_11 : vector<1x128xf32> to vector<520x128xf32>
    %add3A_13 = arith.addf %dot_general3A_8, %add3A_12 : vector<520x128xf32>
    %iota3A = tpu.iota {dimensions = array<i32: 1>} : vector<520x128xi32>
    %lt3A = arith.constant 65 : i32
    %lt3A_14 = vector.broadcast %lt3A : i32 to vector<520x128xi32>
    %lt3A_15 = arith.cmpi slt, %iota3A, %lt3A_14 : vector<520x128xi32>
    %broadcast_in_dim3A = arith.constant 0xFF800000 : f32
    %broadcast_in_dim3A_16 = vector.broadcast %broadcast_in_dim3A : f32 to vector<520x128xf32>
    %select_n3A = arith.select %lt3A_15, %add3A_13, %broadcast_in_dim3A_16 : vector<520x128xi1>, vector<520x128xf32>
    %reduce_max3A = arith.constant dense<0xFF800000> : vector<520xf32>
    %reduce_max3A_17 = vector.multi_reduction <maximumf>, %select_n3A, %reduce_max3A [1] : vector<520x128xf32> to vector<520xf32>
    %broadcast_in_dim3A_18 = vector.shape_cast %reduce_max3A_17 : vector<520xf32> to vector<520x1xf32>
    %sub3A = vector.broadcast %broadcast_in_dim3A_18 : vector<520x1xf32> to vector<520x128xf32>
    %sub3A_19 = arith.subf %add3A_13, %sub3A : vector<520x128xf32>
    %exp3A = math.exp %sub3A_19 : vector<520x128xf32>
    %jit3A = arith.constant 0.000000e+00 : f32
    %broadcast_in_dim3A_20 = vector.broadcast %jit3A : f32 to vector<520x128xf32>
    %select_n3A_21 = arith.select %lt3A_15, %exp3A, %broadcast_in_dim3A_20 : vector<520x128xi1>, vector<520x128xf32>
    %reduce_sum3A = arith.constant dense<0.000000e+00> : vector<520xf32>
    %reduce_sum3A_22 = vector.multi_reduction <add>, %select_n3A_21, %reduce_sum3A [1] : vector<520x128xf32> to vector<520xf32>
    %broadcast_in_dim3A_23 = vector.shape_cast %reduce_sum3A_22 : vector<520xf32> to vector<520x1xf32>
    %log3A = math.log %broadcast_in_dim3A_23 : vector<520x1xf32>
    %add3A_24 = arith.addf %broadcast_in_dim3A_18, %log3A : vector<520x1xf32>
    %eq3A = arith.constant 65 : i32
    %eq3A_25 = vector.broadcast %eq3A : i32 to vector<520x128xi32>
    %eq3A_26 = arith.cmpi eq, %iota3A, %eq3A_25 : vector<520x128xi32>
    %broadcast_in_dim3A_27 = vector.shape_cast %add3A_24 : vector<520x1xf32> to vector<520x1xf32>
    %broadcast_in_dim3A_28 = vector.broadcast %broadcast_in_dim3A_27 : vector<520x1xf32> to vector<520x128xf32>
    %select_n3A_29 = arith.select %eq3A_26, %broadcast_in_dim3A_28, %add3A_13 : vector<520x128xi1>, vector<520x128xf32>
    %swap3A = arith.constant 0 : index
    %swap3A_30 = arith.constant 0 : index
    %swap3A_31 = vector.load %arg4[%swap3A, %swap3A_30] : memref<520x128xf32, #tpu.memory_space<vmem>>, vector<520x128xf32>
    tpu.vector_store %arg4[%swap3A, %swap3A_30], %select_n3A_29 {strides = array<i32>} : memref<520x128xf32, #tpu.memory_space<vmem>>, vector<520x128xf32>,
    return
  }
}

</mosaic_0001>

<sc_bundles>
// kernel: kernel.4.cloned.1.call-start
scs
__scs_entry_jumppad:
0x0: {  	(pc) =	sbr.rel $0x88, $3  }
0x1: {  	(tag) =	ssettag $0x0;
	lr =	simm.s32 $0x1  }
0x2: {  	[smem:$0x3F9B] =	sst lr;
	_ =	strace $0xD0000000  }
0x3: {  	_ = 	snop  }
0x4: {  	_ = 	snop  }
0x5: {  	_ = 	snop  }
0x6: {  	_ = 	snop  }
0x7: {  	_ = 	snop  }
__scs_overlays_trampoline_lowered:
0x8: {  	[smem:$0x3FAA] =	sst s0  }
0x9: {  	[smem:$0x3FAB] =	sst s1  }
0xa: {  	[smem:$0x3FAC] =	sst s2  }
0xb: {  	[smem:$0x3FAD] =	sst s3  }
0xc: {  	[smem:$0x3FAE] =	sst s4  }
0xd: {  	[smem:$0x3FAF] =	sst s5  }
0xe: {  	[smem:$0x3FB0] =	sst s6  }
0xf: {  	[smem:$0x3FB1] =	sst s7  }
0x10: {  	[smem:$0x3FB2] =	sst s8  }
0x11: {  	[smem:$0x3FB3] =	sst s9;
	s0 =	simm.s32 @!p0 $0x0  }
0x12: {  	s1 =	sld [smem:$0x3F99];
	s0 =	simm.s32 @p0 $0x1  }
0x13: {  	[smem:$0x3FB4] =	sst s0;
	s0 =	simm.s32 @!p1 $0x0  }
0x14: {  	s2 =	sld [smem:$0x3F98];
	s0 =	simm.s32 @p1 $0x1  }
0x15: {  	[smem:$0x3FB5] =	sst s0;
	s0 =	simm.s32 @!p2 $0x0  }
0x16: {  	s3 =	sld [smem:$0x3FDB];
	s0 =	simm.s32 @p2 $0x1  }
0x17: {  	s4 =	simm.s32 $0x1BF5;
	[smem:$0x3FB7] =	sst s0  }
0x18: {  	s0 =	sld [smem:$0x3F9A];
	_ =	swait.ge [sflag:s4], $0x0  }
0x19: {  	s7 =	sld [smem:$0x3F9B]  }
0x1a: {  	s8 =	sadd.s32 $0xFFFFE003, lr  }
0x1b: {  	s9 =	sadd.s32 $0xFFFFFEF7, lr;
	s5 =	simm.s32 $0xFFFFFFFF;
	p2 =	slt.u32 s8, $0xFFFFF086  }
0x1c: {  	p1 =	slt.u32 s9, $0xF7A;
	s5 =	simm.s32 @!p2 $0x0  }
0x1d: {  	s5 =	simm.s32 @p1 $0x1;
	p0 =	seq.s32 s7, s2  }
0x1e: {  	s7 =	smul.u32 @!p0 $0xF7A, s2;
	p2 =	seq.s32 @!p0 s5, $0x0  }
0x1f: {  	s9 =	smul.u32 $0xF7A, s1;
	s8 =	simm.s32 @!p0 $0x1BF5;
	p2 =	por !p2, p0  }
0x20: {  	[sflag:s8] =	ssyncset.s32 @!p0 $0xFFFFF086;
	s6 =	sadd.s32 @!p0 s3, s7;
	s7 =	simm.s32 @!p0 $0x108  }
0x21: {  	s3 =	sadd.s32 s3, s9;
	s6 =	sadd.s32 @!p0 $0x88, s6;
	s7 =	simm.s32 @p2 $0x1082  }
0x22: {  	[simem:s7], [sflag:s8] =	dma.local @!p0 [hbm:s6], $0xF7A  }
0x23: {  	s9 =	sor.u32 $0xD0000000, s2;
	s6 =	simm.s32 $0x108;
	_ =	swait.ge @!p0 [sflag:s8], $0x0  }
0x24: {  	s3 =	sadd.s32 $0x88, s3;
	s6 =	simm.s32 @!p1 $0x1082;
	[sflag:s4] =	ssyncset.s32 $0xFFFFF086  }
0x25: {  	[simem:s6], [sflag:s4] =	dma.local [hbm:s3], $0xF7A  }
0x26: {  	[smem:$0x3F9B] =	sst s1;
	(tag) =	ssettag s2;
	_ =	strace s9  }
0x27: {  	s1 =	sld [smem:$0x3FAB]  }
0x28: {  	s2 =	sld [smem:$0x3FAC]  }
0x29: {  	s4 =	sld [smem:$0x3FAE]  }
0x2a: {  	p0 =	seq.s32 s5, $0x0;
	s5 =	sld [smem:$0x3FAF]  }
0x2b: {  	s6 =	sld [smem:$0x3FB0]  }
0x2c: {  	s7 =	sld [smem:$0x3FB1]  }
0x2d: {  	s3 =	simm.s32 $0x108;
	s8 =	sld [smem:$0x3FB2]  }
0x2e: {  	s3 =	simm.s32 @!p0 $0x1082;
	s9 =	sld [smem:$0x3FB3]  }
0x2f: {  	lr =	sadd.s32 s0, s3;
	s0 =	sld [smem:$0x3FAA]  }
0x30: {  	s3 =	sld [smem:$0x3FAD]  }
0x31: {  	[smem:$0x3FB6] =	sst s10  }
0x32: {  	s10 =	sld [smem:$0x3FB4];
	_ =	sdelay $0x3  }
0x33: {  	p0 =	seq.s32 s10, $0x1;
	s10 =	sld [smem:$0x3FB6];
	_ =	sdelay $0x3  }
0x34: {  	[smem:$0x3FB6] =	sst s10  }
0x35: {  	s10 =	sld [smem:$0x3FB5];
	_ =	sdelay $0x3  }
0x36: {  	p1 =	seq.s32 s10, $0x1;
	s10 =	sld [smem:$0x3FB6];
	_ =	sdelay $0x3  }
0x37: {  	[smem:$0x3FB6] =	sst s10  }
0x38: {  	s10 =	sld [smem:$0x3FB7]  }
0x39: {  	_ = 	snop;
	(pc) =	sbr.ind lr, $3  }
0x3a: {  	_ = 	snop  }
0x3b: {  	_ = 	snop  }
0x3c: {  	p2 =	seq.s32 s10, $0x1;
	s10 =	sld [smem:$0x3FB6]  }
0x3d: {  	_ =	shalt  }
0x3e: {  	_ =	shalt  }
0x3f: {  	_ =	shalt  }
0x40: {  	_ =	shalt  }
0x41: {  	_ =	shalt  }
0x42: {  	_ =	shalt  }
0x43: {  	_ =	shalt  }
0x44: {  	_ =	shalt  }
0x45: {  	_ =	shalt  }
0x46: {  	_ =	shalt  }
0x47: {  	_ =	shalt  }
0x48: {  	_ =	shalt  }
0x49: {  	_ =	shalt  }
0x4a: {  	_ =	shalt  }
0x4b: {  	_ =	shalt  }
0x4c: {  	_ =	shalt  }
0x4d: {  	_ =	shalt  }
0x4e: {  	_ =	shalt  }
0x4f: {  	_ =	shalt  }
0x50: {  	_ =	shalt  }
0x51: {  	_ =	shalt  }
0x52: {  	_ =	shalt  }
0x53: {  	_ =	shalt  }
0x54: {  	_ =	shalt  }
0x55: {  	_ =	shalt  }
0x56: {  	_ =	shalt  }
0x57: {  	_ =	shalt  }
0x58: {  	_ =	shalt  }
0x59: {  	_ =	shalt  }
0x5a: {  	_ =	shalt  }
0x5b: {  	_ =	shalt  }
0x5c: {  	_ =	shalt  }
0x5d: {  	_ =	shalt  }
0x5e: {  	_ =	shalt  }
0x5f: {  	_ =	shalt  }
0x60: {  	_ =	shalt  }
0x61: {  	_ =	shalt  }
0x62: {  	_ =	shalt  }
0x63: {  	_ =	shalt  }
0x64: {  	_ =	shalt  }
0x65: {  	_ =	shalt  }
0x66: {  	_ =	shalt  }
0x67: {  	_ =	shalt  }
0x68: {  	_ =	shalt  }
0x69: {  	_ =	shalt  }
0x6a: {  	_ =	shalt  }
0x6b: {  	_ =	shalt  }
0x6c: {  	_ =	shalt  }
0x6d: {  	_ =	shalt  }
0x6e: {  	_ =	shalt  }
0x6f: {  	_ =	shalt  }
0x70: {  	_ =	shalt  }
0x71: {  	_ =	shalt  }
0x72: {  	_ =	shalt  }
0x73: {  	_ =	shalt  }
0x74: {  	_ =	shalt  }
0x75: {  	_ =	shalt  }
0x76: {  	_ =	shalt  }
0x77: {  	_ =	shalt  }
0x78: {  	_ =	shalt  }
0x79: {  	_ =	shalt  }
0x7a: {  	_ =	shalt  }
0x7b: {  	_ =	shalt  }
0x7c: {  	_ =	shalt  }
0x7d: {  	_ =	shalt  }
0x7e: {  	_ =	shalt  }
0x7f: {  	_ =	shalt  }
0x80: {  	_ =	shalt  }
0x81: {  	_ =	shalt  }
0x82: {  	_ =	shalt  }
0x83: {  	_ =	shalt  }
0x84: {  	_ =	shalt  }
0x85: {  	_ =	shalt  }
0x86: {  	_ =	shalt  }
0x87: {  	_ =	shalt  }
.Lfunc_end0:
.L_simem_size_0:
called_computation_lowered:
.L_overlay_start_0:
0x88: {  	s2 =	sld [smem:$0x3FD9]  }
0x89: {  	s3 =	sld [smem:$0x3FFE];
	_ =	sdelay $0x1  }
0x8a: {  	s1 =	srdreg.scid  }
0x8b: {  	s0 =	sand.u32 $0x1, s1  }
0x8c: {  	s14 =	sshll.u32 s0, $0xA;
	s2 =	sadd.s32 s3, s2  }
0x8d: {  	s2 =	sadd.s32 s2, s14  }
0x8e: {  	[smem:$0x3FC2] =	sst s2  }
0x8f: {  	_ = 	snop  }
0x90: {  	s2 =	sld [smem:$0x3FD0];
	_ =	sdelay $0x2  }
0x91: {  	s15 =	simm.s32 $0xA;
	s4 =	simm.s32 $0x10  }
0x92: {  	[smem:s4], [sflag:s15] =	dma.local [hbm:s2], $0x1  }
0x93: {  	_ =	swait.eq [sflag:s15], $0x1  }
0x94: {  	[sflag:s15] =	ssyncset.done $0x0  }
0x95: {  	[sflag:s15] =	ssyncadd.s32 $0xFFFFFFFF  }
0x96: {  	s16 =	sld [smem:$0x10];
	(tm) =	ssettm $0x1  }
0x97: {  	s17 =	sld [smem:$0x3FFB];
	_ =	sdelay $0x3  }
0x98: {  	_ =	strace s17  }
0x99: {  	s3 =	sld [smem:$0x3FFC];
	_ =	sdelay $0x3  }
0x9a: {  	_ =	strace s3  }
0x9b: {  	s3 =	sld [smem:$0x3FFD];
	_ =	sdelay $0x3  }
0x9c: {  	_ =	strace s3  }
0x9d: {  	_ =	strace $0x8FFFFFFF  }
0x9e: {  	s18 =	sld [smem:$0x3FDB];
	_ =	sdelay $0x1  }
0x9f: {  	s19 =	simm.s32 $_scs_section_size  }
0xa0: {  	s5 =	simm.s32 $_size__tile_overlayer_lowered;
	s6 =	simm.s32 $_tile_overlayer_lowered  }
0xa1: {  	s22 =	simm.s32 $0x1BFF;
	s21 =	sshll.u32 s6, $0x1;
	s3 =	sadd.s32 s19, s18  }
0xa2: {  	s7 =	simm.s32 $0x0;
	s20 =	sshll.u32 s5, $0x1;
	s5 =	sadd.s32 s21, s3  }
0xa3: {  	[timem:s7], [sflag:s22] =	dma.local [hbm:s5], s20  }
0xa4: {  	_ =	swait.ge [sflag:s22], s20  }
0xa5: {  	s4 =	ssub.s32 $0x0, s20;
	[sflag:s22] =	ssyncset.done $0x0  }
0xa6: {  	[sflag:s22] =	ssyncadd.s32 s4;
	_ =	sdelay $0x1  }
0xa7: {  	s23 =	simm.s32 $0x1B8B  }
0xa8: {  	_ =	swait.ge [sflag:s23], $0x1  }
0xa9: {  	[sflag:s23] =	ssyncset.done $0x0  }
0xaa: {  	s25 =	simm.s32 $0x1B8E;
	s24 =	sld [smem:$0x3FFE];
	[sflag:s23] =	ssyncadd.s32 $0xFFFFFFFF  }
0xab: {  	s26 =	simm.s32 $execute0_lowered;
	[smem:$0x3FD2] =	sst s25  }
0xac: {  	s5 =	sshll.u32 s26, $0x1;
	_ =	strace $0x80000046;
	[dreg:$0x1] =	wrdreg $0xFFFFFFFF  }
0xad: {  	s28 =	simm.s32 $_size_execute0_lowered;
	s3 =	sadd.s32 s3, s5;
	[dreg:$0x0] =	wrdreg $0x0  }
0xae: {  	s5 =	sshll.u32 s28, $0x1;
	[dreg:$0x2] =	wrdreg s3  }
0xaf: {  	[dreg:$0x3] =	wrdreg s5  }
0xb0: {  	[dreg:$0x4] =	wrdreg $0xC0  }
0xb1: {  	_ =	task [dreg:s7], $0x5FFFF  }
0xb2: {  	[dreg:$0x1] =	wrdreg $0xFFFFFFFF  }
0xb3: {  	[dreg:$0x0] =	wrdreg $0x60  }
0xb4: {  	[dreg:$0x2] =	wrdreg s24  }
0xb5: {  	[dreg:$0x3] =	wrdreg s16  }
0xb6: {  	[dreg:$0x4] =	wrdreg $0x9  }
0xb7: {  	_ =	task.clear_ibuf [dreg:s7], $0x5FFFF;
	_ =	strace $0x90000046  }
0xb8: {  	s29 =	simm.s32 $0x9;
	_ =	strace $0x80000048  }
0xb9: {  	_ =	swait.ge [sflag:s29], $0x1  }
0xba: {  	[sflag:s29] =	ssyncadd.s32 $0xFFFFFFFF  }
0xbb: {  	_ =	strace $0x90000048  }
0xbc: {  	_ =	sfence  }
0xbd: {  	s30 =	sld [smem:$0x0];
	_ =	sdelay $0x2  }
0xbe: {  	s31 =	sshll.u32 s1, $0xD;
	s1 =	sshrl.u32 s1, $0x2  }
0xbf: {  	s3 =	sand.u32 $0x4000, s31;
	s1 =	sadd.s32 s1, s30  }
0xc0: {  	s0 =	sor.u32 s3, s0;
	s1 =	sshll.u32 s1, $0x11  }
0xc1: {  	s0 =	sor.u32 s1, s0  }
0xc2: {  	s0 =	sadd.s32 $0x8F2B, s0  }
0xc3: {  	[sflag:s0] =	ssyncadd.remote.s32 $0x1  }
0xc4: {  	_ =	sfence.sel $0xFFFF  }
0xc5: {  	[dreg:$0x0] =	wrdreg $0xFFFFFFFF;
	(pc) =	sbr.abs _section_cstart, $3  }
0xc6: {  	[dreg:$0x1] =	wrdreg $0xFFFFFFFF  }
0xc7: {  	_ =	task.clear_ibuf [dreg:s7], $0x2FFFF;
	_ =	strace $0x9FFFFFFF  }
0xc8: {  	(tm) =	ssettm $0x7FFFFFFF  }
0xc9: {  	_ =	shalt  }
tec
execute0_lowered:
.L_overlay_start_1:
0x0: {  	(tag) =	ssettag $0x1  }
0x1: {  	s4 =	rddreg [dreg:$0x0];
	s1 =	srdreg.scid  }
0x2: {  	s0 =	stileid.u32;
	s5 =	rddreg [dreg:$0x1];
	s2 =	simm.s32 $0x0  }
0x3: {  	s12 =	simm.s32 $0x13400;
	s13 =	simm.s32 $0x17400;
	s14 =	simm.s32 $0x1B400  }
0x4: {  	s15 =	simm.s32 $0x1;
	s16 =	simm.s32 $0x2;
	s17 =	simm.s32 $0x0  }
0x5: {  	s6 =	sand.u32 $0x1, s1;
	s3 =	sshll.u32 s0, $0x1;
	[smem:$0x7FF] =	sst s2  }
0x6: {  	s1 =	rddreg [dreg:$0x2];
	s7 =	sor.u32 s6, s3;
	_ =	strace $0x80000047  }
0x7: {  	v0 =	vlaneseq.u32;
	s3 =	sadd.s32 $0x4800, s4;
	s6 =	ssub.s32 $0x2, s6;
	s8 =	sshll.u32 s7, $0x9  }
0x8: {  	v8 =	vmul.u32 $0x80, v0;
	s10 =	sshll.u32 s7, $0x10;
	s7 =	sshll.u32 s7, $0x4;
	s31 =	sshrl.u32 s6, $0x1  }
0x9: {  	s9 =	sadd.s32 s8, s4;
	s10 =	sadd.s32 s10, s4;
	s7 =	sadd.s32 s7, s4  }
0xa: {  	v0 =	vand.u32 $0x7, v0;
	v1 =	vor.u32 $0x40, v8;
	v2 =	vor.u32 $0x840, v8;
	s11 =	ssub.s32 s6, s31;
	s4 =	sadd.s32 s5, s8;
	s5 =	sadd.s32 $0x800, s9  }
0xb: {  	v3 =	vor.u32 $0x1040, v8;
	v4 =	vor.u32 $0x1840, v8;
	v5 =	vor.u32 $0x2040, v8;
	s6 =	sadd.s32 $0x6C00, s10;
	s7 =	sadd.s32 $0x6A00, s7;
	s8 =	smax.u32 s11, $0x1  }
0xc: {  	v6 =	vor.u32 $0x2840, v8;
	v7 =	vor.u32 $0x3040, v8;
	v8 =	vor.u32 $0x3840, v8;
	s9 =	simm.s32 $0x3;
	s10 =	simm.s32 $0x10400;
	s11 =	simm.s32 $0x11400  }
.LBB2_1:
0xd: {  	[tilespmem:s2], [sflag:$0x3] =	stream.linear.gather [hbm4b:s3+s2], $0x10400, $0x38;
	[tilespmem:$0x1B480] =	vst v63  }
0xe: {  	_ =	swait.ge [sflag:s9], $0x10400  }
0xf: {  	[sflag:s9] =	ssyncset.done $0x0  }
0x10: {  	[sflag:s9] =	ssyncadd.s32 $0xFFFEFC00  }
0x11: {  	[tilespmem:s10], [sflag:$0x3] =	stream.linear.gather [hbm4b:s4+s2], $0x1000, $0x38;
	[tilespmem:$0x1B480] =	vst v63  }
0x12: {  	_ =	swait.ge [sflag:s9], $0x1000  }
0x13: {  	[sflag:s9] =	ssyncset.done $0x0  }
0x14: {  	[sflag:s9] =	ssyncadd.s32 $0xFFFFF000  }
0x15: {  	[tilespmem:s11], [sflag:$0x3] =	stream.linear.gather [hbm4b:s5+s2], $0x1000, $0x38;
	[tilespmem:$0x1B480] =	vst v63  }
0x16: {  	_ =	swait.ge [sflag:s9], $0x1000  }
0x17: {  	[sflag:s9] =	ssyncset.done $0x0  }
0x18: {  	s19 =	simm.s32 $0x0;
	[sflag:s9] =	ssyncadd.s32 $0xFFFFF000  }
0x19: {  	v9 =	vld [tilespmem:s19+$0x10470]  }
0x1a: {  	v11 =	vld [tilespmem:s19+$0x10400]  }
0x1b: {  	v15 =	vld [tilespmem:s19+$0x10410]  }
0x1c: {  	v13 =	vld [tilespmem:s19+$0x10420]  }
0x1d: {  	v12 =	vld [tilespmem:s19+$0x10430]  }
0x1e: {  	v10 =	vld [tilespmem:s19+$0x10440];
	v14 =	vshll.u32 v9, $0x3  }
0x1f: {  	v9 =	vld [tilespmem:s19+$0x10450];
	v16 =	vshll.u32 v11, $0x3;
	v17 =	vor.u32 v0, v14  }
0x20: {  	s18 =	simm.s32 $0x80;
	s20 =	simm.s32 $0x400;
	v11 =	vld [tilespmem:s19+$0x10460];
	v15 =	vshll.u32 v15, $0x3;
	v14 =	vor.u32 v0, v16;
	[tilespmem:s19+$0x12470] =	vst v17  }
.LBB2_2:
0x21: {  	p0 =	sne.s32 s20, $0x3E00;
	v16 =	vld [tilespmem:s18+$0x10470];
	[tilespmem:s19+$0x12400] =	vst v14;
	v14 =	vor.u32 v0, v15;
	v13 =	vshll.u32 v13, $0x3  }
0x22: {  	v15 =	vld [tilespmem:s18+$0x10400];
	[tilespmem:s19+$0x12410] =	vst v14;
	v13 =	vor.u32 v0, v13;
	v12 =	vshll.u32 v12, $0x3  }
0x23: {  	v17 =	vld [tilespmem:s18+$0x10410];
	[tilespmem:s19+$0x12420] =	vst v13;
	v12 =	vor.u32 v0, v12;
	v10 =	vshll.u32 v10, $0x3  }
.Ltmp0:
0x24: {  	v13 =	vld [tilespmem:s18+$0x10420];
	[tilespmem:s19+$0x12430] =	vst v12;
	v10 =	vor.u32 v0, v10;
	v9 =	vshll.u32 v9, $0x3;
	(pc) =	sbr.rel @p0 .LBB2_2-.Ltmp0, $4  }
0x25: {  	v12 =	vld [tilespmem:s18+$0x10430];
	[tilespmem:s19+$0x12440] =	vst v10;
	v9 =	vor.u32 v0, v9;
	v11 =	vshll.u32 v11, $0x3  }
0x26: {  	v10 =	vld [tilespmem:s18+$0x10440];
	v14 =	vshll.u32 v16, $0x3;
	[tilespmem:s19+$0x12450] =	vst v9;
	v11 =	vor.u32 v0, v11  }
0x27: {  	v15 =	vshll.u32 v15, $0x3;
	v9 =	vld [tilespmem:s18+$0x10450];
	v16 =	vor.u32 v0, v14;
	[tilespmem:s19+$0x12460] =	vst v11;
	s19 =	smov.u32 s18  }
0x28: {  	s18 =	sshra.s32 s20, $0x2;
	s20 =	sadd.s32 $0x200, s20;
	v14 =	vor.u32 v0, v15;
	v15 =	vshll.u32 v17, $0x3;
	v11 =	vld [tilespmem:s19+$0x10460];
	[tilespmem:s19+$0x12470] =	vst v16  }
0x29: {  	v16 =	vld [tilespmem:s18+$0x10470];
	[tilespmem:s19+$0x12400] =	vst v14;
	v60 =	vor.u32 v0, v15;
	v13 =	vshll.u32 v13, $0x3  }
0x2a: {  	v61 =	vld [tilespmem:s18+$0x10400];
	[tilespmem:s19+$0x12410] =	vst v60;
	v13 =	vor.u32 v0, v13;
	v12 =	vshll.u32 v12, $0x3  }
0x2b: {  	v14 =	vld [tilespmem:s18+$0x10410];
	[tilespmem:s19+$0x12420] =	vst v13;
	v12 =	vor.u32 v0, v12;
	v10 =	vshll.u32 v10, $0x3  }
0x2c: {  	v13 =	vld [tilespmem:s18+$0x10420];
	[tilespmem:s19+$0x12430] =	vst v12;
	v10 =	vor.u32 v0, v10;
	v9 =	vshll.u32 v9, $0x3  }
0x2d: {  	v12 =	vld [tilespmem:s18+$0x10430];
	[tilespmem:s19+$0x12440] =	vst v10;
	v9 =	vor.u32 v0, v9;
	v11 =	vshll.u32 v11, $0x3  }
0x2e: {  	v10 =	vld [tilespmem:s18+$0x10440];
	[tilespmem:s19+$0x12450] =	vst v9;
	v9 =	vor.u32 v0, v11;
	v16 =	vshll.u32 v16, $0x3  }
0x2f: {  	v11 =	vld [tilespmem:s18+$0x10450];
	[tilespmem:s19+$0x12460] =	vst v9;
	v9 =	vshll.u32 v61, $0x3;
	v62 =	vor.u32 v0, v16  }
0x30: {  	v63 =	vld [tilespmem:s18+$0x10460];
	v9 =	vor.u32 v0, v9;
	v14 =	vshll.u32 v14, $0x3;
	[tilespmem:s18+$0x12470] =	vst v62  }
0x31: {  	[tilespmem:s18+$0x12400] =	vst v9;
	v9 =	vor.u32 v0, v14;
	v13 =	vshll.u32 v13, $0x3  }
0x32: {  	[tilespmem:s18+$0x12410] =	vst v9;
	v9 =	vor.u32 v0, v13;
	v12 =	vshll.u32 v12, $0x3  }
0x33: {  	[tilespmem:s18+$0x12420] =	vst v9;
	v9 =	vor.u32 v0, v12;
	v10 =	vshll.u32 v10, $0x3  }
0x34: {  	[tilespmem:s18+$0x12430] =	vst v9;
	v9 =	vor.u32 v0, v10;
	v10 =	vshll.u32 v11, $0x3  }
0x35: {  	[tilespmem:s18+$0x12440] =	vst v9;
	v9 =	vor.u32 v0, v10;
	v10 =	vshll.u32 v63, $0x3  }
0x36: {  	[tilespmem:s18+$0x12450] =	vst v9;
	v9 =	vor.u32 v0, v10  }
0x37: {  	s20 =	simm.s32 $0x12480;
	s19 =	simm.s32 $0x12400;
	[tilespmem:s18+$0x12460] =	vst v9;
	s18 =	simm.s32 $0x0;
	v9 =	vimm.f32 $0.0e+00  }
.LBB2_4:
0x38: {  	p0 =	seq.s32 s18, $0x0  }
0x39: {  	v10 =	vmov s19;
	s22 =	simm.s32 @!p0 $0x1  }
0x3a: {  	_ =	swait.ge @!p0 [sflag:s22], $0x4000  }
0x3b: {  	s21 =	sshllo.u32 s18, $0x1;
	[sflag:s22] =	ssyncset.done @!p0 $0x0  }
0x3c: {  	s23 =	simm.s32 $0x0;
	[sflag:s22] =	ssyncadd.s32 @!p0 $0xFFFFC000;
	s22 =	simm.s32 $0x13800  }
.LBB2_5:
0x3d: {  	s24 =	sshra.s32 s23, $0x2  }
0x3e: {  	v11 =	vld.idx.msk [tilespmem:v10+s24+$0x0 ss:$0x1], $0xffff;
	_ =	sdelay $0x4  }
0x3f: {  	v11 =	vshll.u32 v11, $0x9  }
0x40: {  	v11 =	vshra.s32 v11, $0x2  }
0x41: {  	(v2sf) =	vpush v11, $0x0;
	_ =	sdelay $0x3  }
0x42: {  	(v2sf) =	vpush v11, $0x1;
	_ =	sdelay $0x3  }
0x43: {  	(v2sf) =	vpush v11, $0x2;
	_ =	sdelay $0x3  }
0x44: {  	(v2sf) =	vpush v11, $0x3;
	_ =	sdelay $0x2  }
0x45: {  	s28 =	spop (v2sf)  }
0x46: {  	v12 =	vld [tilespmem:s28+$0x0]  }
0x47: {  	v13 =	vld [tilespmem:s28+$0x10]  }
0x48: {  	v14 =	vld [tilespmem:s28+$0x20]  }
0x49: {  	v15 =	vld [tilespmem:s28+$0x30];
	s29 =	spop (v2sf)  }
0x4a: {  	v16 =	vld [tilespmem:s29+$0x0]  }
0x4b: {  	v17 =	vld [tilespmem:s29+$0x10]  }
0x4c: {  	v18 =	vld [tilespmem:s29+$0x20]  }
0x4d: {  	(v2sf) =	vpush v11, $0x4;
	v19 =	vld [tilespmem:s29+$0x30];
	s30 =	spop (v2sf)  }
0x4e: {  	v20 =	vld [tilespmem:s30+$0x0]  }
0x4f: {  	v21 =	vld [tilespmem:s30+$0x10]  }
0x50: {  	v22 =	vld [tilespmem:s30+$0x20]  }
0x51: {  	(v2sf) =	vpush v11, $0x5;
	v23 =	vld [tilespmem:s30+$0x30];
	s31 =	spop (v2sf)  }
0x52: {  	v24 =	vld [tilespmem:s31+$0x0]  }
0x53: {  	v25 =	vld [tilespmem:s31+$0x10]  }
0x54: {  	v26 =	vld [tilespmem:s31+$0x20]  }
0x55: {  	v27 =	vld [tilespmem:s31+$0x30];
	[tilespmem:s22+$0xFFFFFC00] =	vst v12  }
0x56: {  	[tilespmem:s22+$0xFFFFFC10] =	vst v13  }
0x57: {  	[tilespmem:s22+$0xFFFFFC20] =	vst v14  }
0x58: {  	[tilespmem:s22+$0xFFFFFC30] =	vst v15  }
0x59: {  	[tilespmem:s22+$0xFFFFFC80] =	vst v16  }
0x5a: {  	[tilespmem:s22+$0xFFFFFC90] =	vst v17  }
0x5b: {  	[tilespmem:s22+$0xFFFFFCA0] =	vst v18  }
0x5c: {  	[tilespmem:s22+$0xFFFFFCB0] =	vst v19;
	s25 =	spop (v2sf);
	(v2sf) =	vpush v11, $0x6  }
0x5d: {  	v12 =	vld [tilespmem:s25+$0x0]  }
0x5e: {  	v13 =	vld [tilespmem:s25+$0x10]  }
0x5f: {  	v14 =	vld [tilespmem:s25+$0x20]  }
0x60: {  	v15 =	vld [tilespmem:s25+$0x30];
	s26 =	spop (v2sf);
	(v2sf) =	vpush v11, $0x7  }
0x61: {  	v16 =	vld [tilespmem:s26+$0x0]  }
0x62: {  	v17 =	vld [tilespmem:s26+$0x10]  }
0x63: {  	v18 =	vld [tilespmem:s26+$0x20]  }
0x64: {  	v19 =	vld [tilespmem:s26+$0x30];
	[tilespmem:s22+$0xFFFFFD00] =	vst v20  }
0x65: {  	[tilespmem:s22+$0xFFFFFD80] =	vst v24  }
0x66: {  	[tilespmem:s22+$0xFFFFFD10] =	vst v21  }
0x67: {  	[tilespmem:s22+$0xFFFFFD90] =	vst v25  }
0x68: {  	[tilespmem:s22+$0xFFFFFD20] =	vst v22  }
0x69: {  	[tilespmem:s22+$0xFFFFFDA0] =	vst v26  }
0x6a: {  	[tilespmem:s22+$0xFFFFFD30] =	vst v23  }
0x6b: {  	[tilespmem:s22+$0xFFFFFDB0] =	vst v27;
	s28 =	spop (v2sf);
	(v2sf) =	vpush v11, $0x8  }
0x6c: {  	v20 =	vld [tilespmem:s28+$0x0]  }
0x6d: {  	v21 =	vld [tilespmem:s28+$0x10]  }
0x6e: {  	v22 =	vld [tilespmem:s28+$0x20]  }
0x6f: {  	v23 =	vld [tilespmem:s28+$0x30];
	s29 =	spop (v2sf);
	(v2sf) =	vpush v11, $0x9  }
0x70: {  	v24 =	vld [tilespmem:s29+$0x0]  }
0x71: {  	v25 =	vld [tilespmem:s29+$0x10]  }
0x72: {  	v26 =	vld [tilespmem:s29+$0x20]  }
0x73: {  	v27 =	vld [tilespmem:s29+$0x30];
	[tilespmem:s22+$0xFFFFFE00] =	vst v12  }
0x74: {  	[tilespmem:s22+$0xFFFFFE80] =	vst v16  }
0x75: {  	[tilespmem:s22+$0xFFFFFE10] =	vst v13  }
0x76: {  	[tilespmem:s22+$0xFFFFFE90] =	vst v17  }
0x77: {  	[tilespmem:s22+$0xFFFFFE20] =	vst v14  }
0x78: {  	[tilespmem:s22+$0xFFFFFEA0] =	vst v18  }
0x79: {  	[tilespmem:s22+$0xFFFFFE30] =	vst v15  }
0x7a: {  	[tilespmem:s22+$0xFFFFFEB0] =	vst v19;
	s30 =	spop (v2sf);
	(v2sf) =	vpush v11, $0xA  }
0x7b: {  	v12 =	vld [tilespmem:s30+$0x0]  }
0x7c: {  	v13 =	vld [tilespmem:s30+$0x10]  }
0x7d: {  	v14 =	vld [tilespmem:s30+$0x20]  }
0x7e: {  	v15 =	vld [tilespmem:s30+$0x30];
	s31 =	spop (v2sf);
	(v2sf) =	vpush v11, $0xB  }
0x7f: {  	v16 =	vld [tilespmem:s31+$0x0]  }
0x80: {  	v17 =	vld [tilespmem:s31+$0x10]  }
0x81: {  	v18 =	vld [tilespmem:s31+$0x20]  }
0x82: {  	v19 =	vld [tilespmem:s31+$0x30];
	[tilespmem:s22+$0xFFFFFF00] =	vst v20  }
0x83: {  	[tilespmem:s22+$0xFFFFFF80] =	vst v24  }
0x84: {  	[tilespmem:s22+$0xFFFFFF10] =	vst v21  }
0x85: {  	[tilespmem:s22+$0xFFFFFF90] =	vst v25  }
0x86: {  	[tilespmem:s22+$0xFFFFFF20] =	vst v22  }
0x87: {  	[tilespmem:s22+$0xFFFFFFA0] =	vst v26  }
0x88: {  	[tilespmem:s22+$0xFFFFFF30] =	vst v23  }
0x89: {  	[tilespmem:s22+$0xFFFFFFB0] =	vst v27;
	s25 =	spop (v2sf);
	(v2sf) =	vpush v11, $0xC  }
0x8a: {  	v20 =	vld [tilespmem:s25+$0x0]  }
0x8b: {  	v21 =	vld [tilespmem:s25+$0x10]  }
0x8c: {  	v22 =	vld [tilespmem:s25+$0x20]  }
0x8d: {  	v23 =	vld [tilespmem:s25+$0x30];
	s26 =	spop (v2sf);
	(v2sf) =	vpush v11, $0xD  }
0x8e: {  	v24 =	vld [tilespmem:s26+$0x0]  }
0x8f: {  	v25 =	vld [tilespmem:s26+$0x10]  }
0x90: {  	v26 =	vld [tilespmem:s26+$0x20]  }
0x91: {  	v27 =	vld [tilespmem:s26+$0x30];
	[tilespmem:s22+$0x0] =	vst v12  }
0x92: {  	[tilespmem:s22+$0x80] =	vst v16  }
0x93: {  	[tilespmem:s22+$0x10] =	vst v13  }
0x94: {  	[tilespmem:s22+$0x90] =	vst v17  }
0x95: {  	[tilespmem:s22+$0x20] =	vst v14  }
0x96: {  	[tilespmem:s22+$0xA0] =	vst v18  }
0x97: {  	[tilespmem:s22+$0x30] =	vst v15  }
0x98: {  	[tilespmem:s22+$0xB0] =	vst v19;
	s28 =	spop (v2sf);
	(v2sf) =	vpush v11, $0xE  }
0x99: {  	v12 =	vld [tilespmem:s28+$0x0]  }
0x9a: {  	v13 =	vld [tilespmem:s28+$0x10]  }
0x9b: {  	v14 =	vld [tilespmem:s28+$0x20]  }
0x9c: {  	v15 =	vld [tilespmem:s28+$0x30];
	s29 =	spop (v2sf);
	(v2sf) =	vpush v11, $0xF  }
0x9d: {  	v16 =	vld [tilespmem:s29+$0x0]  }
0x9e: {  	v11 =	vld [tilespmem:s29+$0x10]  }
0x9f: {  	v17 =	vld [tilespmem:s29+$0x20]  }
0xa0: {  	v18 =	vld [tilespmem:s29+$0x30];
	[tilespmem:s22+$0x100] =	vst v20  }
0xa1: {  	[tilespmem:s22+$0x180] =	vst v24  }
0xa2: {  	[tilespmem:s22+$0x110] =	vst v21  }
0xa3: {  	[tilespmem:s22+$0x190] =	vst v25  }
0xa4: {  	[tilespmem:s22+$0x120] =	vst v22  }
0xa5: {  	[tilespmem:s22+$0x1A0] =	vst v26  }
0xa6: {  	[tilespmem:s22+$0x130] =	vst v23  }
0xa7: {  	[tilespmem:s22+$0x1B0] =	vst v27;
	s30 =	spop (v2sf)  }
0xa8: {  	v19 =	vld [tilespmem:s30+$0x0]  }
0xa9: {  	v20 =	vld [tilespmem:s30+$0x10]  }
0xaa: {  	v21 =	vld [tilespmem:s30+$0x20]  }
0xab: {  	v22 =	vld [tilespmem:s30+$0x30];
	s31 =	spop (v2sf)  }
0xac: {  	v23 =	vld [tilespmem:s31+$0x0]  }
0xad: {  	v24 =	vld [tilespmem:s31+$0x10]  }
0xae: {  	v25 =	vld [tilespmem:s31+$0x20]  }
0xaf: {  	v26 =	vld [tilespmem:s31+$0x30];
	[tilespmem:s22+$0x200] =	vst v12  }
0xb0: {  	[tilespmem:s22+$0x280] =	vst v16  }
0xb1: {  	[tilespmem:s22+$0x210] =	vst v13  }
0xb2: {  	[tilespmem:s22+$0x290] =	vst v11  }
0xb3: {  	[tilespmem:s22+$0x220] =	vst v14  }
0xb4: {  	[tilespmem:s22+$0x2A0] =	vst v17  }
0xb5: {  	[tilespmem:s22+$0x230] =	vst v15  }
0xb6: {  	[tilespmem:s22+$0x2B0] =	vst v18  }
0xb7: {  	[tilespmem:s22+$0x300] =	vst v19  }
0xb8: {  	[tilespmem:s22+$0x310] =	vst v20  }
0xb9: {  	p1 =	sne.s32 s23, $0x1C0;
	[tilespmem:s22+$0x320] =	vst v21  }
.Ltmp1:
0xba: {  	[tilespmem:s22+$0x330] =	vst v22;
	(pc) =	sbr.rel @p1 .LBB2_5-.Ltmp1, $4  }
0xbb: {  	[tilespmem:s22+$0x380] =	vst v23  }
0xbc: {  	[tilespmem:s22+$0x390] =	vst v24  }
0xbd: {  	[tilespmem:s22+$0x3A0] =	vst v25  }
0xbe: {  	s23 =	sadd.s32 $0x40, s23;
	[tilespmem:s22+$0x3B0] =	vst v26;
	s22 =	sadd.s32 $0x800, s22  }
0xbf: {  	s22 =	sshll.u32 s18, $0x8  }
0xc0: {  	v10 =	vld [tilespmem:s22+$0x12400];
	_ =	sdelay $0x4  }
0xc1: {  	v10 =	vshll.u32 v10, $0x7  }
0xc2: {  	v11 =	vor.u32 $0x40, v10;
	_ =	sdelay $0x4  }
0xc3: {  	v11 =	vld.idx.msk [tilespmem:v11+s2+$0x0], $0xffff;
	_ =	sdelay $0x4  }
0xc4: {  	[tilespmem:v1+s12+$0x0] =	vst.idx.msk $0xffff, v11  }
0xc5: {  	v11 =	vld [tilespmem:s22+$0x12410];
	_ =	sdelay $0x3  }
0xc6: {  	v12 =	vld [tilespmem:s22+$0x11400]  }
0xc7: {  	v11 =	vshll.u32 v11, $0x7  }
0xc8: {  	v13 =	vor.u32 $0x40, v11;
	_ =	sdelay $0x2  }
0xc9: {  	v14 =	vand.u32 $0xFFFFFF80, v12  }
0xca: {  	v15 =	vor.u32 $0x41, v10;
	v12 =	vand.u32 $0x7F, v12;
	v10 =	vadd.s32 v10, v14  }
0xcb: {  	v10 =	vor.u32 v12, v10;
	v37 =	vld.idx.msk [tilespmem:v13+s2+$0x0], $0xffff;
	_ =	sdelay $0x3  }
0xcc: {  	v38 =	vld.idx.msk [tilespmem:v15+s2+$0x0], $0xffff  }
0xcd: {  	v10 =	vld.idx.msk [tilespmem:v10+s2+$0x0], $0xffff;
	[tilespmem:v2+s12+$0x0] =	vst.idx.msk $0xffff, v37  }
0xce: {  	v12 =	vld [tilespmem:s22+$0x12420];
	_ =	sdelay $0x3  }
0xcf: {  	v39 =	vld [tilespmem:s22+$0x11410]  }
0xd0: {  	v12 =	vshll.u32 v12, $0x7  }
0xd1: {  	v40 =	vor.u32 $0x40, v12;
	_ =	sdelay $0x2  }
0xd2: {  	v16 =	vand.u32 $0xFFFFFF80, v39  }
0xd3: {  	v17 =	vor.u32 $0x41, v11;
	v14 =	vand.u32 $0x7F, v39;
	v11 =	vadd.s32 v11, v16  }
0xd4: {  	v11 =	vor.u32 v14, v11;
	v41 =	vld.idx.msk [tilespmem:v40+s2+$0x0], $0xffff;
	_ =	sdelay $0x3  }
0xd5: {  	v42 =	vld.idx.msk [tilespmem:v17+s2+$0x0], $0xffff  }
0xd6: {  	v11 =	vld.idx.msk [tilespmem:v11+s2+$0x0], $0xffff;
	[tilespmem:v3+s12+$0x0] =	vst.idx.msk $0xffff, v41  }
0xd7: {  	v14 =	vld [tilespmem:s22+$0x12430];
	_ =	sdelay $0x3  }
0xd8: {  	v43 =	vld [tilespmem:s22+$0x11420]  }
0xd9: {  	v14 =	vshll.u32 v14, $0x7  }
0xda: {  	v44 =	vor.u32 $0x40, v14;
	_ =	sdelay $0x2  }
0xdb: {  	v18 =	vand.u32 $0xFFFFFF80, v43  }
0xdc: {  	v19 =	vor.u32 $0x41, v12;
	v16 =	vand.u32 $0x7F, v43;
	v12 =	vadd.s32 v12, v18  }
0xdd: {  	v12 =	vor.u32 v16, v12;
	v45 =	vld.idx.msk [tilespmem:v44+s2+$0x0], $0xffff;
	_ =	sdelay $0x3  }
0xde: {  	v46 =	vld.idx.msk [tilespmem:v19+s2+$0x0], $0xffff  }
0xdf: {  	v12 =	vld.idx.msk [tilespmem:v12+s2+$0x0], $0xffff;
	[tilespmem:v4+s12+$0x0] =	vst.idx.msk $0xffff, v45  }
0xe0: {  	v16 =	vld [tilespmem:s22+$0x12440];
	_ =	sdelay $0x3  }
0xe1: {  	v47 =	vld [tilespmem:s22+$0x11430]  }
0xe2: {  	v16 =	vshll.u32 v16, $0x7  }
0xe3: {  	v48 =	vor.u32 $0x40, v16;
	_ =	sdelay $0x2  }
0xe4: {  	v20 =	vand.u32 $0xFFFFFF80, v47  }
0xe5: {  	v21 =	vor.u32 $0x41, v14;
	v18 =	vand.u32 $0x7F, v47;
	v14 =	vadd.s32 v14, v20  }
0xe6: {  	v14 =	vor.u32 v18, v14;
	v49 =	vld.idx.msk [tilespmem:v48+s2+$0x0], $0xffff;
	_ =	sdelay $0x3  }
0xe7: {  	v50 =	vld.idx.msk [tilespmem:v21+s2+$0x0], $0xffff  }
0xe8: {  	v14 =	vld.idx.msk [tilespmem:v14+s2+$0x0], $0xffff;
	[tilespmem:v5+s12+$0x0] =	vst.idx.msk $0xffff, v49  }
0xe9: {  	v18 =	vld [tilespmem:s22+$0x12450];
	_ =	sdelay $0x3  }
0xea: {  	v51 =	vld [tilespmem:s22+$0x11440]  }
0xeb: {  	v18 =	vshll.u32 v18, $0x7  }
0xec: {  	v52 =	vor.u32 $0x40, v18;
	_ =	sdelay $0x2  }
0xed: {  	v22 =	vand.u32 $0xFFFFFF80, v51  }
0xee: {  	v23 =	vor.u32 $0x41, v16;
	v20 =	vand.u32 $0x7F, v51;
	v16 =	vadd.s32 v16, v22  }
0xef: {  	v16 =	vor.u32 v20, v16;
	v53 =	vld.idx.msk [tilespmem:v52+s2+$0x0], $0xffff;
	_ =	sdelay $0x3  }
0xf0: {  	v54 =	vld.idx.msk [tilespmem:v23+s2+$0x0], $0xffff  }
0xf1: {  	v16 =	vld.idx.msk [tilespmem:v16+s2+$0x0], $0xffff;
	[tilespmem:v6+s12+$0x0] =	vst.idx.msk $0xffff, v53  }
0xf2: {  	v20 =	vld [tilespmem:s22+$0x12460];
	_ =	sdelay $0x3  }
0xf3: {  	v55 =	vld [tilespmem:s22+$0x11450]  }
0xf4: {  	v20 =	vshll.u32 v20, $0x7  }
0xf5: {  	v56 =	vor.u32 $0x40, v20;
	_ =	sdelay $0x2  }
0xf6: {  	v24 =	vand.u32 $0xFFFFFF80, v55  }
0xf7: {  	v25 =	vor.u32 $0x41, v18;
	v22 =	vand.u32 $0x7F, v55;
	v18 =	vadd.s32 v18, v24  }
0xf8: {  	v18 =	vor.u32 v22, v18;
	v57 =	vld.idx.msk [tilespmem:v56+s2+$0x0], $0xffff;
	_ =	sdelay $0x3  }
0xf9: {  	v58 =	vld.idx.msk [tilespmem:v25+s2+$0x0], $0xffff  }
0xfa: {  	v18 =	vld.idx.msk [tilespmem:v18+s2+$0x0], $0xffff;
	[tilespmem:v7+s12+$0x0] =	vst.idx.msk $0xffff, v57  }
0xfb: {  	v22 =	vld [tilespmem:s22+$0x12470];
	_ =	sdelay $0x3  }
0xfc: {  	v59 =	vld [tilespmem:s22+$0x11460]  }
0xfd: {  	v22 =	vshll.u32 v22, $0x7  }
0xfe: {  	v60 =	vor.u32 $0x40, v22;
	_ =	sdelay $0x2  }
0xff: {  	v26 =	vand.u32 $0xFFFFFF80, v59  }
0x100: {  	v24 =	vand.u32 $0x7F, v59;
	v26 =	vadd.s32 v20, v26;
	v20 =	vor.u32 $0x41, v20  }
0x101: {  	v24 =	vor.u32 v24, v26;
	v25 =	vld.idx.msk [tilespmem:v60+s2+$0x0], $0xffff;
	_ =	sdelay $0x3  }
0x102: {  	v20 =	vld.idx.msk [tilespmem:v20+s2+$0x0], $0xffff  }
0x103: {  	v24 =	vld.idx.msk [tilespmem:v24+s2+$0x0], $0xffff;
	[tilespmem:v8+s12+$0x0] =	vst.idx.msk $0xffff, v25  }
0x104: {  	v25 =	vld [tilespmem:s22+$0x11470];
	_ =	sdelay $0x2  }
0x105: {  	v10 =	vsub.f32 v38, v10;
	_ =	sdelay $0x1  }
0x106: {  	v9 =	vadd.f32 v10, v9;
	v10 =	vsub.f32 v42, v11;
	v11 =	vand.u32 $0xFFFFFF80, v25  }
0x107: {  	v61 =	vor.u32 $0x41, v22;
	v62 =	vand.u32 $0x7F, v25;
	v11 =	vadd.s32 v22, v11  }
0x108: {  	v9 =	vadd.f32 v10, v9;
	v10 =	vsub.f32 v46, v12;
	v11 =	vor.u32 v62, v11;
	_ =	sdelay $0x1  }
0x109: {  	v9 =	vadd.f32 v10, v9;
	v10 =	vsub.f32 v50, v14;
	_ =	sdelay $0x1  }
0x10a: {  	v9 =	vadd.f32 v10, v9;
	v10 =	vsub.f32 v54, v16;
	v63 =	vld.idx.msk [tilespmem:v61+s2+$0x0], $0xffff  }
0x10b: {  	v11 =	vld.idx.msk [tilespmem:v11+s2+$0x0], $0xffff  }
0x10c: {  	v9 =	vadd.f32 v10, v9;
	v10 =	vsub.f32 v58, v18;
	_ =	sdelay $0x1  }
0x10d: {  	v9 =	vadd.f32 v10, v9;
	v10 =	vsub.f32 v20, v24  }
0x10e: {  	s31 =	sshll.u32 s18, $0xC  }
0x10f: {  	s22 =	sadd.s32 s31, s6;
	v9 =	vadd.f32 v10, v9;
	v10 =	vsub.f32 v63, v11  }
0x110: {  	[hbm4b:s22+s2] =	stream.linear.scatter [tilespmem:s12], [sflag:$0x1], $0x4000, $0x38;
	[tilespmem:$0x1B480] =	vst v63  }
0x111: {  	s22 =	simm.s32 @!p0 $0x2;
	v9 =	vadd.f32 v10, v9;
	v10 =	vmov s20  }
0x112: {  	_ =	swait.ge @!p0 [sflag:s22], $0x4000  }
0x113: {  	[sflag:s22] =	ssyncset.done @!p0 $0x0  }
0x114: {  	s23 =	simm.s32 $0x17800;
	[sflag:s22] =	ssyncadd.s32 @!p0 $0xFFFFC000;
	s22 =	simm.s32 $0x0  }
.LBB2_7:
0x115: {  	s24 =	sshra.s32 s22, $0x2  }
0x116: {  	v11 =	vld.idx.msk [tilespmem:v10+s24+$0x0 ss:$0x1], $0xffff;
	_ =	sdelay $0x4  }
0x117: {  	v11 =	vshll.u32 v11, $0x9  }
0x118: {  	v11 =	vshra.s32 v11, $0x2  }
0x119: {  	(v2sf) =	vpush v11, $0x0;
	_ =	sdelay $0x3  }
0x11a: {  	(v2sf) =	vpush v11, $0x1;
	_ =	sdelay $0x3  }
0x11b: {  	(v2sf) =	vpush v11, $0x2;
	_ =	sdelay $0x3  }
0x11c: {  	(v2sf) =	vpush v11, $0x3;
	_ =	sdelay $0x2  }
0x11d: {  	s28 =	spop (v2sf)  }
0x11e: {  	v12 =	vld [tilespmem:s28+$0x0]  }
0x11f: {  	v13 =	vld [tilespmem:s28+$0x10]  }
0x120: {  	v14 =	vld [tilespmem:s28+$0x20]  }
0x121: {  	v15 =	vld [tilespmem:s28+$0x30];
	s29 =	spop (v2sf)  }
0x122: {  	v16 =	vld [tilespmem:s29+$0x0]  }
0x123: {  	v17 =	vld [tilespmem:s29+$0x10]  }
0x124: {  	v18 =	vld [tilespmem:s29+$0x20]  }
0x125: {  	(v2sf) =	vpush v11, $0x4;
	v19 =	vld [tilespmem:s29+$0x30];
	s30 =	spop (v2sf)  }
0x126: {  	v20 =	vld [tilespmem:s30+$0x0]  }
0x127: {  	v21 =	vld [tilespmem:s30+$0x10]  }
0x128: {  	v22 =	vld [tilespmem:s30+$0x20]  }
0x129: {  	(v2sf) =	vpush v11, $0x5;
	v23 =	vld [tilespmem:s30+$0x30];
	s31 =	spop (v2sf)  }
0x12a: {  	v24 =	vld [tilespmem:s31+$0x0]  }
0x12b: {  	v25 =	vld [tilespmem:s31+$0x10]  }
0x12c: {  	v26 =	vld [tilespmem:s31+$0x20]  }
0x12d: {  	v27 =	vld [tilespmem:s31+$0x30];
	[tilespmem:s23+$0xFFFFFC00] =	vst v12  }
0x12e: {  	[tilespmem:s23+$0xFFFFFC10] =	vst v13  }
0x12f: {  	[tilespmem:s23+$0xFFFFFC20] =	vst v14  }
0x130: {  	[tilespmem:s23+$0xFFFFFC30] =	vst v15  }
0x131: {  	[tilespmem:s23+$0xFFFFFC80] =	vst v16  }
0x132: {  	[tilespmem:s23+$0xFFFFFC90] =	vst v17  }
0x133: {  	[tilespmem:s23+$0xFFFFFCA0] =	vst v18  }
0x134: {  	[tilespmem:s23+$0xFFFFFCB0] =	vst v19;
	s25 =	spop (v2sf);
	(v2sf) =	vpush v11, $0x6  }
0x135: {  	v12 =	vld [tilespmem:s25+$0x0]  }
0x136: {  	v13 =	vld [tilespmem:s25+$0x10]  }
0x137: {  	v14 =	vld [tilespmem:s25+$0x20]  }
0x138: {  	v15 =	vld [tilespmem:s25+$0x30];
	s26 =	spop (v2sf);
	(v2sf) =	vpush v11, $0x7  }
0x139: {  	v16 =	vld [tilespmem:s26+$0x0]  }
0x13a: {  	v17 =	vld [tilespmem:s26+$0x10]  }
0x13b: {  	v18 =	vld [tilespmem:s26+$0x20]  }
0x13c: {  	v19 =	vld [tilespmem:s26+$0x30];
	[tilespmem:s23+$0xFFFFFD00] =	vst v20  }
0x13d: {  	[tilespmem:s23+$0xFFFFFD80] =	vst v24  }
0x13e: {  	[tilespmem:s23+$0xFFFFFD10] =	vst v21  }
0x13f: {  	[tilespmem:s23+$0xFFFFFD90] =	vst v25  }
0x140: {  	[tilespmem:s23+$0xFFFFFD20] =	vst v22  }
0x141: {  	[tilespmem:s23+$0xFFFFFDA0] =	vst v26  }
0x142: {  	[tilespmem:s23+$0xFFFFFD30] =	vst v23  }
0x143: {  	[tilespmem:s23+$0xFFFFFDB0] =	vst v27;
	s28 =	spop (v2sf);
	(v2sf) =	vpush v11, $0x8  }
0x144: {  	v20 =	vld [tilespmem:s28+$0x0]  }
0x145: {  	v21 =	vld [tilespmem:s28+$0x10]  }
0x146: {  	v22 =	vld [tilespmem:s28+$0x20]  }
0x147: {  	v23 =	vld [tilespmem:s28+$0x30];
	s29 =	spop (v2sf);
	(v2sf) =	vpush v11, $0x9  }
0x148: {  	v24 =	vld [tilespmem:s29+$0x0]  }
0x149: {  	v25 =	vld [tilespmem:s29+$0x10]  }
0x14a: {  	v26 =	vld [tilespmem:s29+$0x20]  }
0x14b: {  	v27 =	vld [tilespmem:s29+$0x30];
	[tilespmem:s23+$0xFFFFFE00] =	vst v12  }
0x14c: {  	[tilespmem:s23+$0xFFFFFE80] =	vst v16  }
0x14d: {  	[tilespmem:s23+$0xFFFFFE10] =	vst v13  }
0x14e: {  	[tilespmem:s23+$0xFFFFFE90] =	vst v17  }
0x14f: {  	[tilespmem:s23+$0xFFFFFE20] =	vst v14  }
0x150: {  	[tilespmem:s23+$0xFFFFFEA0] =	vst v18  }
0x151: {  	[tilespmem:s23+$0xFFFFFE30] =	vst v15  }
0x152: {  	[tilespmem:s23+$0xFFFFFEB0] =	vst v19;
	s30 =	spop (v2sf);
	(v2sf) =	vpush v11, $0xA  }
0x153: {  	v12 =	vld [tilespmem:s30+$0x0]  }
0x154: {  	v13 =	vld [tilespmem:s30+$0x10]  }
0x155: {  	v14 =	vld [tilespmem:s30+$0x20]  }
0x156: {  	v15 =	vld [tilespmem:s30+$0x30];
	s31 =	spop (v2sf);
	(v2sf) =	vpush v11, $0xB  }
0x157: {  	v16 =	vld [tilespmem:s31+$0x0]  }
0x158: {  	v17 =	vld [tilespmem:s31+$0x10]  }
0x159: {  	v18 =	vld [tilespmem:s31+$0x20]  }
0x15a: {  	v19 =	vld [tilespmem:s31+$0x30];
	[tilespmem:s23+$0xFFFFFF00] =	vst v20  }
0x15b: {  	[tilespmem:s23+$0xFFFFFF80] =	vst v24  }
0x15c: {  	[tilespmem:s23+$0xFFFFFF10] =	vst v21  }
0x15d: {  	[tilespmem:s23+$0xFFFFFF90] =	vst v25  }
0x15e: {  	[tilespmem:s23+$0xFFFFFF20] =	vst v22  }
0x15f: {  	[tilespmem:s23+$0xFFFFFFA0] =	vst v26  }
0x160: {  	[tilespmem:s23+$0xFFFFFF30] =	vst v23  }
0x161: {  	[tilespmem:s23+$0xFFFFFFB0] =	vst v27;
	s25 =	spop (v2sf);
	(v2sf) =	vpush v11, $0xC  }
0x162: {  	v20 =	vld [tilespmem:s25+$0x0]  }
0x163: {  	v21 =	vld [tilespmem:s25+$0x10]  }
0x164: {  	v22 =	vld [tilespmem:s25+$0x20]  }
0x165: {  	v23 =	vld [tilespmem:s25+$0x30];
	s26 =	spop (v2sf);
	(v2sf) =	vpush v11, $0xD  }
0x166: {  	v24 =	vld [tilespmem:s26+$0x0]  }
0x167: {  	v25 =	vld [tilespmem:s26+$0x10]  }
0x168: {  	v26 =	vld [tilespmem:s26+$0x20]  }
0x169: {  	v27 =	vld [tilespmem:s26+$0x30];
	[tilespmem:s23+$0x0] =	vst v12  }
0x16a: {  	[tilespmem:s23+$0x80] =	vst v16  }
0x16b: {  	[tilespmem:s23+$0x10] =	vst v13  }
0x16c: {  	[tilespmem:s23+$0x90] =	vst v17  }
0x16d: {  	[tilespmem:s23+$0x20] =	vst v14  }
0x16e: {  	[tilespmem:s23+$0xA0] =	vst v18  }
0x16f: {  	[tilespmem:s23+$0x30] =	vst v15  }
0x170: {  	[tilespmem:s23+$0xB0] =	vst v19;
	s28 =	spop (v2sf);
	(v2sf) =	vpush v11, $0xE  }
0x171: {  	v12 =	vld [tilespmem:s28+$0x0]  }
0x172: {  	v13 =	vld [tilespmem:s28+$0x10]  }
0x173: {  	v14 =	vld [tilespmem:s28+$0x20]  }
0x174: {  	v15 =	vld [tilespmem:s28+$0x30];
	s29 =	spop (v2sf);
	(v2sf) =	vpush v11, $0xF  }
0x175: {  	v16 =	vld [tilespmem:s29+$0x0]  }
0x176: {  	v11 =	vld [tilespmem:s29+$0x10]  }
0x177: {  	v17 =	vld [tilespmem:s29+$0x20]  }
0x178: {  	v18 =	vld [tilespmem:s29+$0x30];
	[tilespmem:s23+$0x100] =	vst v20  }
0x179: {  	[tilespmem:s23+$0x180] =	vst v24  }
0x17a: {  	[tilespmem:s23+$0x110] =	vst v21  }
0x17b: {  	[tilespmem:s23+$0x190] =	vst v25  }
0x17c: {  	[tilespmem:s23+$0x120] =	vst v22  }
0x17d: {  	[tilespmem:s23+$0x1A0] =	vst v26  }
0x17e: {  	[tilespmem:s23+$0x130] =	vst v23  }
0x17f: {  	[tilespmem:s23+$0x1B0] =	vst v27;
	s30 =	spop (v2sf)  }
0x180: {  	v19 =	vld [tilespmem:s30+$0x0]  }
0x181: {  	v20 =	vld [tilespmem:s30+$0x10]  }
0x182: {  	v21 =	vld [tilespmem:s30+$0x20]  }
0x183: {  	v22 =	vld [tilespmem:s30+$0x30];
	s31 =	spop (v2sf)  }
0x184: {  	v23 =	vld [tilespmem:s31+$0x0]  }
0x185: {  	v24 =	vld [tilespmem:s31+$0x10]  }
0x186: {  	v25 =	vld [tilespmem:s31+$0x20]  }
0x187: {  	v26 =	vld [tilespmem:s31+$0x30];
	[tilespmem:s23+$0x200] =	vst v12  }
0x188: {  	[tilespmem:s23+$0x280] =	vst v16  }
0x189: {  	[tilespmem:s23+$0x210] =	vst v13  }
0x18a: {  	[tilespmem:s23+$0x290] =	vst v11  }
0x18b: {  	[tilespmem:s23+$0x220] =	vst v14  }
0x18c: {  	[tilespmem:s23+$0x2A0] =	vst v17  }
0x18d: {  	[tilespmem:s23+$0x230] =	vst v15  }
0x18e: {  	[tilespmem:s23+$0x2B0] =	vst v18  }
0x18f: {  	[tilespmem:s23+$0x300] =	vst v19  }
0x190: {  	[tilespmem:s23+$0x310] =	vst v20  }
0x191: {  	p0 =	sne.s32 s22, $0x1C0;
	[tilespmem:s23+$0x320] =	vst v21  }
.Ltmp2:
0x192: {  	[tilespmem:s23+$0x330] =	vst v22;
	(pc) =	sbr.rel @p0 .LBB2_7-.Ltmp2, $4  }
0x193: {  	[tilespmem:s23+$0x380] =	vst v23  }
0x194: {  	[tilespmem:s23+$0x390] =	vst v24  }
0x195: {  	[tilespmem:s23+$0x3A0] =	vst v25  }
0x196: {  	s22 =	sadd.s32 $0x40, s22;
	[tilespmem:s23+$0x3B0] =	vst v26;
	s23 =	sadd.s32 $0x800, s23  }
0x197: {  	s22 =	sshll.u32 s21, $0x7  }
0x198: {  	v10 =	vld [tilespmem:s22+$0x12400];
	_ =	sdelay $0x4  }
0x199: {  	v10 =	vshll.u32 v10, $0x7  }
0x19a: {  	v11 =	vor.u32 $0x40, v10;
	_ =	sdelay $0x4  }
0x19b: {  	v11 =	vld.idx.msk [tilespmem:v11+s2+$0x0], $0xffff;
	_ =	sdelay $0x4  }
0x19c: {  	[tilespmem:v1+s13+$0x0] =	vst.idx.msk $0xffff, v11  }
0x19d: {  	v11 =	vld [tilespmem:s22+$0x12410];
	_ =	sdelay $0x3  }
0x19e: {  	v12 =	vld [tilespmem:s22+$0x11400]  }
0x19f: {  	v11 =	vshll.u32 v11, $0x7  }
0x1a0: {  	v13 =	vor.u32 $0x40, v11;
	_ =	sdelay $0x2  }
0x1a1: {  	v14 =	vand.u32 $0xFFFFFF80, v12  }
0x1a2: {  	v15 =	vor.u32 $0x41, v10;
	v12 =	vand.u32 $0x7F, v12;
	v10 =	vadd.s32 v10, v14  }
0x1a3: {  	v10 =	vor.u32 v12, v10;
	v35 =	vld.idx.msk [tilespmem:v13+s2+$0x0], $0xffff;
	_ =	sdelay $0x3  }
0x1a4: {  	v36 =	vld.idx.msk [tilespmem:v15+s2+$0x0], $0xffff  }
0x1a5: {  	v10 =	vld.idx.msk [tilespmem:v10+s2+$0x0], $0xffff;
	[tilespmem:v2+s13+$0x0] =	vst.idx.msk $0xffff, v35  }
0x1a6: {  	v12 =	vld [tilespmem:s22+$0x12420];
	_ =	sdelay $0x3  }
0x1a7: {  	v37 =	vld [tilespmem:s22+$0x11410]  }
0x1a8: {  	v12 =	vshll.u32 v12, $0x7  }
0x1a9: {  	v38 =	vor.u32 $0x40, v12;
	_ =	sdelay $0x2  }
0x1aa: {  	v16 =	vand.u32 $0xFFFFFF80, v37  }
0x1ab: {  	v17 =	vor.u32 $0x41, v11;
	v14 =	vand.u32 $0x7F, v37;
	v11 =	vadd.s32 v11, v16  }
0x1ac: {  	v11 =	vor.u32 v14, v11;
	v39 =	vld.idx.msk [tilespmem:v38+s2+$0x0], $0xffff;
	_ =	sdelay $0x3  }
0x1ad: {  	v40 =	vld.idx.msk [tilespmem:v17+s2+$0x0], $0xffff  }
0x1ae: {  	v11 =	vld.idx.msk [tilespmem:v11+s2+$0x0], $0xffff;
	[tilespmem:v3+s13+$0x0] =	vst.idx.msk $0xffff, v39  }
0x1af: {  	v14 =	vld [tilespmem:s22+$0x12430];
	_ =	sdelay $0x3  }
0x1b0: {  	v41 =	vld [tilespmem:s22+$0x11420]  }
0x1b1: {  	v14 =	vshll.u32 v14, $0x7  }
0x1b2: {  	v42 =	vor.u32 $0x40, v14;
	_ =	sdelay $0x2  }
0x1b3: {  	v18 =	vand.u32 $0xFFFFFF80, v41  }
0x1b4: {  	v19 =	vor.u32 $0x41, v12;
	v16 =	vand.u32 $0x7F, v41;
	v12 =	vadd.s32 v12, v18  }
0x1b5: {  	v12 =	vor.u32 v16, v12;
	v43 =	vld.idx.msk [tilespmem:v42+s2+$0x0], $0xffff;
	_ =	sdelay $0x3  }
0x1b6: {  	v44 =	vld.idx.msk [tilespmem:v19+s2+$0x0], $0xffff  }
0x1b7: {  	v12 =	vld.idx.msk [tilespmem:v12+s2+$0x0], $0xffff;
	[tilespmem:v4+s13+$0x0] =	vst.idx.msk $0xffff, v43  }
0x1b8: {  	v16 =	vld [tilespmem:s22+$0x12440];
	_ =	sdelay $0x3  }
0x1b9: {  	v45 =	vld [tilespmem:s22+$0x11430]  }
0x1ba: {  	v16 =	vshll.u32 v16, $0x7  }
0x1bb: {  	v46 =	vor.u32 $0x40, v16;
	_ =	sdelay $0x2  }
0x1bc: {  	v20 =	vand.u32 $0xFFFFFF80, v45  }
0x1bd: {  	v21 =	vor.u32 $0x41, v14;
	v18 =	vand.u32 $0x7F, v45;
	v14 =	vadd.s32 v14, v20  }
0x1be: {  	v14 =	vor.u32 v18, v14;
	v47 =	vld.idx.msk [tilespmem:v46+s2+$0x0], $0xffff;
	_ =	sdelay $0x3  }
0x1bf: {  	v48 =	vld.idx.msk [tilespmem:v21+s2+$0x0], $0xffff  }
0x1c0: {  	v14 =	vld.idx.msk [tilespmem:v14+s2+$0x0], $0xffff;
	[tilespmem:v5+s13+$0x0] =	vst.idx.msk $0xffff, v47  }
0x1c1: {  	v18 =	vld [tilespmem:s22+$0x12450];
	_ =	sdelay $0x3  }
0x1c2: {  	v49 =	vld [tilespmem:s22+$0x11440]  }
0x1c3: {  	v18 =	vshll.u32 v18, $0x7  }
0x1c4: {  	v50 =	vor.u32 $0x40, v18;
	_ =	sdelay $0x2  }
0x1c5: {  	v22 =	vand.u32 $0xFFFFFF80, v49  }
0x1c6: {  	v23 =	vor.u32 $0x41, v16;
	v20 =	vand.u32 $0x7F, v49;
	v16 =	vadd.s32 v16, v22  }
0x1c7: {  	v16 =	vor.u32 v20, v16;
	v51 =	vld.idx.msk [tilespmem:v50+s2+$0x0], $0xffff;
	_ =	sdelay $0x3  }
0x1c8: {  	v52 =	vld.idx.msk [tilespmem:v23+s2+$0x0], $0xffff  }
0x1c9: {  	v16 =	vld.idx.msk [tilespmem:v16+s2+$0x0], $0xffff;
	[tilespmem:v6+s13+$0x0] =	vst.idx.msk $0xffff, v51  }
0x1ca: {  	v20 =	vld [tilespmem:s22+$0x12460];
	_ =	sdelay $0x3  }
0x1cb: {  	v53 =	vld [tilespmem:s22+$0x11450]  }
0x1cc: {  	v20 =	vshll.u32 v20, $0x7  }
0x1cd: {  	v54 =	vor.u32 $0x40, v20;
	_ =	sdelay $0x2  }
0x1ce: {  	v24 =	vand.u32 $0xFFFFFF80, v53  }
0x1cf: {  	v25 =	vor.u32 $0x41, v18;
	v22 =	vand.u32 $0x7F, v53;
	v18 =	vadd.s32 v18, v24  }
0x1d0: {  	v18 =	vor.u32 v22, v18;
	v55 =	vld.idx.msk [tilespmem:v54+s2+$0x0], $0xffff;
	_ =	sdelay $0x3  }
0x1d1: {  	v56 =	vld.idx.msk [tilespmem:v25+s2+$0x0], $0xffff  }
0x1d2: {  	v18 =	vld.idx.msk [tilespmem:v18+s2+$0x0], $0xffff;
	[tilespmem:v7+s13+$0x0] =	vst.idx.msk $0xffff, v55  }
0x1d3: {  	v22 =	vld [tilespmem:s22+$0x12470];
	_ =	sdelay $0x3  }
0x1d4: {  	v57 =	vld [tilespmem:s22+$0x11460]  }
0x1d5: {  	v22 =	vshll.u32 v22, $0x7  }
0x1d6: {  	v58 =	vor.u32 $0x40, v22;
	_ =	sdelay $0x2  }
0x1d7: {  	v26 =	vand.u32 $0xFFFFFF80, v57  }
0x1d8: {  	v27 =	vor.u32 $0x41, v20;
	v24 =	vand.u32 $0x7F, v57;
	v20 =	vadd.s32 v20, v26  }
0x1d9: {  	v20 =	vor.u32 v24, v20;
	v59 =	vld.idx.msk [tilespmem:v58+s2+$0x0], $0xffff;
	_ =	sdelay $0x3  }
0x1da: {  	v60 =	vld.idx.msk [tilespmem:v27+s2+$0x0], $0xffff  }
0x1db: {  	v20 =	vld.idx.msk [tilespmem:v20+s2+$0x0], $0xffff;
	[tilespmem:v8+s13+$0x0] =	vst.idx.msk $0xffff, v59  }
0x1dc: {  	v24 =	vld [tilespmem:s22+$0x11470];
	_ =	sdelay $0x2  }
0x1dd: {  	v10 =	vsub.f32 v36, v10;
	_ =	sdelay $0x1  }
0x1de: {  	v9 =	vadd.f32 v10, v9;
	v10 =	vsub.f32 v40, v11;
	v61 =	vand.u32 $0xFFFFFF80, v24  }
0x1df: {  	v11 =	vor.u32 $0x41, v22;
	v62 =	vand.u32 $0x7F, v24;
	v13 =	vadd.s32 v22, v61  }
0x1e0: {  	v9 =	vadd.f32 v10, v9;
	v10 =	vsub.f32 v44, v12;
	v13 =	vor.u32 v62, v13;
	_ =	sdelay $0x1  }
0x1e1: {  	v9 =	vadd.f32 v10, v9;
	v10 =	vsub.f32 v48, v14;
	_ =	sdelay $0x1  }
0x1e2: {  	v9 =	vadd.f32 v10, v9;
	v10 =	vsub.f32 v52, v16;
	v11 =	vld.idx.msk [tilespmem:v11+s2+$0x0], $0xffff  }
0x1e3: {  	v63 =	vld.idx.msk [tilespmem:v13+s2+$0x0], $0xffff  }
0x1e4: {  	s18 =	sadd.s32 $0x1, s18;
	v9 =	vadd.f32 v10, v9;
	v10 =	vsub.f32 v56, v18  }
0x1e5: {  	p0 =	sne.s32 s18, $0x10  }
.Ltmp3:
0x1e6: {  	v9 =	vadd.f32 v10, v9;
	v10 =	vsub.f32 v60, v20;
	(pc) =	sbr.rel @p0 .LBB2_4-.Ltmp3, $4  }
0x1e7: {  	_ = 	snop  }
0x1e8: {  	s31 =	sshll.u32 s21, $0xB;
	v9 =	vadd.f32 v10, v9;
	v10 =	vsub.f32 v11, v63  }
0x1e9: {  	s19 =	sadd.s32 $0x100, s19;
	s20 =	sadd.s32 $0x100, s20;
	s21 =	sadd.s32 s31, s6  }
0x1ea: {  	[hbm4b:s21+s2] =	stream.linear.scatter [tilespmem:s13], [sflag:$0x2], $0x4000, $0x38;
	v9 =	vadd.f32 v10, v9;
	[tilespmem:$0x1B480] =	vst v63  }
0x1eb: {  	_ = 	snop  }
0x1ec: {  	[tilespmem:$0x1B400] =	vst v9  }
0x1ed: {  	[hbm4b:s7+s2] =	stream.linear.scatter [tilespmem:s14], [sflag:$0x3], $0x80, $0x38;
	[tilespmem:$0x1B480] =	vst v63  }
0x1ee: {  	_ =	swait.ge [sflag:s9], $0x80  }
0x1ef: {  	[sflag:s9] =	ssyncset.done $0x0  }
0x1f0: {  	s17 =	sadd.s32 $0x1, s17;
	[sflag:s9] =	ssyncadd.s32 $0xFFFFFF80  }
0x1f1: {  	p0 =	sne.s32 s17, s8;
	_ =	swait.ge [sflag:s15], $0x4000  }
.Ltmp4:
0x1f2: {  	[sflag:s15] =	ssyncset.done $0x0;
	(pc) =	sbr.rel @p0 .LBB2_1-.Ltmp4, $4  }
0x1f3: {  	[sflag:s15] =	ssyncadd.s32 $0xFFFFC000  }
0x1f4: {  	_ =	swait.ge [sflag:s16], $0x4000  }
0x1f5: {  	[sflag:s16] =	ssyncset.done $0x0  }
0x1f6: {  	[sflag:s16] =	ssyncadd.s32 $0xFFFFC000  }
0x1f7: {  	_ =	sfence.sel $0x180000  }
0x1f8: {  	[bflag:$0x0] =	sbarrier.arrive $0xFFFF  }
0x1f9: {  	p0 =	sne.s32 s0, $0x0;
	_ =	strace $0x90000047  }
0x1fa: {  	s0 =	sadd.s32 @!p0 $0x100000, s1;
	[bflag:$0x2] =	sbarrier.arrive $0xFFFF  }
0x1fb: {  	[sflag:s0] =	ssyncadd.tile.s32 @!p0 $0x1;
	_ =	shalt  }
.Lfunc_end2:
_tile_overlayer_lowered:
.L_overlay_start_2:
0x1fc: {  	(tag) =	ssettag $0x2  }
0x1fd: {  	s0 =	rddreg [dreg:$0x0];
	s2 =	stileid.u32  }
0x1fe: {  	s1 =	rddreg [dreg:$0x1];
	p0 =	sne.s32 s2, $0x0  }
0x1ff: {  	s3 =	rddreg [dreg:$0x2];
	[bflag:$0x3] =	sbarrier.arrive $0xFFFF;
	s2 =	simm.s32 @!p0 $0x1C03  }
0x200: {  	[timem:s3], [sflag:s2] =	dma.local @!p0 [hbm:s0], s1  }
0x201: {  	s0 =	simm.s32 @!p0 $0x3  }
0x202: {  	_ =	swait.ge @!p0 [sflag:s0], s1  }
0x203: {  	s1 =	ssub.s32 @!p0 $0x0, s1;
	[sflag:s0] =	ssyncset.done @!p0 $0x0  }
0x204: {  	[sflag:s0] =	ssyncadd.s32 @!p0 s1  }
0x205: {  	[bflag:$0x3] =	sbarrier.arrive $0xFFFF  }
0x206: {  	_ =	shalt  }

</sc_bundles>
